<compile_context>
chip_gen: v7x
topology: tpu7x:2x2x1
jax: 0.10.2.dev20260603
libtpu: 0.0.44.dev20260713+nightly
codegen_flags: <defaults>
</compile_context>

<pallas_src>
import functools

import jax
import jax.numpy as jnp
from jax import lax
from jax.experimental import pallas as pl
from jax.experimental.pallas import tpu as pltpu
from jax.experimental.pallas import tpu_sc as plsc

B, N1, N2, C = 8, 4096, 1024, 128
EPS = 1e-5
BLK = 512
NB = N1 // BLK
NBLK = B * NB
CHQ = 128
NW = 32
BLK_PER_W = NBLK // NW
BLKA = 1024
NBA = N1 // BLKA
BLKB = 2048
NBB = N1 // BLKB
NTOT = B * N1


def _k1_body(x1_ref, x2_ref, gidx_ref, wq_ref):
    b = pl.program_id(0)
    d = None
    for c in range(3):
        t = x1_ref[0, c, :][:, None] - x2_ref[0, c, :][None, :]
        d = t * t if d is None else d + t * t
    it2 = lax.broadcasted_iota(jnp.int32, (N2, 2), 0)
    itcols = jnp.where(lax.broadcasted_iota(jnp.int32, (N2, 2), 1) == 0,
                       it2 >> 5, it2 & 31).astype(jnp.float32)
    inf = jnp.float32(jnp.inf)
    ws = []
    for k in range(3):
        m = jnp.min(d, axis=1, keepdims=True)
        onef = jnp.where(d == m, 1.0, 0.0)
        ikf = lax.dot_general(onef, itcols, (((1,), (0,)), ((), ())),
                              preferred_element_type=jnp.float32)
        iki = ikf.astype(jnp.int32)
        ik = jnp.minimum((iki[:, 0:1] << 5) + iki[:, 1:2], N2 - 1)
        gidx_ref[0, pl.ds(k * BLK, BLK), :] = ik + b * N2
        ws.append(1.0 / m)
        if k < 2:
            d = jnp.where(d == m, inf, d)
    s = (ws[0] + ws[1]) + ws[2]
    for k in range(3):
        wq_ref[0, pl.ds(k * BLK, BLK), :] = ws[k] / s


def _k1(xyz1t, xyz2t):
    return pl.pallas_call(
        _k1_body,
        grid=(B, NB),
        in_specs=[
            pl.BlockSpec((1, 3, BLK), lambda b, j: (b, 0, j)),
            pl.BlockSpec((1, 3, N2), lambda b, j: (b, 0, 0)),
        ],
        out_specs=[
            pl.BlockSpec((1, 3 * BLK, 1), lambda b, j: (b * NB + j, 0, 0)),
            pl.BlockSpec((1, 3 * BLK, 1), lambda b, j: (b * NB + j, 0, 0)),
        ],
        out_shape=[
            jax.ShapeDtypeStruct((NBLK, 3 * BLK, 1), jnp.int32),
            jax.ShapeDtypeStruct((NBLK, 3 * BLK, 1), jnp.float32),
        ],
    )(xyz1t, xyz2t)


def _sc_body(table_hbm, gidx_hbm, gath_hbm, gidx_v, rows0, rows1, rows2, sem):
    wid = lax.axis_index("s") * 2 + lax.axis_index("c")
    rows = (rows0, rows1, rows2)
    for half in range(BLK_PER_W):
        blk = wid * BLK_PER_W + half
        pltpu.sync_copy(gidx_hbm.at[blk], gidx_v)
        for t in range(BLK // CHQ):
            cps = [
                pltpu.async_copy(
                    table_hbm.at[gidx_v.at[pl.ds(k * BLK + t * CHQ, CHQ)]],
                    rows[k], sem)
                for k in range(3)
            ]
            for cp in cps:
                cp.wait()
            for k in range(3):
                pltpu.sync_copy(
                    rows[k], gath_hbm.at[blk, k, pl.ds(t * CHQ, CHQ)])


def _sc_gather(table, gidx):
    kern = pl.kernel(
        _sc_body,
        out_type=jax.ShapeDtypeStruct((NBLK, 3, BLK, C), jnp.float32),
        mesh=plsc.VectorSubcoreMesh(core_axis_name="c", subcore_axis_name="s",
                                    num_cores=2, num_subcores=16),
        scratch_types=[
            pltpu.VMEM((3 * BLK,), jnp.int32),
            pltpu.VMEM((CHQ, C), jnp.float32),
            pltpu.VMEM((CHQ, C), jnp.float32),
            pltpu.VMEM((CHQ, C), jnp.float32),
            pltpu.SemaphoreType.DMA,
        ],
    )
    return kern(table, gidx.reshape(NBLK, 3 * BLK))


def _accum_stats(h, s_ref, q_ref):
    s_blk = jnp.sum(h, axis=1, keepdims=True)
    q_blk = jnp.sum(h * h, axis=1, keepdims=True)
    first = (pl.program_id(0) == 0) & (pl.program_id(1) == 0)

    @pl.when(first)
    def _():
        s_ref[...] = s_blk
        q_ref[...] = q_blk

    @pl.when(jnp.logical_not(first))
    def _():
        s_ref[...] = s_ref[...] + s_blk
        q_ref[...] = q_ref[...] + q_blk


def _bn_affine(s_ref, q_ref, g_ref, be_ref):
    mean = s_ref[...] * (1.0 / NTOT)
    var = q_ref[...] * (1.0 / NTOT) - mean * mean
    a = g_ref[...] / jnp.sqrt(var + EPS)
    c = be_ref[...] - mean * a
    return a, c


def _k2_body(p1_ref, g_ref, wq_ref, pb_ref, w_ref, b_ref, h_ref, s_ref, q_ref):
    fs = []
    for u in range(BLKA // BLK):
        wk = [wq_ref[u, pl.ds(k * BLK, BLK), :] for k in range(3)]
        fs.append((wk[0] * g_ref[u, 0] + wk[1] * g_ref[u, 1])
                  + wk[2] * g_ref[u, 2])
    fused = jnp.concatenate(fs, axis=0)
    w = w_ref[...]
    h = lax.dot_general(w[:, :C], p1_ref[0], (((1,), (0,)), ((), ())),
                        preferred_element_type=jnp.float32)
    h = h + lax.dot_general(w[:, C:2 * C], fused, (((1,), (1,)), ((), ())),
                            preferred_element_type=jnp.float32)
    h = h + lax.dot_general(w[:, 2 * C:], pb_ref[0], (((1,), (0,)), ((), ())),
                            preferred_element_type=jnp.float32)
    h = h + b_ref[...]
    h_ref[0] = h.astype(jnp.bfloat16)
    _accum_stats(h, s_ref, q_ref)


def _k2(points1, gath, wq, points_b1, W0, b0c):
    co = W0.shape[0]
    bpa = BLKA // BLK
    return pl.pallas_call(
        _k2_body,
        grid=(B, NBA),
        in_specs=[
            pl.BlockSpec((1, C, BLKA), lambda b, j: (b, 0, j)),
            pl.BlockSpec((bpa, 3, BLK, C), lambda b, j: (b * NBA + j, 0, 0, 0)),
            pl.BlockSpec((bpa, 3 * BLK, 1), lambda b, j: (b * NBA + j, 0, 0)),
            pl.BlockSpec((1, C, BLKA), lambda b, j: (b, 0, j)),
            pl.BlockSpec((co, 3 * C), lambda b, j: (0, 0)),
            pl.BlockSpec((co, 1), lambda b, j: (0, 0)),
        ],
        out_specs=[
            pl.BlockSpec((1, co, BLKA), lambda b, j: (b, 0, j)),
            pl.BlockSpec((co, 1), lambda b, j: (0, 0)),
            pl.BlockSpec((co, 1), lambda b, j: (0, 0)),
        ],
        out_shape=[
            jax.ShapeDtypeStruct((B, co, N1), jnp.bfloat16),
            jax.ShapeDtypeStruct((co, 1), jnp.float32),
            jax.ShapeDtypeStruct((co, 1), jnp.float32),
        ],
    )(points1, gath, wq, points_b1, W0, b0c)


def _k3_body(h0_ref, s0_ref, q0_ref, g0_ref, be0_ref, w_ref, b_ref,
             h_ref, s_ref, q_ref):
    a, c = _bn_affine(s0_ref, q0_ref, g0_ref, be0_ref)
    xh = jnp.maximum(h0_ref[0].astype(jnp.float32) * a + c, 0.0)
    h = lax.dot_general(w_ref[...], xh, (((1,), (0,)), ((), ())),
                        preferred_element_type=jnp.float32)
    h = h + b_ref[...]
    h_ref[0] = h.astype(jnp.bfloat16)
    _accum_stats(h, s_ref, q_ref)


def _k3(h0, s0, q0, g0c, be0c, W1, b1c):
    ci, co = W1.shape[1], W1.shape[0]
    return pl.pallas_call(
        _k3_body,
        grid=(B, NBA),
        in_specs=[
            pl.BlockSpec((1, ci, BLKA), lambda b, j: (b, 0, j)),
            pl.BlockSpec((ci, 1), lambda b, j: (0, 0)),
            pl.BlockSpec((ci, 1), lambda b, j: (0, 0)),
            pl.BlockSpec((ci, 1), lambda b, j: (0, 0)),
            pl.BlockSpec((ci, 1), lambda b, j: (0, 0)),
            pl.BlockSpec((co, ci), lambda b, j: (0, 0)),
            pl.BlockSpec((co, 1), lambda b, j: (0, 0)),
        ],
        out_specs=[
            pl.BlockSpec((1, co, BLKA), lambda b, j: (b, 0, j)),
            pl.BlockSpec((co, 1), lambda b, j: (0, 0)),
            pl.BlockSpec((co, 1), lambda b, j: (0, 0)),
        ],
        out_shape=[
            jax.ShapeDtypeStruct((B, co, N1), jnp.bfloat16),
            jax.ShapeDtypeStruct((co, 1), jnp.float32),
            jax.ShapeDtypeStruct((co, 1), jnp.float32),
        ],
    )(h0, s0, q0, g0c, be0c, W1, b1c)


def _k4_body(h1_ref, s1_ref, q1_ref, g1_ref, be1_ref, o_ref):
    a, c = _bn_affine(s1_ref, q1_ref, g1_ref, be1_ref)
    y = h1_ref[0].astype(jnp.float32) * a + c
    o_ref[0, 0, :] = jnp.maximum(jnp.max(y, axis=0), 0.0)


def _k4(h1, s1, q1, g1c, be1c):
    ci = h1.shape[1]
    return pl.pallas_call(
        _k4_body,
        grid=(B, NBB),
        in_specs=[
            pl.BlockSpec((1, ci, BLKB), lambda b, j: (b, 0, j)),
            pl.BlockSpec((ci, 1), lambda b, j: (0, 0)),
            pl.BlockSpec((ci, 1), lambda b, j: (0, 0)),
            pl.BlockSpec((ci, 1), lambda b, j: (0, 0)),
            pl.BlockSpec((ci, 1), lambda b, j: (0, 0)),
        ],
        out_specs=pl.BlockSpec((1, 1, BLKB), lambda b, j: (b, 0, j)),
        out_shape=jax.ShapeDtypeStruct((B, 1, N1), jnp.float32),
    )(h1, s1, q1, g1c, be1c)


def kernel(xyz1, xyz2, points2, points1, points_b1,
           W0, b0, gamma0, beta0, W1, b1, gamma1, beta1):
    xyz1t = jnp.transpose(xyz1, (0, 2, 1))
    xyz2t = jnp.transpose(xyz2, (0, 2, 1))
    table = jnp.transpose(points2, (0, 2, 1)).reshape(B * N2, C)

    gidx, wq = _k1(xyz1t, xyz2t)
    gath = _sc_gather(table, gidx)

    h0, s0, q0 = _k2(points1, gath, wq, points_b1, W0, b0[:, None])
    h1, s1, q1 = _k3(h0, s0, q0, gamma0[:, None], beta0[:, None],
                     W1, b1[:, None])
    out = _k4(h1, s1, q1, gamma1[:, None], beta1[:, None])
    return out.reshape(B, N1)

# --- scband reference (transcript-rebuilt; emitter-appended) ---
"""Pipeline reference for scband-feature-propagation-446676599134 (READ-ONLY COPY).

The authoritative reference and input builder live on the scoring server;
editing this copy changes nothing except your own understanding.
"""

import jax, jax.numpy as jnp
import numpy as np

B, N1, N2, C = 8, 4096, 1024, 128
EPS = 1e-5


def setup_inputs(seed: int = 0):
    key = jax.random.key(seed)
    ks = jax.random.split(key, 12)
    inp = {}
    inp['xyz1'] = jax.random.uniform(ks[0], (B, N1, 3), dtype=jnp.float32)
    inp['xyz2'] = jax.random.uniform(ks[1], (B, N2, 3), dtype=jnp.float32)
    inp['points2'] = jax.random.normal(ks[2], (B, C, N2), dtype=jnp.float32)
    inp['points1'] = jax.random.normal(ks[3], (B, C, N1), dtype=jnp.float32)
    inp['points_b1'] = jax.random.normal(ks[4], (B, C, N1), dtype=jnp.float32)
    mlp = [256, 128]
    last = 3 * C
    for i, out in enumerate(mlp):
        inp['W%d' % i] = jax.random.normal(ks[5 + 2 * i], (out, last), dtype=jnp.float32) * (1.0 / np.sqrt(last))
        inp['b%d' % i] = jnp.zeros((out,), dtype=jnp.float32)
        inp['gamma%d' % i] = jnp.ones((out,), dtype=jnp.float32)
        inp['beta%d' % i] = jnp.zeros((out,), dtype=jnp.float32)
        last = out
    return inp


def _bn_train(x, gamma, beta):
    # training-mode BatchNorm over (batch, points) per channel, eps matches torch default
    mean = jnp.mean(x, axis=(0, 2), keepdims=True)
    var = jnp.mean((x - mean) ** 2, axis=(0, 2), keepdims=True)
    xhat = (x - mean) / jnp.sqrt(var + EPS)
    return xhat * gamma[None, :, None] + beta[None, :, None]


def reference(xyz1, xyz2, points2, points1, points_b1, W0, b0, gamma0, beta0, W1, b1, gamma1, beta1):
    # square_distance: (B, N1, N2)
    diff = xyz1[:, :, None, :] - xyz2[:, None, :, :]
    dists = jnp.sum(diff * diff, axis=3)
    # 3 nearest neighbors, ascending distance (equivalent to sort + [:, :, :3])
    neg_top, idx = jax.lax.top_k(-dists, 3)
    d3 = -neg_top  # (B, N1, 3)
    # gather upper-level features: points2 (B, C, N2) -> (B, N2, C) -> (B, N1, 3, C)
    p2t = jnp.transpose(points2, (0, 2, 1))
    gathered = jnp.take_along_axis(p2t[:, None, :, :], idx[:, :, :, None], axis=2)
    # inverse-distance weights
    w = 1.0 / d3
    w = w / jnp.sum(w, axis=2, keepdims=True)
    fused = jnp.sum(w[:, :, :, None] * gathered, axis=2)  # (B, N1, C)
    fused = jnp.transpose(fused, (0, 2, 1))  # (B, C, N1)
    # concat [points1, interpolated, points_b1] along channels -> (B, 3C, N1)
    x = jnp.concatenate([points1, fused, points_b1], axis=1)
    # 1x1 conv + BN + relu MLP stack
    for (W, b, g, be) in ((W0, b0, gamma0, beta0), (W1, b1, gamma1, beta1)):
        x = jnp.einsum('oi,bin->bon', W, x) + b[None, :, None]
        x = jax.nn.relu(_bn_train(x, g, be))
    # final channelwise max pooling: torch.max(new_points, dim=1)[0] -> (B, N1)
    return jnp.max(x, axis=1)

if __name__ == "__main__":
    import jax
    _d = setup_inputs()
    print(jax.jit(kernel)(*tuple(_d.values())))

</pallas_src>

<mosaic_0001>
#map = affine_map<(d0, d1) -> (0, 0)>
#map1 = affine_map<(d0, d1) -> (0, 0, 0, 0)>
module attributes {stable_mosaic.version = 14 : i64} {
  func.func @_sc_body(%arg0: i32, %arg1: i32, %arg2: memref<8192x128xf32, #tpu.memory_space<hbm>>, %arg3: memref<64x1536xi32, #tpu.memory_space<hbm>>, %arg4: memref<64x3x512x128xf32, #tpu.memory_space<hbm>>, %arg5: memref<1536xi32, #tpu.memory_space<vmem>>, %arg6: memref<128x128xf32, #tpu.memory_space<vmem>>, %arg7: memref<128x128xf32, #tpu.memory_space<vmem>>, %arg8: memref<128x128xf32, #tpu.memory_space<vmem>>, %arg9: memref<!tpu.dma_semaphore, #tpu.memory_space<semaphore_mem>>) attributes {dimension_semantics = [#tpu.dimension_semantics<core_parallel>, #tpu.dimension_semantics<subcore_parallel>], iteration_bounds = array<i64: 2, 16>, scalar_prefetch = 0 : i64, scratch_operands = 5 : i64, tpu.core_type = #tpu.core_type<sc_vector_subcore>, window_params = [{transform_indices = #map}, {transform_indices = #map}, {transform_indices = #map1}]} {
    %mul3A = arith.constant 2 : i32
    %mul3A_0 = arith.muli %arg1, %mul3A : i32
    %add3A = arith.addi %mul3A_0, %arg0 : i32
    %mul3A_1 = arith.constant 2 : i32
    %mul3A_2 = arith.muli %add3A, %mul3A_1 : i32
    %add3A_3 = arith.constant 0 : i32
    %add3A_4 = arith.addi %mul3A_2, %add3A_3 : i32
    "tpu.region"() ({
      %run_scoped3A_270 = tpu.sem_alloc : memref<!tpu.dma_semaphore, #tpu.memory_space<semaphore_mem>>
      %dma_start3A_271 = arith.constant 0 : i32
      %dma_start3A_272 = tpu.memref_slice %arg3[%add3A_4, %dma_start3A_271] : memref<64x1536xi32, #tpu.memory_space<hbm>> -> memref<1x1536xi32, #tpu.memory_space<hbm>>
      %dma_start3A_273 = tpu.memref_squeeze %dma_start3A_272 : memref<1x1536xi32, #tpu.memory_space<hbm>> -> memref<1536xi32, #tpu.memory_space<hbm>>
      %dma_start3A_274 = arith.constant 0 : i32
      %dma_start3A_275 = tpu.memref_slice %arg3[%add3A_4, %dma_start3A_274] : memref<64x1536xi32, #tpu.memory_space<hbm>> -> memref<1x1536xi32, #tpu.memory_space<hbm>>
      %dma_start3A_276 = tpu.memref_squeeze %dma_start3A_275 : memref<1x1536xi32, #tpu.memory_space<hbm>> -> memref<1536xi32, #tpu.memory_space<hbm>>
      tpu.enqueue_dma source(%dma_start3A_276 : memref<1536xi32, #tpu.memory_space<hbm>>) target(%arg5 : memref<1536xi32, #tpu.memory_space<vmem>>) target_semaphore(%run_scoped3A_270 : memref<!tpu.dma_semaphore, #tpu.memory_space<semaphore_mem>>)
      %dma_wait3A_277 = arith.constant 0 : i32
      %dma_wait3A_278 = tpu.memref_slice %arg3[%add3A_4, %dma_wait3A_277] : memref<64x1536xi32, #tpu.memory_space<hbm>> -> memref<1x1536xi32, #tpu.memory_space<hbm>>
      %dma_wait3A_279 = tpu.memref_squeeze %dma_wait3A_278 : memref<1x1536xi32, #tpu.memory_space<hbm>> -> memref<1536xi32, #tpu.memory_space<hbm>>
      %dma_wait3A_280 = arith.constant 0 : i32
      %dma_wait3A_281 = tpu.memref_slice %arg3[%add3A_4, %dma_wait3A_280] : memref<64x1536xi32, #tpu.memory_space<hbm>> -> memref<1x1536xi32, #tpu.memory_space<hbm>>
      %dma_wait3A_282 = tpu.memref_squeeze %dma_wait3A_281 : memref<1x1536xi32, #tpu.memory_space<hbm>> -> memref<1536xi32, #tpu.memory_space<hbm>>
      tpu.wait_dma2 semaphore(%run_scoped3A_270 : memref<!tpu.dma_semaphore, #tpu.memory_space<semaphore_mem>>) src(%dma_wait3A_282 : memref<1536xi32, #tpu.memory_space<hbm>>) dst(%arg5 : memref<1536xi32, #tpu.memory_space<vmem>>)
      tpu.yield
    }) : () -> ()
    %dma_start3A = arith.constant 0 : i32
    %dma_start3A_5 = tpu.memref_slice %arg5[%dma_start3A] : memref<1536xi32, #tpu.memory_space<vmem>> -> memref<128xi32, #tpu.memory_space<vmem>>
    %dma_start3A_6 = arith.constant 0 : i32
    %dma_start3A_7 = arith.constant 0 : i32
    %dma_start3A_8 = tpu.memref_slice %arg2[%dma_start3A_6, %dma_start3A_7] : memref<8192x128xf32, #tpu.memory_space<hbm>> -> memref<8192x128xf32, #tpu.memory_space<hbm>>
    tpu.enqueue_indirect_dma source(%dma_start3A_8 : memref<8192x128xf32, #tpu.memory_space<hbm>>) target(%arg6 : memref<128x128xf32, #tpu.memory_space<vmem>>) offsets(%dma_start3A_5 : memref<128xi32, #tpu.memory_space<vmem>>) semaphore(%arg9 : memref<!tpu.dma_semaphore, #tpu.memory_space<semaphore_mem>>)
    %dma_start3A_9 = arith.constant 512 : i32
    %dma_start3A_10 = tpu.memref_slice %arg5[%dma_start3A_9] : memref<1536xi32, #tpu.memory_space<vmem>> -> memref<128xi32, #tpu.memory_space<vmem>>
    %dma_start3A_11 = arith.constant 0 : i32
    %dma_start3A_12 = arith.constant 0 : i32
    %dma_start3A_13 = tpu.memref_slice %arg2[%dma_start3A_11, %dma_start3A_12] : memref<8192x128xf32, #tpu.memory_space<hbm>> -> memref<8192x128xf32, #tpu.memory_space<hbm>>
    tpu.enqueue_indirect_dma source(%dma_start3A_13 : memref<8192x128xf32, #tpu.memory_space<hbm>>) target(%arg7 : memref<128x128xf32, #tpu.memory_space<vmem>>) offsets(%dma_start3A_10 : memref<128xi32, #tpu.memory_space<vmem>>) semaphore(%arg9 : memref<!tpu.dma_semaphore, #tpu.memory_space<semaphore_mem>>)
    %dma_start3A_14 = arith.constant 1024 : i32
    %dma_start3A_15 = tpu.memref_slice %arg5[%dma_start3A_14] : memref<1536xi32, #tpu.memory_space<vmem>> -> memref<128xi32, #tpu.memory_space<vmem>>
    %dma_start3A_16 = arith.constant 0 : i32
    %dma_start3A_17 = arith.constant 0 : i32
    %dma_start3A_18 = tpu.memref_slice %arg2[%dma_start3A_16, %dma_start3A_17] : memref<8192x128xf32, #tpu.memory_space<hbm>> -> memref<8192x128xf32, #tpu.memory_space<hbm>>
    tpu.enqueue_indirect_dma source(%dma_start3A_18 : memref<8192x128xf32, #tpu.memory_space<hbm>>) target(%arg8 : memref<128x128xf32, #tpu.memory_space<vmem>>) offsets(%dma_start3A_15 : memref<128xi32, #tpu.memory_space<vmem>>) semaphore(%arg9 : memref<!tpu.dma_semaphore, #tpu.memory_space<semaphore_mem>>)
    %dma_wait3A = arith.constant 0 : i32
    %dma_wait3A_19 = tpu.memref_slice %arg5[%dma_wait3A] : memref<1536xi32, #tpu.memory_space<vmem>> -> memref<128xi32, #tpu.memory_space<vmem>>
    %dma_wait3A_20 = arith.constant 0 : i32
    %dma_wait3A_21 = arith.constant 0 : i32
    %dma_wait3A_22 = tpu.memref_slice %arg2[%dma_wait3A_20, %dma_wait3A_21] : memref<8192x128xf32, #tpu.memory_space<hbm>> -> memref<8192x128xf32, #tpu.memory_space<hbm>>
    tpu.wait_indirect_dma semaphore(%arg9 : memref<!tpu.dma_semaphore, #tpu.memory_space<semaphore_mem>>) src(%dma_wait3A_22 : memref<8192x128xf32, #tpu.memory_space<hbm>>) dst(%arg6 : memref<128x128xf32, #tpu.memory_space<vmem>>)
    %dma_wait3A_23 = arith.constant 512 : i32
    %dma_wait3A_24 = tpu.memref_slice %arg5[%dma_wait3A_23] : memref<1536xi32, #tpu.memory_space<vmem>> -> memref<128xi32, #tpu.memory_space<vmem>>
    %dma_wait3A_25 = arith.constant 0 : i32
    %dma_wait3A_26 = arith.constant 0 : i32
    %dma_wait3A_27 = tpu.memref_slice %arg2[%dma_wait3A_25, %dma_wait3A_26] : memref<8192x128xf32, #tpu.memory_space<hbm>> -> memref<8192x128xf32, #tpu.memory_space<hbm>>
    tpu.wait_indirect_dma semaphore(%arg9 : memref<!tpu.dma_semaphore, #tpu.memory_space<semaphore_mem>>) src(%dma_wait3A_27 : memref<8192x128xf32, #tpu.memory_space<hbm>>) dst(%arg7 : memref<128x128xf32, #tpu.memory_space<vmem>>)
    %dma_wait3A_28 = arith.constant 1024 : i32
    %dma_wait3A_29 = tpu.memref_slice %arg5[%dma_wait3A_28] : memref<1536xi32, #tpu.memory_space<vmem>> -> memref<128xi32, #tpu.memory_space<vmem>>
    %dma_wait3A_30 = arith.constant 0 : i32
    %dma_wait3A_31 = arith.constant 0 : i32
    %dma_wait3A_32 = tpu.memref_slice %arg2[%dma_wait3A_30, %dma_wait3A_31] : memref<8192x128xf32, #tpu.memory_space<hbm>> -> memref<8192x128xf32, #tpu.memory_space<hbm>>
    tpu.wait_indirect_dma semaphore(%arg9 : memref<!tpu.dma_semaphore, #tpu.memory_space<semaphore_mem>>) src(%dma_wait3A_32 : memref<8192x128xf32, #tpu.memory_space<hbm>>) dst(%arg8 : memref<128x128xf32, #tpu.memory_space<vmem>>)
    %run_scoped3A = arith.constant 0 : i32
    "tpu.region"() ({
      %run_scoped3A_270 = tpu.sem_alloc : memref<!tpu.dma_semaphore, #tpu.memory_space<semaphore_mem>>
      %dma_start3A_271 = arith.constant 0 : i32
      %dma_start3A_272 = arith.constant 0 : i32
      %dma_start3A_273 = tpu.memref_slice %arg4[%add3A_4, %run_scoped3A, %dma_start3A_271, %dma_start3A_272] : memref<64x3x512x128xf32, #tpu.memory_space<hbm>> -> memref<1x1x128x128xf32, #tpu.memory_space<hbm>>
      %dma_start3A_274 = tpu.memref_squeeze %dma_start3A_273 : memref<1x1x128x128xf32, #tpu.memory_space<hbm>> -> memref<128x128xf32, #tpu.memory_space<hbm>>
      %dma_start3A_275 = arith.constant 0 : i32
      %dma_start3A_276 = arith.constant 0 : i32
      %dma_start3A_277 = tpu.memref_slice %arg4[%add3A_4, %run_scoped3A, %dma_start3A_275, %dma_start3A_276] : memref<64x3x512x128xf32, #tpu.memory_space<hbm>> -> memref<1x1x128x128xf32, #tpu.memory_space<hbm>>
      %dma_start3A_278 = tpu.memref_squeeze %dma_start3A_277 : memref<1x1x128x128xf32, #tpu.memory_space<hbm>> -> memref<128x128xf32, #tpu.memory_space<hbm>>
      tpu.enqueue_dma source(%arg6 : memref<128x128xf32, #tpu.memory_space<vmem>>) target(%dma_start3A_278 : memref<128x128xf32, #tpu.memory_space<hbm>>) target_semaphore(%run_scoped3A_270 : memref<!tpu.dma_semaphore, #tpu.memory_space<semaphore_mem>>)
      %dma_wait3A_279 = arith.constant 0 : i32
      %dma_wait3A_280 = arith.constant 0 : i32
      %dma_wait3A_281 = tpu.memref_slice %arg4[%add3A_4, %run_scoped3A, %dma_wait3A_279, %dma_wait3A_280] : memref<64x3x512x128xf32, #tpu.memory_space<hbm>> -> memref<1x1x128x128xf32, #tpu.memory_space<hbm>>
      %dma_wait3A_282 = tpu.memref_squeeze %dma_wait3A_281 : memref<1x1x128x128xf32, #tpu.memory_space<hbm>> -> memref<128x128xf32, #tpu.memory_space<hbm>>
      %dma_wait3A_283 = arith.constant 0 : i32
      %dma_wait3A_284 = arith.constant 0 : i32
      %dma_wait3A_285 = tpu.memref_slice %arg4[%add3A_4, %run_scoped3A, %dma_wait3A_283, %dma_wait3A_284] : memref<64x3x512x128xf32, #tpu.memory_space<hbm>> -> memref<1x1x128x128xf32, #tpu.memory_space<hbm>>
      %dma_wait3A_286 = tpu.memref_squeeze %dma_wait3A_285 : memref<1x1x128x128xf32, #tpu.memory_space<hbm>> -> memref<128x128xf32, #tpu.memory_space<hbm>>
      tpu.wait_dma2 semaphore(%run_scoped3A_270 : memref<!tpu.dma_semaphore, #tpu.memory_space<semaphore_mem>>) src(%arg6 : memref<128x128xf32, #tpu.memory_space<vmem>>) dst(%dma_wait3A_286 : memref<128x128xf32, #tpu.memory_space<hbm>>)
      tpu.yield
    }) : () -> ()
    %run_scoped3A_33 = arith.constant 1 : i32
    "tpu.region"() ({
      %run_scoped3A_270 = tpu.sem_alloc : memref<!tpu.dma_semaphore, #tpu.memory_space<semaphore_mem>>
      %dma_start3A_271 = arith.constant 0 : i32
      %dma_start3A_272 = arith.constant 0 : i32
      %dma_start3A_273 = tpu.memref_slice %arg4[%add3A_4, %run_scoped3A_33, %dma_start3A_271, %dma_start3A_272] : memref<64x3x512x128xf32, #tpu.memory_space<hbm>> -> memref<1x1x128x128xf32, #tpu.memory_space<hbm>>
      %dma_start3A_274 = tpu.memref_squeeze %dma_start3A_273 : memref<1x1x128x128xf32, #tpu.memory_space<hbm>> -> memref<128x128xf32, #tpu.memory_space<hbm>>
      %dma_start3A_275 = arith.constant 0 : i32
      %dma_start3A_276 = arith.constant 0 : i32
      %dma_start3A_277 = tpu.memref_slice %arg4[%add3A_4, %run_scoped3A_33, %dma_start3A_275, %dma_start3A_276] : memref<64x3x512x128xf32, #tpu.memory_space<hbm>> -> memref<1x1x128x128xf32, #tpu.memory_space<hbm>>
      %dma_start3A_278 = tpu.memref_squeeze %dma_start3A_277 : memref<1x1x128x128xf32, #tpu.memory_space<hbm>> -> memref<128x128xf32, #tpu.memory_space<hbm>>
      tpu.enqueue_dma source(%arg7 : memref<128x128xf32, #tpu.memory_space<vmem>>) target(%dma_start3A_278 : memref<128x128xf32, #tpu.memory_space<hbm>>) target_semaphore(%run_scoped3A_270 : memref<!tpu.dma_semaphore, #tpu.memory_space<semaphore_mem>>)
      %dma_wait3A_279 = arith.constant 0 : i32
      %dma_wait3A_280 = arith.constant 0 : i32
      %dma_wait3A_281 = tpu.memref_slice %arg4[%add3A_4, %run_scoped3A_33, %dma_wait3A_279, %dma_wait3A_280] : memref<64x3x512x128xf32, #tpu.memory_space<hbm>> -> memref<1x1x128x128xf32, #tpu.memory_space<hbm>>
      %dma_wait3A_282 = tpu.memref_squeeze %dma_wait3A_281 : memref<1x1x128x128xf32, #tpu.memory_space<hbm>> -> memref<128x128xf32, #tpu.memory_space<hbm>>
      %dma_wait3A_283 = arith.constant 0 : i32
      %dma_wait3A_284 = arith.constant 0 : i32
      %dma_wait3A_285 = tpu.memref_slice %arg4[%add3A_4, %run_scoped3A_33, %dma_wait3A_283, %dma_wait3A_284] : memref<64x3x512x128xf32, #tpu.memory_space<hbm>> -> memref<1x1x128x128xf32, #tpu.memory_space<hbm>>
      %dma_wait3A_286 = tpu.memref_squeeze %dma_wait3A_285 : memref<1x1x128x128xf32, #tpu.memory_space<hbm>> -> memref<128x128xf32, #tpu.memory_space<hbm>>
      tpu.wait_dma2 semaphore(%run_scoped3A_270 : memref<!tpu.dma_semaphore, #tpu.memory_space<semaphore_mem>>) src(%arg7 : memref<128x128xf32, #tpu.memory_space<vmem>>) dst(%dma_wait3A_286 : memref<128x128xf32, #tpu.memory_space<hbm>>)
      tpu.yield
    }) : () -> ()
    %run_scoped3A_34 = arith.constant 2 : i32
    "tpu.region"() ({
      %run_scoped3A_270 = tpu.sem_alloc : memref<!tpu.dma_semaphore, #tpu.memory_space<semaphore_mem>>
      %dma_start3A_271 = arith.constant 0 : i32
      %dma_start3A_272 = arith.constant 0 : i32
      %dma_start3A_273 = tpu.memref_slice %arg4[%add3A_4, %run_scoped3A_34, %dma_start3A_271, %dma_start3A_272] : memref<64x3x512x128xf32, #tpu.memory_space<hbm>> -> memref<1x1x128x128xf32, #tpu.memory_space<hbm>>
      %dma_start3A_274 = tpu.memref_squeeze %dma_start3A_273 : memref<1x1x128x128xf32, #tpu.memory_space<hbm>> -> memref<128x128xf32, #tpu.memory_space<hbm>>
      %dma_start3A_275 = arith.constant 0 : i32
      %dma_start3A_276 = arith.constant 0 : i32
      %dma_start3A_277 = tpu.memref_slice %arg4[%add3A_4, %run_scoped3A_34, %dma_start3A_275, %dma_start3A_276] : memref<64x3x512x128xf32, #tpu.memory_space<hbm>> -> memref<1x1x128x128xf32, #tpu.memory_space<hbm>>
      %dma_start3A_278 = tpu.memref_squeeze %dma_start3A_277 : memref<1x1x128x128xf32, #tpu.memory_space<hbm>> -> memref<128x128xf32, #tpu.memory_space<hbm>>
      tpu.enqueue_dma source(%arg8 : memref<128x128xf32, #tpu.memory_space<vmem>>) target(%dma_start3A_278 : memref<128x128xf32, #tpu.memory_space<hbm>>) target_semaphore(%run_scoped3A_270 : memref<!tpu.dma_semaphore, #tpu.memory_space<semaphore_mem>>)
      %dma_wait3A_279 = arith.constant 0 : i32
      %dma_wait3A_280 = arith.constant 0 : i32
      %dma_wait3A_281 = tpu.memref_slice %arg4[%add3A_4, %run_scoped3A_34, %dma_wait3A_279, %dma_wait3A_280] : memref<64x3x512x128xf32, #tpu.memory_space<hbm>> -> memref<1x1x128x128xf32, #tpu.memory_space<hbm>>
      %dma_wait3A_282 = tpu.memref_squeeze %dma_wait3A_281 : memref<1x1x128x128xf32, #tpu.memory_space<hbm>> -> memref<128x128xf32, #tpu.memory_space<hbm>>
      %dma_wait3A_283 = arith.constant 0 : i32
      %dma_wait3A_284 = arith.constant 0 : i32
      %dma_wait3A_285 = tpu.memref_slice %arg4[%add3A_4, %run_scoped3A_34, %dma_wait3A_283, %dma_wait3A_284] : memref<64x3x512x128xf32, #tpu.memory_space<hbm>> -> memref<1x1x128x128xf32, #tpu.memory_space<hbm>>
      %dma_wait3A_286 = tpu.memref_squeeze %dma_wait3A_285 : memref<1x1x128x128xf32, #tpu.memory_space<hbm>> -> memref<128x128xf32, #tpu.memory_space<hbm>>
      tpu.wait_dma2 semaphore(%run_scoped3A_270 : memref<!tpu.dma_semaphore, #tpu.memory_space<semaphore_mem>>) src(%arg8 : memref<128x128xf32, #tpu.memory_space<vmem>>) dst(%dma_wait3A_286 : memref<128x128xf32, #tpu.memory_space<hbm>>)
      tpu.yield
    }) : () -> ()
    %dma_start3A_35 = arith.constant 128 : i32
    %dma_start3A_36 = tpu.memref_slice %arg5[%dma_start3A_35] : memref<1536xi32, #tpu.memory_space<vmem>> -> memref<128xi32, #tpu.memory_space<vmem>>
    %dma_start3A_37 = arith.constant 0 : i32
    %dma_start3A_38 = arith.constant 0 : i32
    %dma_start3A_39 = tpu.memref_slice %arg2[%dma_start3A_37, %dma_start3A_38] : memref<8192x128xf32, #tpu.memory_space<hbm>> -> memref<8192x128xf32, #tpu.memory_space<hbm>>
    tpu.enqueue_indirect_dma source(%dma_start3A_39 : memref<8192x128xf32, #tpu.memory_space<hbm>>) target(%arg6 : memref<128x128xf32, #tpu.memory_space<vmem>>) offsets(%dma_start3A_36 : memref<128xi32, #tpu.memory_space<vmem>>) semaphore(%arg9 : memref<!tpu.dma_semaphore, #tpu.memory_space<semaphore_mem>>)
    %dma_start3A_40 = arith.constant 640 : i32
    %dma_start3A_41 = tpu.memref_slice %arg5[%dma_start3A_40] : memref<1536xi32, #tpu.memory_space<vmem>> -> memref<128xi32, #tpu.memory_space<vmem>>
    %dma_start3A_42 = arith.constant 0 : i32
    %dma_start3A_43 = arith.constant 0 : i32
    %dma_start3A_44 = tpu.memref_slice %arg2[%dma_start3A_42, %dma_start3A_43] : memref<8192x128xf32, #tpu.memory_space<hbm>> -> memref<8192x128xf32, #tpu.memory_space<hbm>>
    tpu.enqueue_indirect_dma source(%dma_start3A_44 : memref<8192x128xf32, #tpu.memory_space<hbm>>) target(%arg7 : memref<128x128xf32, #tpu.memory_space<vmem>>) offsets(%dma_start3A_41 : memref<128xi32, #tpu.memory_space<vmem>>) semaphore(%arg9 : memref<!tpu.dma_semaphore, #tpu.memory_space<semaphore_mem>>)
    %dma_start3A_45 = arith.constant 1152 : i32
    %dma_start3A_46 = tpu.memref_slice %arg5[%dma_start3A_45] : memref<1536xi32, #tpu.memory_space<vmem>> -> memref<128xi32, #tpu.memory_space<vmem>>
    %dma_start3A_47 = arith.constant 0 : i32
    %dma_start3A_48 = arith.constant 0 : i32
    %dma_start3A_49 = tpu.memref_slice %arg2[%dma_start3A_47, %dma_start3A_48] : memref<8192x128xf32, #tpu.memory_space<hbm>> -> memref<8192x128xf32, #tpu.memory_space<hbm>>
    tpu.enqueue_indirect_dma source(%dma_start3A_49 : memref<8192x128xf32, #tpu.memory_space<hbm>>) target(%arg8 : memref<128x128xf32, #tpu.memory_space<vmem>>) offsets(%dma_start3A_46 : memref<128xi32, #tpu.memory_space<vmem>>) semaphore(%arg9 : memref<!tpu.dma_semaphore, #tpu.memory_space<semaphore_mem>>)
    %dma_wait3A_50 = arith.constant 128 : i32
    %dma_wait3A_51 = tpu.memref_slice %arg5[%dma_wait3A_50] : memref<1536xi32, #tpu.memory_space<vmem>> -> memref<128xi32, #tpu.memory_space<vmem>>
    %dma_wait3A_52 = arith.constant 0 : i32
    %dma_wait3A_53 = arith.constant 0 : i32
    %dma_wait3A_54 = tpu.memref_slice %arg2[%dma_wait3A_52, %dma_wait3A_53] : memref<8192x128xf32, #tpu.memory_space<hbm>> -> memref<8192x128xf32, #tpu.memory_space<hbm>>
    tpu.wait_indirect_dma semaphore(%arg9 : memref<!tpu.dma_semaphore, #tpu.memory_space<semaphore_mem>>) src(%dma_wait3A_54 : memref<8192x128xf32, #tpu.memory_space<hbm>>) dst(%arg6 : memref<128x128xf32, #tpu.memory_space<vmem>>)
    %dma_wait3A_55 = arith.constant 640 : i32
    %dma_wait3A_56 = tpu.memref_slice %arg5[%dma_wait3A_55] : memref<1536xi32, #tpu.memory_space<vmem>> -> memref<128xi32, #tpu.memory_space<vmem>>
    %dma_wait3A_57 = arith.constant 0 : i32
    %dma_wait3A_58 = arith.constant 0 : i32
    %dma_wait3A_59 = tpu.memref_slice %arg2[%dma_wait3A_57, %dma_wait3A_58] : memref<8192x128xf32, #tpu.memory_space<hbm>> -> memref<8192x128xf32, #tpu.memory_space<hbm>>
    tpu.wait_indirect_dma semaphore(%arg9 : memref<!tpu.dma_semaphore, #tpu.memory_space<semaphore_mem>>) src(%dma_wait3A_59 : memref<8192x128xf32, #tpu.memory_space<hbm>>) dst(%arg7 : memref<128x128xf32, #tpu.memory_space<vmem>>)
    %dma_wait3A_60 = arith.constant 1152 : i32
    %dma_wait3A_61 = tpu.memref_slice %arg5[%dma_wait3A_60] : memref<1536xi32, #tpu.memory_space<vmem>> -> memref<128xi32, #tpu.memory_space<vmem>>
    %dma_wait3A_62 = arith.constant 0 : i32
    %dma_wait3A_63 = arith.constant 0 : i32
    %dma_wait3A_64 = tpu.memref_slice %arg2[%dma_wait3A_62, %dma_wait3A_63] : memref<8192x128xf32, #tpu.memory_space<hbm>> -> memref<8192x128xf32, #tpu.memory_space<hbm>>
    tpu.wait_indirect_dma semaphore(%arg9 : memref<!tpu.dma_semaphore, #tpu.memory_space<semaphore_mem>>) src(%dma_wait3A_64 : memref<8192x128xf32, #tpu.memory_space<hbm>>) dst(%arg8 : memref<128x128xf32, #tpu.memory_space<vmem>>)
    %run_scoped3A_65 = arith.constant 0 : i32
    "tpu.region"() ({
      %run_scoped3A_270 = tpu.sem_alloc : memref<!tpu.dma_semaphore, #tpu.memory_space<semaphore_mem>>
      %dma_start3A_271 = arith.constant 128 : i32
      %dma_start3A_272 = arith.constant 0 : i32
      %dma_start3A_273 = tpu.memref_slice %arg4[%add3A_4, %run_scoped3A_65, %dma_start3A_271, %dma_start3A_272] : memref<64x3x512x128xf32, #tpu.memory_space<hbm>> -> memref<1x1x128x128xf32, #tpu.memory_space<hbm>>
      %dma_start3A_274 = tpu.memref_squeeze %dma_start3A_273 : memref<1x1x128x128xf32, #tpu.memory_space<hbm>> -> memref<128x128xf32, #tpu.memory_space<hbm>>
      %dma_start3A_275 = arith.constant 128 : i32
      %dma_start3A_276 = arith.constant 0 : i32
      %dma_start3A_277 = tpu.memref_slice %arg4[%add3A_4, %run_scoped3A_65, %dma_start3A_275, %dma_start3A_276] : memref<64x3x512x128xf32, #tpu.memory_space<hbm>> -> memref<1x1x128x128xf32, #tpu.memory_space<hbm>>
      %dma_start3A_278 = tpu.memref_squeeze %dma_start3A_277 : memref<1x1x128x128xf32, #tpu.memory_space<hbm>> -> memref<128x128xf32, #tpu.memory_space<hbm>>
      tpu.enqueue_dma source(%arg6 : memref<128x128xf32, #tpu.memory_space<vmem>>) target(%dma_start3A_278 : memref<128x128xf32, #tpu.memory_space<hbm>>) target_semaphore(%run_scoped3A_270 : memref<!tpu.dma_semaphore, #tpu.memory_space<semaphore_mem>>)
      %dma_wait3A_279 = arith.constant 128 : i32
      %dma_wait3A_280 = arith.constant 0 : i32
      %dma_wait3A_281 = tpu.memref_slice %arg4[%add3A_4, %run_scoped3A_65, %dma_wait3A_279, %dma_wait3A_280] : memref<64x3x512x128xf32, #tpu.memory_space<hbm>> -> memref<1x1x128x128xf32, #tpu.memory_space<hbm>>
      %dma_wait3A_282 = tpu.memref_squeeze %dma_wait3A_281 : memref<1x1x128x128xf32, #tpu.memory_space<hbm>> -> memref<128x128xf32, #tpu.memory_space<hbm>>
      %dma_wait3A_283 = arith.constant 128 : i32
      %dma_wait3A_284 = arith.constant 0 : i32
      %dma_wait3A_285 = tpu.memref_slice %arg4[%add3A_4, %run_scoped3A_65, %dma_wait3A_283, %dma_wait3A_284] : memref<64x3x512x128xf32, #tpu.memory_space<hbm>> -> memref<1x1x128x128xf32, #tpu.memory_space<hbm>>
      %dma_wait3A_286 = tpu.memref_squeeze %dma_wait3A_285 : memref<1x1x128x128xf32, #tpu.memory_space<hbm>> -> memref<128x128xf32, #tpu.memory_space<hbm>>
      tpu.wait_dma2 semaphore(%run_scoped3A_270 : memref<!tpu.dma_semaphore, #tpu.memory_space<semaphore_mem>>) src(%arg6 : memref<128x128xf32, #tpu.memory_space<vmem>>) dst(%dma_wait3A_286 : memref<128x128xf32, #tpu.memory_space<hbm>>)
      tpu.yield
    }) : () -> ()
    %run_scoped3A_66 = arith.constant 1 : i32
    "tpu.region"() ({
      %run_scoped3A_270 = tpu.sem_alloc : memref<!tpu.dma_semaphore, #tpu.memory_space<semaphore_mem>>
      %dma_start3A_271 = arith.constant 128 : i32
      %dma_start3A_272 = arith.constant 0 : i32
      %dma_start3A_273 = tpu.memref_slice %arg4[%add3A_4, %run_scoped3A_66, %dma_start3A_271, %dma_start3A_272] : memref<64x3x512x128xf32, #tpu.memory_space<hbm>> -> memref<1x1x128x128xf32, #tpu.memory_space<hbm>>
      %dma_start3A_274 = tpu.memref_squeeze %dma_start3A_273 : memref<1x1x128x128xf32, #tpu.memory_space<hbm>> -> memref<128x128xf32, #tpu.memory_space<hbm>>
      %dma_start3A_275 = arith.constant 128 : i32
      %dma_start3A_276 = arith.constant 0 : i32
      %dma_start3A_277 = tpu.memref_slice %arg4[%add3A_4, %run_scoped3A_66, %dma_start3A_275, %dma_start3A_276] : memref<64x3x512x128xf32, #tpu.memory_space<hbm>> -> memref<1x1x128x128xf32, #tpu.memory_space<hbm>>
      %dma_start3A_278 = tpu.memref_squeeze %dma_start3A_277 : memref<1x1x128x128xf32, #tpu.memory_space<hbm>> -> memref<128x128xf32, #tpu.memory_space<hbm>>
      tpu.enqueue_dma source(%arg7 : memref<128x128xf32, #tpu.memory_space<vmem>>) target(%dma_start3A_278 : memref<128x128xf32, #tpu.memory_space<hbm>>) target_semaphore(%run_scoped3A_270 : memref<!tpu.dma_semaphore, #tpu.memory_space<semaphore_mem>>)
      %dma_wait3A_279 = arith.constant 128 : i32
      %dma_wait3A_280 = arith.constant 0 : i32
      %dma_wait3A_281 = tpu.memref_slice %arg4[%add3A_4, %run_scoped3A_66, %dma_wait3A_279, %dma_wait3A_280] : memref<64x3x512x128xf32, #tpu.memory_space<hbm>> -> memref<1x1x128x128xf32, #tpu.memory_space<hbm>>
      %dma_wait3A_282 = tpu.memref_squeeze %dma_wait3A_281 : memref<1x1x128x128xf32, #tpu.memory_space<hbm>> -> memref<128x128xf32, #tpu.memory_space<hbm>>
      %dma_wait3A_283 = arith.constant 128 : i32
      %dma_wait3A_284 = arith.constant 0 : i32
      %dma_wait3A_285 = tpu.memref_slice %arg4[%add3A_4, %run_scoped3A_66, %dma_wait3A_283, %dma_wait3A_284] : memref<64x3x512x128xf32, #tpu.memory_space<hbm>> -> memref<1x1x128x128xf32, #tpu.memory_space<hbm>>
      %dma_wait3A_286 = tpu.memref_squeeze %dma_wait3A_285 : memref<1x1x128x128xf32, #tpu.memory_space<hbm>> -> memref<128x128xf32, #tpu.memory_space<hbm>>
      tpu.wait_dma2 semaphore(%run_scoped3A_270 : memref<!tpu.dma_semaphore, #tpu.memory_space<semaphore_mem>>) src(%arg7 : memref<128x128xf32, #tpu.memory_space<vmem>>) dst(%dma_wait3A_286 : memref<128x128xf32, #tpu.memory_space<hbm>>)
      tpu.yield
    }) : () -> ()
    %run_scoped3A_67 = arith.constant 2 : i32
    "tpu.region"() ({
      %run_scoped3A_270 = tpu.sem_alloc : memref<!tpu.dma_semaphore, #tpu.memory_space<semaphore_mem>>
      %dma_start3A_271 = arith.constant 128 : i32
      %dma_start3A_272 = arith.constant 0 : i32
      %dma_start3A_273 = tpu.memref_slice %arg4[%add3A_4, %run_scoped3A_67, %dma_start3A_271, %dma_start3A_272] : memref<64x3x512x128xf32, #tpu.memory_space<hbm>> -> memref<1x1x128x128xf32, #tpu.memory_space<hbm>>
      %dma_start3A_274 = tpu.memref_squeeze %dma_start3A_273 : memref<1x1x128x128xf32, #tpu.memory_space<hbm>> -> memref<128x128xf32, #tpu.memory_space<hbm>>
      %dma_start3A_275 = arith.constant 128 : i32
      %dma_start3A_276 = arith.constant 0 : i32
      %dma_start3A_277 = tpu.memref_slice %arg4[%add3A_4, %run_scoped3A_67, %dma_start3A_275, %dma_start3A_276] : memref<64x3x512x128xf32, #tpu.memory_space<hbm>> -> memref<1x1x128x128xf32, #tpu.memory_space<hbm>>
      %dma_start3A_278 = tpu.memref_squeeze %dma_start3A_277 : memref<1x1x128x128xf32, #tpu.memory_space<hbm>> -> memref<128x128xf32, #tpu.memory_space<hbm>>
      tpu.enqueue_dma source(%arg8 : memref<128x128xf32, #tpu.memory_space<vmem>>) target(%dma_start3A_278 : memref<128x128xf32, #tpu.memory_space<hbm>>) target_semaphore(%run_scoped3A_270 : memref<!tpu.dma_semaphore, #tpu.memory_space<semaphore_mem>>)
      %dma_wait3A_279 = arith.constant 128 : i32
      %dma_wait3A_280 = arith.constant 0 : i32
      %dma_wait3A_281 = tpu.memref_slice %arg4[%add3A_4, %run_scoped3A_67, %dma_wait3A_279, %dma_wait3A_280] : memref<64x3x512x128xf32, #tpu.memory_space<hbm>> -> memref<1x1x128x128xf32, #tpu.memory_space<hbm>>
      %dma_wait3A_282 = tpu.memref_squeeze %dma_wait3A_281 : memref<1x1x128x128xf32, #tpu.memory_space<hbm>> -> memref<128x128xf32, #tpu.memory_space<hbm>>
      %dma_wait3A_283 = arith.constant 128 : i32
      %dma_wait3A_284 = arith.constant 0 : i32
      %dma_wait3A_285 = tpu.memref_slice %arg4[%add3A_4, %run_scoped3A_67, %dma_wait3A_283, %dma_wait3A_284] : memref<64x3x512x128xf32, #tpu.memory_space<hbm>> -> memref<1x1x128x128xf32, #tpu.memory_space<hbm>>
      %dma_wait3A_286 = tpu.memref_squeeze %dma_wait3A_285 : memref<1x1x128x128xf32, #tpu.memory_space<hbm>> -> memref<128x128xf32, #tpu.memory_space<hbm>>
      tpu.wait_dma2 semaphore(%run_scoped3A_270 : memref<!tpu.dma_semaphore, #tpu.memory_space<semaphore_mem>>) src(%arg8 : memref<128x128xf32, #tpu.memory_space<vmem>>) dst(%dma_wait3A_286 : memref<128x128xf32, #tpu.memory_space<hbm>>)
      tpu.yield
    }) : () -> ()
    %dma_start3A_68 = arith.constant 256 : i32
    %dma_start3A_69 = tpu.memref_slice %arg5[%dma_start3A_68] : memref<1536xi32, #tpu.memory_space<vmem>> -> memref<128xi32, #tpu.memory_space<vmem>>
    %dma_start3A_70 = arith.constant 0 : i32
    %dma_start3A_71 = arith.constant 0 : i32
    %dma_start3A_72 = tpu.memref_slice %arg2[%dma_start3A_70, %dma_start3A_71] : memref<8192x128xf32, #tpu.memory_space<hbm>> -> memref<8192x128xf32, #tpu.memory_space<hbm>>
    tpu.enqueue_indirect_dma source(%dma_start3A_72 : memref<8192x128xf32, #tpu.memory_space<hbm>>) target(%arg6 : memref<128x128xf32, #tpu.memory_space<vmem>>) offsets(%dma_start3A_69 : memref<128xi32, #tpu.memory_space<vmem>>) semaphore(%arg9 : memref<!tpu.dma_semaphore, #tpu.memory_space<semaphore_mem>>)
    %dma_start3A_73 = arith.constant 768 : i32
    %dma_start3A_74 = tpu.memref_slice %arg5[%dma_start3A_73] : memref<1536xi32, #tpu.memory_space<vmem>> -> memref<128xi32, #tpu.memory_space<vmem>>
    %dma_start3A_75 = arith.constant 0 : i32
    %dma_start3A_76 = arith.constant 0 : i32
    %dma_start3A_77 = tpu.memref_slice %arg2[%dma_start3A_75, %dma_start3A_76] : memref<8192x128xf32, #tpu.memory_space<hbm>> -> memref<8192x128xf32, #tpu.memory_space<hbm>>
    tpu.enqueue_indirect_dma source(%dma_start3A_77 : memref<8192x128xf32, #tpu.memory_space<hbm>>) target(%arg7 : memref<128x128xf32, #tpu.memory_space<vmem>>) offsets(%dma_start3A_74 : memref<128xi32, #tpu.memory_space<vmem>>) semaphore(%arg9 : memref<!tpu.dma_semaphore, #tpu.memory_space<semaphore_mem>>)
    %dma_start3A_78 = arith.constant 1280 : i32
    %dma_start3A_79 = tpu.memref_slice %arg5[%dma_start3A_78] : memref<1536xi32, #tpu.memory_space<vmem>> -> memref<128xi32, #tpu.memory_space<vmem>>
    %dma_start3A_80 = arith.constant 0 : i32
    %dma_start3A_81 = arith.constant 0 : i32
    %dma_start3A_82 = tpu.memref_slice %arg2[%dma_start3A_80, %dma_start3A_81] : memref<8192x128xf32, #tpu.memory_space<hbm>> -> memref<8192x128xf32, #tpu.memory_space<hbm>>
    tpu.enqueue_indirect_dma source(%dma_start3A_82 : memref<8192x128xf32, #tpu.memory_space<hbm>>) target(%arg8 : memref<128x128xf32, #tpu.memory_space<vmem>>) offsets(%dma_start3A_79 : memref<128xi32, #tpu.memory_space<vmem>>) semaphore(%arg9 : memref<!tpu.dma_semaphore, #tpu.memory_space<semaphore_mem>>)
    %dma_wait3A_83 = arith.constant 256 : i32
    %dma_wait3A_84 = tpu.memref_slice %arg5[%dma_wait3A_83] : memref<1536xi32, #tpu.memory_space<vmem>> -> memref<128xi32, #tpu.memory_space<vmem>>
    %dma_wait3A_85 = arith.constant 0 : i32
    %dma_wait3A_86 = arith.constant 0 : i32
    %dma_wait3A_87 = tpu.memref_slice %arg2[%dma_wait3A_85, %dma_wait3A_86] : memref<8192x128xf32, #tpu.memory_space<hbm>> -> memref<8192x128xf32, #tpu.memory_space<hbm>>
    tpu.wait_indirect_dma semaphore(%arg9 : memref<!tpu.dma_semaphore, #tpu.memory_space<semaphore_mem>>) src(%dma_wait3A_87 : memref<8192x128xf32, #tpu.memory_space<hbm>>) dst(%arg6 : memref<128x128xf32, #tpu.memory_space<vmem>>)
    %dma_wait3A_88 = arith.constant 768 : i32
    %dma_wait3A_89 = tpu.memref_slice %arg5[%dma_wait3A_88] : memref<1536xi32, #tpu.memory_space<vmem>> -> memref<128xi32, #tpu.memory_space<vmem>>
    %dma_wait3A_90 = arith.constant 0 : i32
    %dma_wait3A_91 = arith.constant 0 : i32
    %dma_wait3A_92 = tpu.memref_slice %arg2[%dma_wait3A_90, %dma_wait3A_91] : memref<8192x128xf32, #tpu.memory_space<hbm>> -> memref<8192x128xf32, #tpu.memory_space<hbm>>
    tpu.wait_indirect_dma semaphore(%arg9 : memref<!tpu.dma_semaphore, #tpu.memory_space<semaphore_mem>>) src(%dma_wait3A_92 : memref<8192x128xf32, #tpu.memory_space<hbm>>) dst(%arg7 : memref<128x128xf32, #tpu.memory_space<vmem>>)
    %dma_wait3A_93 = arith.constant 1280 : i32
    %dma_wait3A_94 = tpu.memref_slice %arg5[%dma_wait3A_93] : memref<1536xi32, #tpu.memory_space<vmem>> -> memref<128xi32, #tpu.memory_space<vmem>>
    %dma_wait3A_95 = arith.constant 0 : i32
    %dma_wait3A_96 = arith.constant 0 : i32
    %dma_wait3A_97 = tpu.memref_slice %arg2[%dma_wait3A_95, %dma_wait3A_96] : memref<8192x128xf32, #tpu.memory_space<hbm>> -> memref<8192x128xf32, #tpu.memory_space<hbm>>
    tpu.wait_indirect_dma semaphore(%arg9 : memref<!tpu.dma_semaphore, #tpu.memory_space<semaphore_mem>>) src(%dma_wait3A_97 : memref<8192x128xf32, #tpu.memory_space<hbm>>) dst(%arg8 : memref<128x128xf32, #tpu.memory_space<vmem>>)
    %run_scoped3A_98 = arith.constant 0 : i32
    "tpu.region"() ({
      %run_scoped3A_270 = tpu.sem_alloc : memref<!tpu.dma_semaphore, #tpu.memory_space<semaphore_mem>>
      %dma_start3A_271 = arith.constant 256 : i32
      %dma_start3A_272 = arith.constant 0 : i32
      %dma_start3A_273 = tpu.memref_slice %arg4[%add3A_4, %run_scoped3A_98, %dma_start3A_271, %dma_start3A_272] : memref<64x3x512x128xf32, #tpu.memory_space<hbm>> -> memref<1x1x128x128xf32, #tpu.memory_space<hbm>>
      %dma_start3A_274 = tpu.memref_squeeze %dma_start3A_273 : memref<1x1x128x128xf32, #tpu.memory_space<hbm>> -> memref<128x128xf32, #tpu.memory_space<hbm>>
      %dma_start3A_275 = arith.constant 256 : i32
      %dma_start3A_276 = arith.constant 0 : i32
      %dma_start3A_277 = tpu.memref_slice %arg4[%add3A_4, %run_scoped3A_98, %dma_start3A_275, %dma_start3A_276] : memref<64x3x512x128xf32, #tpu.memory_space<hbm>> -> memref<1x1x128x128xf32, #tpu.memory_space<hbm>>
      %dma_start3A_278 = tpu.memref_squeeze %dma_start3A_277 : memref<1x1x128x128xf32, #tpu.memory_space<hbm>> -> memref<128x128xf32, #tpu.memory_space<hbm>>
      tpu.enqueue_dma source(%arg6 : memref<128x128xf32, #tpu.memory_space<vmem>>) target(%dma_start3A_278 : memref<128x128xf32, #tpu.memory_space<hbm>>) target_semaphore(%run_scoped3A_270 : memref<!tpu.dma_semaphore, #tpu.memory_space<semaphore_mem>>)
      %dma_wait3A_279 = arith.constant 256 : i32
      %dma_wait3A_280 = arith.constant 0 : i32
      %dma_wait3A_281 = tpu.memref_slice %arg4[%add3A_4, %run_scoped3A_98, %dma_wait3A_279, %dma_wait3A_280] : memref<64x3x512x128xf32, #tpu.memory_space<hbm>> -> memref<1x1x128x128xf32, #tpu.memory_space<hbm>>
      %dma_wait3A_282 = tpu.memref_squeeze %dma_wait3A_281 : memref<1x1x128x128xf32, #tpu.memory_space<hbm>> -> memref<128x128xf32, #tpu.memory_space<hbm>>
      %dma_wait3A_283 = arith.constant 256 : i32
      %dma_wait3A_284 = arith.constant 0 : i32
      %dma_wait3A_285 = tpu.memref_slice %arg4[%add3A_4, %run_scoped3A_98, %dma_wait3A_283, %dma_wait3A_284] : memref<64x3x512x128xf32, #tpu.memory_space<hbm>> -> memref<1x1x128x128xf32, #tpu.memory_space<hbm>>
      %dma_wait3A_286 = tpu.memref_squeeze %dma_wait3A_285 : memref<1x1x128x128xf32, #tpu.memory_space<hbm>> -> memref<128x128xf32, #tpu.memory_space<hbm>>
      tpu.wait_dma2 semaphore(%run_scoped3A_270 : memref<!tpu.dma_semaphore, #tpu.memory_space<semaphore_mem>>) src(%arg6 : memref<128x128xf32, #tpu.memory_space<vmem>>) dst(%dma_wait3A_286 : memref<128x128xf32, #tpu.memory_space<hbm>>)
      tpu.yield
    }) : () -> ()
    %run_scoped3A_99 = arith.constant 1 : i32
    "tpu.region"() ({
      %run_scoped3A_270 = tpu.sem_alloc : memref<!tpu.dma_semaphore, #tpu.memory_space<semaphore_mem>>
      %dma_start3A_271 = arith.constant 256 : i32
      %dma_start3A_272 = arith.constant 0 : i32
      %dma_start3A_273 = tpu.memref_slice %arg4[%add3A_4, %run_scoped3A_99, %dma_start3A_271, %dma_start3A_272] : memref<64x3x512x128xf32, #tpu.memory_space<hbm>> -> memref<1x1x128x128xf32, #tpu.memory_space<hbm>>
      %dma_start3A_274 = tpu.memref_squeeze %dma_start3A_273 : memref<1x1x128x128xf32, #tpu.memory_space<hbm>> -> memref<128x128xf32, #tpu.memory_space<hbm>>
      %dma_start3A_275 = arith.constant 256 : i32
      %dma_start3A_276 = arith.constant 0 : i32
      %dma_start3A_277 = tpu.memref_slice %arg4[%add3A_4, %run_scoped3A_99, %dma_start3A_275, %dma_start3A_276] : memref<64x3x512x128xf32, #tpu.memory_space<hbm>> -> memref<1x1x128x128xf32, #tpu.memory_space<hbm>>
      %dma_start3A_278 = tpu.memref_squeeze %dma_start3A_277 : memref<1x1x128x128xf32, #tpu.memory_space<hbm>> -> memref<128x128xf32, #tpu.memory_space<hbm>>
      tpu.enqueue_dma source(%arg7 : memref<128x128xf32, #tpu.memory_space<vmem>>) target(%dma_start3A_278 : memref<128x128xf32, #tpu.memory_space<hbm>>) target_semaphore(%run_scoped3A_270 : memref<!tpu.dma_semaphore, #tpu.memory_space<semaphore_mem>>)
      %dma_wait3A_279 = arith.constant 256 : i32
      %dma_wait3A_280 = arith.constant 0 : i32
      %dma_wait3A_281 = tpu.memref_slice %arg4[%add3A_4, %run_scoped3A_99, %dma_wait3A_279, %dma_wait3A_280] : memref<64x3x512x128xf32, #tpu.memory_space<hbm>> -> memref<1x1x128x128xf32, #tpu.memory_space<hbm>>
      %dma_wait3A_282 = tpu.memref_squeeze %dma_wait3A_281 : memref<1x1x128x128xf32, #tpu.memory_space<hbm>> -> memref<128x128xf32, #tpu.memory_space<hbm>>
      %dma_wait3A_283 = arith.constant 256 : i32
      %dma_wait3A_284 = arith.constant 0 : i32
      %dma_wait3A_285 = tpu.memref_slice %arg4[%add3A_4, %run_scoped3A_99, %dma_wait3A_283, %dma_wait3A_284] : memref<64x3x512x128xf32, #tpu.memory_space<hbm>> -> memref<1x1x128x128xf32, #tpu.memory_space<hbm>>
      %dma_wait3A_286 = tpu.memref_squeeze %dma_wait3A_285 : memref<1x1x128x128xf32, #tpu.memory_space<hbm>> -> memref<128x128xf32, #tpu.memory_space<hbm>>
      tpu.wait_dma2 semaphore(%run_scoped3A_270 : memref<!tpu.dma_semaphore, #tpu.memory_space<semaphore_mem>>) src(%arg7 : memref<128x128xf32, #tpu.memory_space<vmem>>) dst(%dma_wait3A_286 : memref<128x128xf32, #tpu.memory_space<hbm>>)
      tpu.yield
    }) : () -> ()
    %run_scoped3A_100 = arith.constant 2 : i32
    "tpu.region"() ({
      %run_scoped3A_270 = tpu.sem_alloc : memref<!tpu.dma_semaphore, #tpu.memory_space<semaphore_mem>>
      %dma_start3A_271 = arith.constant 256 : i32
      %dma_start3A_272 = arith.constant 0 : i32
      %dma_start3A_273 = tpu.memref_slice %arg4[%add3A_4, %run_scoped3A_100, %dma_start3A_271, %dma_start3A_272] : memref<64x3x512x128xf32, #tpu.memory_space<hbm>> -> memref<1x1x128x128xf32, #tpu.memory_space<hbm>>
      %dma_start3A_274 = tpu.memref_squeeze %dma_start3A_273 : memref<1x1x128x128xf32, #tpu.memory_space<hbm>> -> memref<128x128xf32, #tpu.memory_space<hbm>>
      %dma_start3A_275 = arith.constant 256 : i32
      %dma_start3A_276 = arith.constant 0 : i32
      %dma_start3A_277 = tpu.memref_slice %arg4[%add3A_4, %run_scoped3A_100, %dma_start3A_275, %dma_start3A_276] : memref<64x3x512x128xf32, #tpu.memory_space<hbm>> -> memref<1x1x128x128xf32, #tpu.memory_space<hbm>>
      %dma_start3A_278 = tpu.memref_squeeze %dma_start3A_277 : memref<1x1x128x128xf32, #tpu.memory_space<hbm>> -> memref<128x128xf32, #tpu.memory_space<hbm>>
      tpu.enqueue_dma source(%arg8 : memref<128x128xf32, #tpu.memory_space<vmem>>) target(%dma_start3A_278 : memref<128x128xf32, #tpu.memory_space<hbm>>) target_semaphore(%run_scoped3A_270 : memref<!tpu.dma_semaphore, #tpu.memory_space<semaphore_mem>>)
      %dma_wait3A_279 = arith.constant 256 : i32
      %dma_wait3A_280 = arith.constant 0 : i32
      %dma_wait3A_281 = tpu.memref_slice %arg4[%add3A_4, %run_scoped3A_100, %dma_wait3A_279, %dma_wait3A_280] : memref<64x3x512x128xf32, #tpu.memory_space<hbm>> -> memref<1x1x128x128xf32, #tpu.memory_space<hbm>>
      %dma_wait3A_282 = tpu.memref_squeeze %dma_wait3A_281 : memref<1x1x128x128xf32, #tpu.memory_space<hbm>> -> memref<128x128xf32, #tpu.memory_space<hbm>>
      %dma_wait3A_283 = arith.constant 256 : i32
      %dma_wait3A_284 = arith.constant 0 : i32
      %dma_wait3A_285 = tpu.memref_slice %arg4[%add3A_4, %run_scoped3A_100, %dma_wait3A_283, %dma_wait3A_284] : memref<64x3x512x128xf32, #tpu.memory_space<hbm>> -> memref<1x1x128x128xf32, #tpu.memory_space<hbm>>
      %dma_wait3A_286 = tpu.memref_squeeze %dma_wait3A_285 : memref<1x1x128x128xf32, #tpu.memory_space<hbm>> -> memref<128x128xf32, #tpu.memory_space<hbm>>
      tpu.wait_dma2 semaphore(%run_scoped3A_270 : memref<!tpu.dma_semaphore, #tpu.memory_space<semaphore_mem>>) src(%arg8 : memref<128x128xf32, #tpu.memory_space<vmem>>) dst(%dma_wait3A_286 : memref<128x128xf32, #tpu.memory_space<hbm>>)
      tpu.yield
    }) : () -> ()
    %dma_start3A_101 = arith.constant 384 : i32
    %dma_start3A_102 = tpu.memref_slice %arg5[%dma_start3A_101] : memref<1536xi32, #tpu.memory_space<vmem>> -> memref<128xi32, #tpu.memory_space<vmem>>
    %dma_start3A_103 = arith.constant 0 : i32
    %dma_start3A_104 = arith.constant 0 : i32
    %dma_start3A_105 = tpu.memref_slice %arg2[%dma_start3A_103, %dma_start3A_104] : memref<8192x128xf32, #tpu.memory_space<hbm>> -> memref<8192x128xf32, #tpu.memory_space<hbm>>
    tpu.enqueue_indirect_dma source(%dma_start3A_105 : memref<8192x128xf32, #tpu.memory_space<hbm>>) target(%arg6 : memref<128x128xf32, #tpu.memory_space<vmem>>) offsets(%dma_start3A_102 : memref<128xi32, #tpu.memory_space<vmem>>) semaphore(%arg9 : memref<!tpu.dma_semaphore, #tpu.memory_space<semaphore_mem>>)
    %dma_start3A_106 = arith.constant 896 : i32
    %dma_start3A_107 = tpu.memref_slice %arg5[%dma_start3A_106] : memref<1536xi32, #tpu.memory_space<vmem>> -> memref<128xi32, #tpu.memory_space<vmem>>
    %dma_start3A_108 = arith.constant 0 : i32
    %dma_start3A_109 = arith.constant 0 : i32
    %dma_start3A_110 = tpu.memref_slice %arg2[%dma_start3A_108, %dma_start3A_109] : memref<8192x128xf32, #tpu.memory_space<hbm>> -> memref<8192x128xf32, #tpu.memory_space<hbm>>
    tpu.enqueue_indirect_dma source(%dma_start3A_110 : memref<8192x128xf32, #tpu.memory_space<hbm>>) target(%arg7 : memref<128x128xf32, #tpu.memory_space<vmem>>) offsets(%dma_start3A_107 : memref<128xi32, #tpu.memory_space<vmem>>) semaphore(%arg9 : memref<!tpu.dma_semaphore, #tpu.memory_space<semaphore_mem>>)
    %dma_start3A_111 = arith.constant 1408 : i32
    %dma_start3A_112 = tpu.memref_slice %arg5[%dma_start3A_111] : memref<1536xi32, #tpu.memory_space<vmem>> -> memref<128xi32, #tpu.memory_space<vmem>>
    %dma_start3A_113 = arith.constant 0 : i32
    %dma_start3A_114 = arith.constant 0 : i32
    %dma_start3A_115 = tpu.memref_slice %arg2[%dma_start3A_113, %dma_start3A_114] : memref<8192x128xf32, #tpu.memory_space<hbm>> -> memref<8192x128xf32, #tpu.memory_space<hbm>>
    tpu.enqueue_indirect_dma source(%dma_start3A_115 : memref<8192x128xf32, #tpu.memory_space<hbm>>) target(%arg8 : memref<128x128xf32, #tpu.memory_space<vmem>>) offsets(%dma_start3A_112 : memref<128xi32, #tpu.memory_space<vmem>>) semaphore(%arg9 : memref<!tpu.dma_semaphore, #tpu.memory_space<semaphore_mem>>)
    %dma_wait3A_116 = arith.constant 384 : i32
    %dma_wait3A_117 = tpu.memref_slice %arg5[%dma_wait3A_116] : memref<1536xi32, #tpu.memory_space<vmem>> -> memref<128xi32, #tpu.memory_space<vmem>>
    %dma_wait3A_118 = arith.constant 0 : i32
    %dma_wait3A_119 = arith.constant 0 : i32
    %dma_wait3A_120 = tpu.memref_slice %arg2[%dma_wait3A_118, %dma_wait3A_119] : memref<8192x128xf32, #tpu.memory_space<hbm>> -> memref<8192x128xf32, #tpu.memory_space<hbm>>
    tpu.wait_indirect_dma semaphore(%arg9 : memref<!tpu.dma_semaphore, #tpu.memory_space<semaphore_mem>>) src(%dma_wait3A_120 : memref<8192x128xf32, #tpu.memory_space<hbm>>) dst(%arg6 : memref<128x128xf32, #tpu.memory_space<vmem>>)
    %dma_wait3A_121 = arith.constant 896 : i32
    %dma_wait3A_122 = tpu.memref_slice %arg5[%dma_wait3A_121] : memref<1536xi32, #tpu.memory_space<vmem>> -> memref<128xi32, #tpu.memory_space<vmem>>
    %dma_wait3A_123 = arith.constant 0 : i32
    %dma_wait3A_124 = arith.constant 0 : i32
    %dma_wait3A_125 = tpu.memref_slice %arg2[%dma_wait3A_123, %dma_wait3A_124] : memref<8192x128xf32, #tpu.memory_space<hbm>> -> memref<8192x128xf32, #tpu.memory_space<hbm>>
    tpu.wait_indirect_dma semaphore(%arg9 : memref<!tpu.dma_semaphore, #tpu.memory_space<semaphore_mem>>) src(%dma_wait3A_125 : memref<8192x128xf32, #tpu.memory_space<hbm>>) dst(%arg7 : memref<128x128xf32, #tpu.memory_space<vmem>>)
    %dma_wait3A_126 = arith.constant 1408 : i32
    %dma_wait3A_127 = tpu.memref_slice %arg5[%dma_wait3A_126] : memref<1536xi32, #tpu.memory_space<vmem>> -> memref<128xi32, #tpu.memory_space<vmem>>
    %dma_wait3A_128 = arith.constant 0 : i32
    %dma_wait3A_129 = arith.constant 0 : i32
    %dma_wait3A_130 = tpu.memref_slice %arg2[%dma_wait3A_128, %dma_wait3A_129] : memref<8192x128xf32, #tpu.memory_space<hbm>> -> memref<8192x128xf32, #tpu.memory_space<hbm>>
    tpu.wait_indirect_dma semaphore(%arg9 : memref<!tpu.dma_semaphore, #tpu.memory_space<semaphore_mem>>) src(%dma_wait3A_130 : memref<8192x128xf32, #tpu.memory_space<hbm>>) dst(%arg8 : memref<128x128xf32, #tpu.memory_space<vmem>>)
    %run_scoped3A_131 = arith.constant 0 : i32
    "tpu.region"() ({
      %run_scoped3A_270 = tpu.sem_alloc : memref<!tpu.dma_semaphore, #tpu.memory_space<semaphore_mem>>
      %dma_start3A_271 = arith.constant 384 : i32
      %dma_start3A_272 = arith.constant 0 : i32
      %dma_start3A_273 = tpu.memref_slice %arg4[%add3A_4, %run_scoped3A_131, %dma_start3A_271, %dma_start3A_272] : memref<64x3x512x128xf32, #tpu.memory_space<hbm>> -> memref<1x1x128x128xf32, #tpu.memory_space<hbm>>
      %dma_start3A_274 = tpu.memref_squeeze %dma_start3A_273 : memref<1x1x128x128xf32, #tpu.memory_space<hbm>> -> memref<128x128xf32, #tpu.memory_space<hbm>>
      %dma_start3A_275 = arith.constant 384 : i32
      %dma_start3A_276 = arith.constant 0 : i32
      %dma_start3A_277 = tpu.memref_slice %arg4[%add3A_4, %run_scoped3A_131, %dma_start3A_275, %dma_start3A_276] : memref<64x3x512x128xf32, #tpu.memory_space<hbm>> -> memref<1x1x128x128xf32, #tpu.memory_space<hbm>>
      %dma_start3A_278 = tpu.memref_squeeze %dma_start3A_277 : memref<1x1x128x128xf32, #tpu.memory_space<hbm>> -> memref<128x128xf32, #tpu.memory_space<hbm>>
      tpu.enqueue_dma source(%arg6 : memref<128x128xf32, #tpu.memory_space<vmem>>) target(%dma_start3A_278 : memref<128x128xf32, #tpu.memory_space<hbm>>) target_semaphore(%run_scoped3A_270 : memref<!tpu.dma_semaphore, #tpu.memory_space<semaphore_mem>>)
      %dma_wait3A_279 = arith.constant 384 : i32
      %dma_wait3A_280 = arith.constant 0 : i32
      %dma_wait3A_281 = tpu.memref_slice %arg4[%add3A_4, %run_scoped3A_131, %dma_wait3A_279, %dma_wait3A_280] : memref<64x3x512x128xf32, #tpu.memory_space<hbm>> -> memref<1x1x128x128xf32, #tpu.memory_space<hbm>>
      %dma_wait3A_282 = tpu.memref_squeeze %dma_wait3A_281 : memref<1x1x128x128xf32, #tpu.memory_space<hbm>> -> memref<128x128xf32, #tpu.memory_space<hbm>>
      %dma_wait3A_283 = arith.constant 384 : i32
      %dma_wait3A_284 = arith.constant 0 : i32
      %dma_wait3A_285 = tpu.memref_slice %arg4[%add3A_4, %run_scoped3A_131, %dma_wait3A_283, %dma_wait3A_284] : memref<64x3x512x128xf32, #tpu.memory_space<hbm>> -> memref<1x1x128x128xf32, #tpu.memory_space<hbm>>
      %dma_wait3A_286 = tpu.memref_squeeze %dma_wait3A_285 : memref<1x1x128x128xf32, #tpu.memory_space<hbm>> -> memref<128x128xf32, #tpu.memory_space<hbm>>
      tpu.wait_dma2 semaphore(%run_scoped3A_270 : memref<!tpu.dma_semaphore, #tpu.memory_space<semaphore_mem>>) src(%arg6 : memref<128x128xf32, #tpu.memory_space<vmem>>) dst(%dma_wait3A_286 : memref<128x128xf32, #tpu.memory_space<hbm>>)
      tpu.yield
    }) : () -> ()
    %run_scoped3A_132 = arith.constant 1 : i32
    "tpu.region"() ({
      %run_scoped3A_270 = tpu.sem_alloc : memref<!tpu.dma_semaphore, #tpu.memory_space<semaphore_mem>>
      %dma_start3A_271 = arith.constant 384 : i32
      %dma_start3A_272 = arith.constant 0 : i32
      %dma_start3A_273 = tpu.memref_slice %arg4[%add3A_4, %run_scoped3A_132, %dma_start3A_271, %dma_start3A_272] : memref<64x3x512x128xf32, #tpu.memory_space<hbm>> -> memref<1x1x128x128xf32, #tpu.memory_space<hbm>>
      %dma_start3A_274 = tpu.memref_squeeze %dma_start3A_273 : memref<1x1x128x128xf32, #tpu.memory_space<hbm>> -> memref<128x128xf32, #tpu.memory_space<hbm>>
      %dma_start3A_275 = arith.constant 384 : i32
      %dma_start3A_276 = arith.constant 0 : i32
      %dma_start3A_277 = tpu.memref_slice %arg4[%add3A_4, %run_scoped3A_132, %dma_start3A_275, %dma_start3A_276] : memref<64x3x512x128xf32, #tpu.memory_space<hbm>> -> memref<1x1x128x128xf32, #tpu.memory_space<hbm>>
      %dma_start3A_278 = tpu.memref_squeeze %dma_start3A_277 : memref<1x1x128x128xf32, #tpu.memory_space<hbm>> -> memref<128x128xf32, #tpu.memory_space<hbm>>
      tpu.enqueue_dma source(%arg7 : memref<128x128xf32, #tpu.memory_space<vmem>>) target(%dma_start3A_278 : memref<128x128xf32, #tpu.memory_space<hbm>>) target_semaphore(%run_scoped3A_270 : memref<!tpu.dma_semaphore, #tpu.memory_space<semaphore_mem>>)
      %dma_wait3A_279 = arith.constant 384 : i32
      %dma_wait3A_280 = arith.constant 0 : i32
      %dma_wait3A_281 = tpu.memref_slice %arg4[%add3A_4, %run_scoped3A_132, %dma_wait3A_279, %dma_wait3A_280] : memref<64x3x512x128xf32, #tpu.memory_space<hbm>> -> memref<1x1x128x128xf32, #tpu.memory_space<hbm>>
      %dma_wait3A_282 = tpu.memref_squeeze %dma_wait3A_281 : memref<1x1x128x128xf32, #tpu.memory_space<hbm>> -> memref<128x128xf32, #tpu.memory_space<hbm>>
      %dma_wait3A_283 = arith.constant 384 : i32
      %dma_wait3A_284 = arith.constant 0 : i32
      %dma_wait3A_285 = tpu.memref_slice %arg4[%add3A_4, %run_scoped3A_132, %dma_wait3A_283, %dma_wait3A_284] : memref<64x3x512x128xf32, #tpu.memory_space<hbm>> -> memref<1x1x128x128xf32, #tpu.memory_space<hbm>>
      %dma_wait3A_286 = tpu.memref_squeeze %dma_wait3A_285 : memref<1x1x128x128xf32, #tpu.memory_space<hbm>> -> memref<128x128xf32, #tpu.memory_space<hbm>>
      tpu.wait_dma2 semaphore(%run_scoped3A_270 : memref<!tpu.dma_semaphore, #tpu.memory_space<semaphore_mem>>) src(%arg7 : memref<128x128xf32, #tpu.memory_space<vmem>>) dst(%dma_wait3A_286 : memref<128x128xf32, #tpu.memory_space<hbm>>)
      tpu.yield
    }) : () -> ()
    %run_scoped3A_133 = arith.constant 2 : i32
    "tpu.region"() ({
      %run_scoped3A_270 = tpu.sem_alloc : memref<!tpu.dma_semaphore, #tpu.memory_space<semaphore_mem>>
      %dma_start3A_271 = arith.constant 384 : i32
      %dma_start3A_272 = arith.constant 0 : i32
      %dma_start3A_273 = tpu.memref_slice %arg4[%add3A_4, %run_scoped3A_133, %dma_start3A_271, %dma_start3A_272] : memref<64x3x512x128xf32, #tpu.memory_space<hbm>> -> memref<1x1x128x128xf32, #tpu.memory_space<hbm>>
      %dma_start3A_274 = tpu.memref_squeeze %dma_start3A_273 : memref<1x1x128x128xf32, #tpu.memory_space<hbm>> -> memref<128x128xf32, #tpu.memory_space<hbm>>
      %dma_start3A_275 = arith.constant 384 : i32
      %dma_start3A_276 = arith.constant 0 : i32
      %dma_start3A_277 = tpu.memref_slice %arg4[%add3A_4, %run_scoped3A_133, %dma_start3A_275, %dma_start3A_276] : memref<64x3x512x128xf32, #tpu.memory_space<hbm>> -> memref<1x1x128x128xf32, #tpu.memory_space<hbm>>
      %dma_start3A_278 = tpu.memref_squeeze %dma_start3A_277 : memref<1x1x128x128xf32, #tpu.memory_space<hbm>> -> memref<128x128xf32, #tpu.memory_space<hbm>>
      tpu.enqueue_dma source(%arg8 : memref<128x128xf32, #tpu.memory_space<vmem>>) target(%dma_start3A_278 : memref<128x128xf32, #tpu.memory_space<hbm>>) target_semaphore(%run_scoped3A_270 : memref<!tpu.dma_semaphore, #tpu.memory_space<semaphore_mem>>)
      %dma_wait3A_279 = arith.constant 384 : i32
      %dma_wait3A_280 = arith.constant 0 : i32
      %dma_wait3A_281 = tpu.memref_slice %arg4[%add3A_4, %run_scoped3A_133, %dma_wait3A_279, %dma_wait3A_280] : memref<64x3x512x128xf32, #tpu.memory_space<hbm>> -> memref<1x1x128x128xf32, #tpu.memory_space<hbm>>
      %dma_wait3A_282 = tpu.memref_squeeze %dma_wait3A_281 : memref<1x1x128x128xf32, #tpu.memory_space<hbm>> -> memref<128x128xf32, #tpu.memory_space<hbm>>
      %dma_wait3A_283 = arith.constant 384 : i32
      %dma_wait3A_284 = arith.constant 0 : i32
      %dma_wait3A_285 = tpu.memref_slice %arg4[%add3A_4, %run_scoped3A_133, %dma_wait3A_283, %dma_wait3A_284] : memref<64x3x512x128xf32, #tpu.memory_space<hbm>> -> memref<1x1x128x128xf32, #tpu.memory_space<hbm>>
      %dma_wait3A_286 = tpu.memref_squeeze %dma_wait3A_285 : memref<1x1x128x128xf32, #tpu.memory_space<hbm>> -> memref<128x128xf32, #tpu.memory_space<hbm>>
      tpu.wait_dma2 semaphore(%run_scoped3A_270 : memref<!tpu.dma_semaphore, #tpu.memory_space<semaphore_mem>>) src(%arg8 : memref<128x128xf32, #tpu.memory_space<vmem>>) dst(%dma_wait3A_286 : memref<128x128xf32, #tpu.memory_space<hbm>>)
      tpu.yield
    }) : () -> ()
    %mul3A_134 = arith.constant 2 : i32
    %mul3A_135 = arith.muli %add3A, %mul3A_134 : i32
    %add3A_136 = arith.constant 1 : i32
    %add3A_137 = arith.addi %mul3A_135, %add3A_136 : i32
    "tpu.region"() ({
      %run_scoped3A_270 = tpu.sem_alloc : memref<!tpu.dma_semaphore, #tpu.memory_space<semaphore_mem>>
      %dma_start3A_271 = arith.constant 0 : i32
      %dma_start3A_272 = tpu.memref_slice %arg3[%add3A_137, %dma_start3A_271] : memref<64x1536xi32, #tpu.memory_space<hbm>> -> memref<1x1536xi32, #tpu.memory_space<hbm>>
      %dma_start3A_273 = tpu.memref_squeeze %dma_start3A_272 : memref<1x1536xi32, #tpu.memory_space<hbm>> -> memref<1536xi32, #tpu.memory_space<hbm>>
      %dma_start3A_274 = arith.constant 0 : i32
      %dma_start3A_275 = tpu.memref_slice %arg3[%add3A_137, %dma_start3A_274] : memref<64x1536xi32, #tpu.memory_space<hbm>> -> memref<1x1536xi32, #tpu.memory_space<hbm>>
      %dma_start3A_276 = tpu.memref_squeeze %dma_start3A_275 : memref<1x1536xi32, #tpu.memory_space<hbm>> -> memref<1536xi32, #tpu.memory_space<hbm>>
      tpu.enqueue_dma source(%dma_start3A_276 : memref<1536xi32, #tpu.memory_space<hbm>>) target(%arg5 : memref<1536xi32, #tpu.memory_space<vmem>>) target_semaphore(%run_scoped3A_270 : memref<!tpu.dma_semaphore, #tpu.memory_space<semaphore_mem>>)
      %dma_wait3A_277 = arith.constant 0 : i32
      %dma_wait3A_278 = tpu.memref_slice %arg3[%add3A_137, %dma_wait3A_277] : memref<64x1536xi32, #tpu.memory_space<hbm>> -> memref<1x1536xi32, #tpu.memory_space<hbm>>
      %dma_wait3A_279 = tpu.memref_squeeze %dma_wait3A_278 : memref<1x1536xi32, #tpu.memory_space<hbm>> -> memref<1536xi32, #tpu.memory_space<hbm>>
      %dma_wait3A_280 = arith.constant 0 : i32
      %dma_wait3A_281 = tpu.memref_slice %arg3[%add3A_137, %dma_wait3A_280] : memref<64x1536xi32, #tpu.memory_space<hbm>> -> memref<1x1536xi32, #tpu.memory_space<hbm>>
      %dma_wait3A_282 = tpu.memref_squeeze %dma_wait3A_281 : memref<1x1536xi32, #tpu.memory_space<hbm>> -> memref<1536xi32, #tpu.memory_space<hbm>>
      tpu.wait_dma2 semaphore(%run_scoped3A_270 : memref<!tpu.dma_semaphore, #tpu.memory_space<semaphore_mem>>) src(%dma_wait3A_282 : memref<1536xi32, #tpu.memory_space<hbm>>) dst(%arg5 : memref<1536xi32, #tpu.memory_space<vmem>>)
      tpu.yield
    }) : () -> ()
    %dma_start3A_138 = arith.constant 0 : i32
    %dma_start3A_139 = tpu.memref_slice %arg5[%dma_start3A_138] : memref<1536xi32, #tpu.memory_space<vmem>> -> memref<128xi32, #tpu.memory_space<vmem>>
    %dma_start3A_140 = arith.constant 0 : i32
    %dma_start3A_141 = arith.constant 0 : i32
    %dma_start3A_142 = tpu.memref_slice %arg2[%dma_start3A_140, %dma_start3A_141] : memref<8192x128xf32, #tpu.memory_space<hbm>> -> memref<8192x128xf32, #tpu.memory_space<hbm>>
    tpu.enqueue_indirect_dma source(%dma_start3A_142 : memref<8192x128xf32, #tpu.memory_space<hbm>>) target(%arg6 : memref<128x128xf32, #tpu.memory_space<vmem>>) offsets(%dma_start3A_139 : memref<128xi32, #tpu.memory_space<vmem>>) semaphore(%arg9 : memref<!tpu.dma_semaphore, #tpu.memory_space<semaphore_mem>>)
    %dma_start3A_143 = arith.constant 512 : i32
    %dma_start3A_144 = tpu.memref_slice %arg5[%dma_start3A_143] : memref<1536xi32, #tpu.memory_space<vmem>> -> memref<128xi32, #tpu.memory_space<vmem>>
    %dma_start3A_145 = arith.constant 0 : i32
    %dma_start3A_146 = arith.constant 0 : i32
    %dma_start3A_147 = tpu.memref_slice %arg2[%dma_start3A_145, %dma_start3A_146] : memref<8192x128xf32, #tpu.memory_space<hbm>> -> memref<8192x128xf32, #tpu.memory_space<hbm>>
    tpu.enqueue_indirect_dma source(%dma_start3A_147 : memref<8192x128xf32, #tpu.memory_space<hbm>>) target(%arg7 : memref<128x128xf32, #tpu.memory_space<vmem>>) offsets(%dma_start3A_144 : memref<128xi32, #tpu.memory_space<vmem>>) semaphore(%arg9 : memref<!tpu.dma_semaphore, #tpu.memory_space<semaphore_mem>>)
    %dma_start3A_148 = arith.constant 1024 : i32
    %dma_start3A_149 = tpu.memref_slice %arg5[%dma_start3A_148] : memref<1536xi32, #tpu.memory_space<vmem>> -> memref<128xi32, #tpu.memory_space<vmem>>
    %dma_start3A_150 = arith.constant 0 : i32
    %dma_start3A_151 = arith.constant 0 : i32
    %dma_start3A_152 = tpu.memref_slice %arg2[%dma_start3A_150, %dma_start3A_151] : memref<8192x128xf32, #tpu.memory_space<hbm>> -> memref<8192x128xf32, #tpu.memory_space<hbm>>
    tpu.enqueue_indirect_dma source(%dma_start3A_152 : memref<8192x128xf32, #tpu.memory_space<hbm>>) target(%arg8 : memref<128x128xf32, #tpu.memory_space<vmem>>) offsets(%dma_start3A_149 : memref<128xi32, #tpu.memory_space<vmem>>) semaphore(%arg9 : memref<!tpu.dma_semaphore, #tpu.memory_space<semaphore_mem>>)
    %dma_wait3A_153 = arith.constant 0 : i32
    %dma_wait3A_154 = tpu.memref_slice %arg5[%dma_wait3A_153] : memref<1536xi32, #tpu.memory_space<vmem>> -> memref<128xi32, #tpu.memory_space<vmem>>
    %dma_wait3A_155 = arith.constant 0 : i32
    %dma_wait3A_156 = arith.constant 0 : i32
    %dma_wait3A_157 = tpu.memref_slice %arg2[%dma_wait3A_155, %dma_wait3A_156] : memref<8192x128xf32, #tpu.memory_space<hbm>> -> memref<8192x128xf32, #tpu.memory_space<hbm>>
    tpu.wait_indirect_dma semaphore(%arg9 : memref<!tpu.dma_semaphore, #tpu.memory_space<semaphore_mem>>) src(%dma_wait3A_157 : memref<8192x128xf32, #tpu.memory_space<hbm>>) dst(%arg6 : memref<128x128xf32, #tpu.memory_space<vmem>>)
    %dma_wait3A_158 = arith.constant 512 : i32
    %dma_wait3A_159 = tpu.memref_slice %arg5[%dma_wait3A_158] : memref<1536xi32, #tpu.memory_space<vmem>> -> memref<128xi32, #tpu.memory_space<vmem>>
    %dma_wait3A_160 = arith.constant 0 : i32
    %dma_wait3A_161 = arith.constant 0 : i32
    %dma_wait3A_162 = tpu.memref_slice %arg2[%dma_wait3A_160, %dma_wait3A_161] : memref<8192x128xf32, #tpu.memory_space<hbm>> -> memref<8192x128xf32, #tpu.memory_space<hbm>>
    tpu.wait_indirect_dma semaphore(%arg9 : memref<!tpu.dma_semaphore, #tpu.memory_space<semaphore_mem>>) src(%dma_wait3A_162 : memref<8192x128xf32, #tpu.memory_space<hbm>>) dst(%arg7 : memref<128x128xf32, #tpu.memory_space<vmem>>)
    %dma_wait3A_163 = arith.constant 1024 : i32
    %dma_wait3A_164 = tpu.memref_slice %arg5[%dma_wait3A_163] : memref<1536xi32, #tpu.memory_space<vmem>> -> memref<128xi32, #tpu.memory_space<vmem>>
    %dma_wait3A_165 = arith.constant 0 : i32
    %dma_wait3A_166 = arith.constant 0 : i32
    %dma_wait3A_167 = tpu.memref_slice %arg2[%dma_wait3A_165, %dma_wait3A_166] : memref<8192x128xf32, #tpu.memory_space<hbm>> -> memref<8192x128xf32, #tpu.memory_space<hbm>>
    tpu.wait_indirect_dma semaphore(%arg9 : memref<!tpu.dma_semaphore, #tpu.memory_space<semaphore_mem>>) src(%dma_wait3A_167 : memref<8192x128xf32, #tpu.memory_space<hbm>>) dst(%arg8 : memref<128x128xf32, #tpu.memory_space<vmem>>)
    %run_scoped3A_168 = arith.constant 0 : i32
    "tpu.region"() ({
      %run_scoped3A_270 = tpu.sem_alloc : memref<!tpu.dma_semaphore, #tpu.memory_space<semaphore_mem>>
      %dma_start3A_271 = arith.constant 0 : i32
      %dma_start3A_272 = arith.constant 0 : i32
      %dma_start3A_273 = tpu.memref_slice %arg4[%add3A_137, %run_scoped3A_168, %dma_start3A_271, %dma_start3A_272] : memref<64x3x512x128xf32, #tpu.memory_space<hbm>> -> memref<1x1x128x128xf32, #tpu.memory_space<hbm>>
      %dma_start3A_274 = tpu.memref_squeeze %dma_start3A_273 : memref<1x1x128x128xf32, #tpu.memory_space<hbm>> -> memref<128x128xf32, #tpu.memory_space<hbm>>
      %dma_start3A_275 = arith.constant 0 : i32
      %dma_start3A_276 = arith.constant 0 : i32
      %dma_start3A_277 = tpu.memref_slice %arg4[%add3A_137, %run_scoped3A_168, %dma_start3A_275, %dma_start3A_276] : memref<64x3x512x128xf32, #tpu.memory_space<hbm>> -> memref<1x1x128x128xf32, #tpu.memory_space<hbm>>
      %dma_start3A_278 = tpu.memref_squeeze %dma_start3A_277 : memref<1x1x128x128xf32, #tpu.memory_space<hbm>> -> memref<128x128xf32, #tpu.memory_space<hbm>>
      tpu.enqueue_dma source(%arg6 : memref<128x128xf32, #tpu.memory_space<vmem>>) target(%dma_start3A_278 : memref<128x128xf32, #tpu.memory_space<hbm>>) target_semaphore(%run_scoped3A_270 : memref<!tpu.dma_semaphore, #tpu.memory_space<semaphore_mem>>)
      %dma_wait3A_279 = arith.constant 0 : i32
      %dma_wait3A_280 = arith.constant 0 : i32
      %dma_wait3A_281 = tpu.memref_slice %arg4[%add3A_137, %run_scoped3A_168, %dma_wait3A_279, %dma_wait3A_280] : memref<64x3x512x128xf32, #tpu.memory_space<hbm>> -> memref<1x1x128x128xf32, #tpu.memory_space<hbm>>
      %dma_wait3A_282 = tpu.memref_squeeze %dma_wait3A_281 : memref<1x1x128x128xf32, #tpu.memory_space<hbm>> -> memref<128x128xf32, #tpu.memory_space<hbm>>
      %dma_wait3A_283 = arith.constant 0 : i32
      %dma_wait3A_284 = arith.constant 0 : i32
      %dma_wait3A_285 = tpu.memref_slice %arg4[%add3A_137, %run_scoped3A_168, %dma_wait3A_283, %dma_wait3A_284] : memref<64x3x512x128xf32, #tpu.memory_space<hbm>> -> memref<1x1x128x128xf32, #tpu.memory_space<hbm>>
      %dma_wait3A_286 = tpu.memref_squeeze %dma_wait3A_285 : memref<1x1x128x128xf32, #tpu.memory_space<hbm>> -> memref<128x128xf32, #tpu.memory_space<hbm>>
      tpu.wait_dma2 semaphore(%run_scoped3A_270 : memref<!tpu.dma_semaphore, #tpu.memory_space<semaphore_mem>>) src(%arg6 : memref<128x128xf32, #tpu.memory_space<vmem>>) dst(%dma_wait3A_286 : memref<128x128xf32, #tpu.memory_space<hbm>>)
      tpu.yield
    }) : () -> ()
    %run_scoped3A_169 = arith.constant 1 : i32
    "tpu.region"() ({
      %run_scoped3A_270 = tpu.sem_alloc : memref<!tpu.dma_semaphore, #tpu.memory_space<semaphore_mem>>
      %dma_start3A_271 = arith.constant 0 : i32
      %dma_start3A_272 = arith.constant 0 : i32
      %dma_start3A_273 = tpu.memref_slice %arg4[%add3A_137, %run_scoped3A_169, %dma_start3A_271, %dma_start3A_272] : memref<64x3x512x128xf32, #tpu.memory_space<hbm>> -> memref<1x1x128x128xf32, #tpu.memory_space<hbm>>
      %dma_start3A_274 = tpu.memref_squeeze %dma_start3A_273 : memref<1x1x128x128xf32, #tpu.memory_space<hbm>> -> memref<128x128xf32, #tpu.memory_space<hbm>>
      %dma_start3A_275 = arith.constant 0 : i32
      %dma_start3A_276 = arith.constant 0 : i32
      %dma_start3A_277 = tpu.memref_slice %arg4[%add3A_137, %run_scoped3A_169, %dma_start3A_275, %dma_start3A_276] : memref<64x3x512x128xf32, #tpu.memory_space<hbm>> -> memref<1x1x128x128xf32, #tpu.memory_space<hbm>>
      %dma_start3A_278 = tpu.memref_squeeze %dma_start3A_277 : memref<1x1x128x128xf32, #tpu.memory_space<hbm>> -> memref<128x128xf32, #tpu.memory_space<hbm>>
      tpu.enqueue_dma source(%arg7 : memref<128x128xf32, #tpu.memory_space<vmem>>) target(%dma_start3A_278 : memref<128x128xf32, #tpu.memory_space<hbm>>) target_semaphore(%run_scoped3A_270 : memref<!tpu.dma_semaphore, #tpu.memory_space<semaphore_mem>>)
      %dma_wait3A_279 = arith.constant 0 : i32
      %dma_wait3A_280 = arith.constant 0 : i32
      %dma_wait3A_281 = tpu.memref_slice %arg4[%add3A_137, %run_scoped3A_169, %dma_wait3A_279, %dma_wait3A_280] : memref<64x3x512x128xf32, #tpu.memory_space<hbm>> -> memref<1x1x128x128xf32, #tpu.memory_space<hbm>>
      %dma_wait3A_282 = tpu.memref_squeeze %dma_wait3A_281 : memref<1x1x128x128xf32, #tpu.memory_space<hbm>> -> memref<128x128xf32, #tpu.memory_space<hbm>>
      %dma_wait3A_283 = arith.constant 0 : i32
      %dma_wait3A_284 = arith.constant 0 : i32
      %dma_wait3A_285 = tpu.memref_slice %arg4[%add3A_137, %run_scoped3A_169, %dma_wait3A_283, %dma_wait3A_284] : memref<64x3x512x128xf32, #tpu.memory_space<hbm>> -> memref<1x1x128x128xf32, #tpu.memory_space<hbm>>
      %dma_wait3A_286 = tpu.memref_squeeze %dma_wait3A_285 : memref<1x1x128x128xf32, #tpu.memory_space<hbm>> -> memref<128x128xf32, #tpu.memory_space<hbm>>
      tpu.wait_dma2 semaphore(%run_scoped3A_270 : memref<!tpu.dma_semaphore, #tpu.memory_space<semaphore_mem>>) src(%arg7 : memref<128x128xf32, #tpu.memory_space<vmem>>) dst(%dma_wait3A_286 : memref<128x128xf32, #tpu.memory_space<hbm>>)
      tpu.yield
    }) : () -> ()
    %run_scoped3A_170 = arith.constant 2 : i32
    "tpu.region"() ({
      %run_scoped3A_270 = tpu.sem_alloc : memref<!tpu.dma_semaphore, #tpu.memory_space<semaphore_mem>>
      %dma_start3A_271 = arith.constant 0 : i32
      %dma_start3A_272 = arith.constant 0 : i32
      %dma_start3A_273 = tpu.memref_slice %arg4[%add3A_137, %run_scoped3A_170, %dma_start3A_271, %dma_start3A_272] : memref<64x3x512x128xf32, #tpu.memory_space<hbm>> -> memref<1x1x128x128xf32, #tpu.memory_space<hbm>>
      %dma_start3A_274 = tpu.memref_squeeze %dma_start3A_273 : memref<1x1x128x128xf32, #tpu.memory_space<hbm>> -> memref<128x128xf32, #tpu.memory_space<hbm>>
      %dma_start3A_275 = arith.constant 0 : i32
      %dma_start3A_276 = arith.constant 0 : i32
      %dma_start3A_277 = tpu.memref_slice %arg4[%add3A_137, %run_scoped3A_170, %dma_start3A_275, %dma_start3A_276] : memref<64x3x512x128xf32, #tpu.memory_space<hbm>> -> memref<1x1x128x128xf32, #tpu.memory_space<hbm>>
      %dma_start3A_278 = tpu.memref_squeeze %dma_start3A_277 : memref<1x1x128x128xf32, #tpu.memory_space<hbm>> -> memref<128x128xf32, #tpu.memory_space<hbm>>
      tpu.enqueue_dma source(%arg8 : memref<128x128xf32, #tpu.memory_space<vmem>>) target(%dma_start3A_278 : memref<128x128xf32, #tpu.memory_space<hbm>>) target_semaphore(%run_scoped3A_270 : memref<!tpu.dma_semaphore, #tpu.memory_space<semaphore_mem>>)
      %dma_wait3A_279 = arith.constant 0 : i32
      %dma_wait3A_280 = arith.constant 0 : i32
      %dma_wait3A_281 = tpu.memref_slice %arg4[%add3A_137, %run_scoped3A_170, %dma_wait3A_279, %dma_wait3A_280] : memref<64x3x512x128xf32, #tpu.memory_space<hbm>> -> memref<1x1x128x128xf32, #tpu.memory_space<hbm>>
      %dma_wait3A_282 = tpu.memref_squeeze %dma_wait3A_281 : memref<1x1x128x128xf32, #tpu.memory_space<hbm>> -> memref<128x128xf32, #tpu.memory_space<hbm>>
      %dma_wait3A_283 = arith.constant 0 : i32
      %dma_wait3A_284 = arith.constant 0 : i32
      %dma_wait3A_285 = tpu.memref_slice %arg4[%add3A_137, %run_scoped3A_170, %dma_wait3A_283, %dma_wait3A_284] : memref<64x3x512x128xf32, #tpu.memory_space<hbm>> -> memref<1x1x128x128xf32, #tpu.memory_space<hbm>>
      %dma_wait3A_286 = tpu.memref_squeeze %dma_wait3A_285 : memref<1x1x128x128xf32, #tpu.memory_space<hbm>> -> memref<128x128xf32, #tpu.memory_space<hbm>>
      tpu.wait_dma2 semaphore(%run_scoped3A_270 : memref<!tpu.dma_semaphore, #tpu.memory_space<semaphore_mem>>) src(%arg8 : memref<128x128xf32, #tpu.memory_space<vmem>>) dst(%dma_wait3A_286 : memref<128x128xf32, #tpu.memory_space<hbm>>)
      tpu.yield
    }) : () -> ()
    %dma_start3A_171 = arith.constant 128 : i32
    %dma_start3A_172 = tpu.memref_slice %arg5[%dma_start3A_171] : memref<1536xi32, #tpu.memory_space<vmem>> -> memref<128xi32, #tpu.memory_space<vmem>>
    %dma_start3A_173 = arith.constant 0 : i32
    %dma_start3A_174 = arith.constant 0 : i32
    %dma_start3A_175 = tpu.memref_slice %arg2[%dma_start3A_173, %dma_start3A_174] : memref<8192x128xf32, #tpu.memory_space<hbm>> -> memref<8192x128xf32, #tpu.memory_space<hbm>>
    tpu.enqueue_indirect_dma source(%dma_start3A_175 : memref<8192x128xf32, #tpu.memory_space<hbm>>) target(%arg6 : memref<128x128xf32, #tpu.memory_space<vmem>>) offsets(%dma_start3A_172 : memref<128xi32, #tpu.memory_space<vmem>>) semaphore(%arg9 : memref<!tpu.dma_semaphore, #tpu.memory_space<semaphore_mem>>)
    %dma_start3A_176 = arith.constant 640 : i32
    %dma_start3A_177 = tpu.memref_slice %arg5[%dma_start3A_176] : memref<1536xi32, #tpu.memory_space<vmem>> -> memref<128xi32, #tpu.memory_space<vmem>>
    %dma_start3A_178 = arith.constant 0 : i32
    %dma_start3A_179 = arith.constant 0 : i32
    %dma_start3A_180 = tpu.memref_slice %arg2[%dma_start3A_178, %dma_start3A_179] : memref<8192x128xf32, #tpu.memory_space<hbm>> -> memref<8192x128xf32, #tpu.memory_space<hbm>>
    tpu.enqueue_indirect_dma source(%dma_start3A_180 : memref<8192x128xf32, #tpu.memory_space<hbm>>) target(%arg7 : memref<128x128xf32, #tpu.memory_space<vmem>>) offsets(%dma_start3A_177 : memref<128xi32, #tpu.memory_space<vmem>>) semaphore(%arg9 : memref<!tpu.dma_semaphore, #tpu.memory_space<semaphore_mem>>)
    %dma_start3A_181 = arith.constant 1152 : i32
    %dma_start3A_182 = tpu.memref_slice %arg5[%dma_start3A_181] : memref<1536xi32, #tpu.memory_space<vmem>> -> memref<128xi32, #tpu.memory_space<vmem>>
    %dma_start3A_183 = arith.constant 0 : i32
    %dma_start3A_184 = arith.constant 0 : i32
    %dma_start3A_185 = tpu.memref_slice %arg2[%dma_start3A_183, %dma_start3A_184] : memref<8192x128xf32, #tpu.memory_space<hbm>> -> memref<8192x128xf32, #tpu.memory_space<hbm>>
    tpu.enqueue_indirect_dma source(%dma_start3A_185 : memref<8192x128xf32, #tpu.memory_space<hbm>>) target(%arg8 : memref<128x128xf32, #tpu.memory_space<vmem>>) offsets(%dma_start3A_182 : memref<128xi32, #tpu.memory_space<vmem>>) semaphore(%arg9 : memref<!tpu.dma_semaphore, #tpu.memory_space<semaphore_mem>>)
    %dma_wait3A_186 = arith.constant 128 : i32
    %dma_wait3A_187 = tpu.memref_slice %arg5[%dma_wait3A_186] : memref<1536xi32, #tpu.memory_space<vmem>> -> memref<128xi32, #tpu.memory_space<vmem>>
    %dma_wait3A_188 = arith.constant 0 : i32
    %dma_wait3A_189 = arith.constant 0 : i32
    %dma_wait3A_190 = tpu.memref_slice %arg2[%dma_wait3A_188, %dma_wait3A_189] : memref<8192x128xf32, #tpu.memory_space<hbm>> -> memref<8192x128xf32, #tpu.memory_space<hbm>>
    tpu.wait_indirect_dma semaphore(%arg9 : memref<!tpu.dma_semaphore, #tpu.memory_space<semaphore_mem>>) src(%dma_wait3A_190 : memref<8192x128xf32, #tpu.memory_space<hbm>>) dst(%arg6 : memref<128x128xf32, #tpu.memory_space<vmem>>)
    %dma_wait3A_191 = arith.constant 640 : i32
    %dma_wait3A_192 = tpu.memref_slice %arg5[%dma_wait3A_191] : memref<1536xi32, #tpu.memory_space<vmem>> -> memref<128xi32, #tpu.memory_space<vmem>>
    %dma_wait3A_193 = arith.constant 0 : i32
    %dma_wait3A_194 = arith.constant 0 : i32
    %dma_wait3A_195 = tpu.memref_slice %arg2[%dma_wait3A_193, %dma_wait3A_194] : memref<8192x128xf32, #tpu.memory_space<hbm>> -> memref<8192x128xf32, #tpu.memory_space<hbm>>
    tpu.wait_indirect_dma semaphore(%arg9 : memref<!tpu.dma_semaphore, #tpu.memory_space<semaphore_mem>>) src(%dma_wait3A_195 : memref<8192x128xf32, #tpu.memory_space<hbm>>) dst(%arg7 : memref<128x128xf32, #tpu.memory_space<vmem>>)
    %dma_wait3A_196 = arith.constant 1152 : i32
    %dma_wait3A_197 = tpu.memref_slice %arg5[%dma_wait3A_196] : memref<1536xi32, #tpu.memory_space<vmem>> -> memref<128xi32, #tpu.memory_space<vmem>>
    %dma_wait3A_198 = arith.constant 0 : i32
    %dma_wait3A_199 = arith.constant 0 : i32
    %dma_wait3A_200 = tpu.memref_slice %arg2[%dma_wait3A_198, %dma_wait3A_199] : memref<8192x128xf32, #tpu.memory_space<hbm>> -> memref<8192x128xf32, #tpu.memory_space<hbm>>
    tpu.wait_indirect_dma semaphore(%arg9 : memref<!tpu.dma_semaphore, #tpu.memory_space<semaphore_mem>>) src(%dma_wait3A_200 : memref<8192x128xf32, #tpu.memory_space<hbm>>) dst(%arg8 : memref<128x128xf32, #tpu.memory_space<vmem>>)
    %run_scoped3A_201 = arith.constant 0 : i32
    "tpu.region"() ({
      %run_scoped3A_270 = tpu.sem_alloc : memref<!tpu.dma_semaphore, #tpu.memory_space<semaphore_mem>>
      %dma_start3A_271 = arith.constant 128 : i32
      %dma_start3A_272 = arith.constant 0 : i32
      %dma_start3A_273 = tpu.memref_slice %arg4[%add3A_137, %run_scoped3A_201, %dma_start3A_271, %dma_start3A_272] : memref<64x3x512x128xf32, #tpu.memory_space<hbm>> -> memref<1x1x128x128xf32, #tpu.memory_space<hbm>>
      %dma_start3A_274 = tpu.memref_squeeze %dma_start3A_273 : memref<1x1x128x128xf32, #tpu.memory_space<hbm>> -> memref<128x128xf32, #tpu.memory_space<hbm>>
      %dma_start3A_275 = arith.constant 128 : i32
      %dma_start3A_276 = arith.constant 0 : i32
      %dma_start3A_277 = tpu.memref_slice %arg4[%add3A_137, %run_scoped3A_201, %dma_start3A_275, %dma_start3A_276] : memref<64x3x512x128xf32, #tpu.memory_space<hbm>> -> memref<1x1x128x128xf32, #tpu.memory_space<hbm>>
      %dma_start3A_278 = tpu.memref_squeeze %dma_start3A_277 : memref<1x1x128x128xf32, #tpu.memory_space<hbm>> -> memref<128x128xf32, #tpu.memory_space<hbm>>
      tpu.enqueue_dma source(%arg6 : memref<128x128xf32, #tpu.memory_space<vmem>>) target(%dma_start3A_278 : memref<128x128xf32, #tpu.memory_space<hbm>>) target_semaphore(%run_scoped3A_270 : memref<!tpu.dma_semaphore, #tpu.memory_space<semaphore_mem>>)
      %dma_wait3A_279 = arith.constant 128 : i32
      %dma_wait3A_280 = arith.constant 0 : i32
      %dma_wait3A_281 = tpu.memref_slice %arg4[%add3A_137, %run_scoped3A_201, %dma_wait3A_279, %dma_wait3A_280] : memref<64x3x512x128xf32, #tpu.memory_space<hbm>> -> memref<1x1x128x128xf32, #tpu.memory_space<hbm>>
      %dma_wait3A_282 = tpu.memref_squeeze %dma_wait3A_281 : memref<1x1x128x128xf32, #tpu.memory_space<hbm>> -> memref<128x128xf32, #tpu.memory_space<hbm>>
      %dma_wait3A_283 = arith.constant 128 : i32
      %dma_wait3A_284 = arith.constant 0 : i32
      %dma_wait3A_285 = tpu.memref_slice %arg4[%add3A_137, %run_scoped3A_201, %dma_wait3A_283, %dma_wait3A_284] : memref<64x3x512x128xf32, #tpu.memory_space<hbm>> -> memref<1x1x128x128xf32, #tpu.memory_space<hbm>>
      %dma_wait3A_286 = tpu.memref_squeeze %dma_wait3A_285 : memref<1x1x128x128xf32, #tpu.memory_space<hbm>> -> memref<128x128xf32, #tpu.memory_space<hbm>>
      tpu.wait_dma2 semaphore(%run_scoped3A_270 : memref<!tpu.dma_semaphore, #tpu.memory_space<semaphore_mem>>) src(%arg6 : memref<128x128xf32, #tpu.memory_space<vmem>>) dst(%dma_wait3A_286 : memref<128x128xf32, #tpu.memory_space<hbm>>)
      tpu.yield
    }) : () -> ()
    %run_scoped3A_202 = arith.constant 1 : i32
    "tpu.region"() ({
      %run_scoped3A_270 = tpu.sem_alloc : memref<!tpu.dma_semaphore, #tpu.memory_space<semaphore_mem>>
      %dma_start3A_271 = arith.constant 128 : i32
      %dma_start3A_272 = arith.constant 0 : i32
      %dma_start3A_273 = tpu.memref_slice %arg4[%add3A_137, %run_scoped3A_202, %dma_start3A_271, %dma_start3A_272] : memref<64x3x512x128xf32, #tpu.memory_space<hbm>> -> memref<1x1x128x128xf32, #tpu.memory_space<hbm>>
      %dma_start3A_274 = tpu.memref_squeeze %dma_start3A_273 : memref<1x1x128x128xf32, #tpu.memory_space<hbm>> -> memref<128x128xf32, #tpu.memory_space<hbm>>
      %dma_start3A_275 = arith.constant 128 : i32
      %dma_start3A_276 = arith.constant 0 : i32
      %dma_start3A_277 = tpu.memref_slice %arg4[%add3A_137, %run_scoped3A_202, %dma_start3A_275, %dma_start3A_276] : memref<64x3x512x128xf32, #tpu.memory_space<hbm>> -> memref<1x1x128x128xf32, #tpu.memory_space<hbm>>
      %dma_start3A_278 = tpu.memref_squeeze %dma_start3A_277 : memref<1x1x128x128xf32, #tpu.memory_space<hbm>> -> memref<128x128xf32, #tpu.memory_space<hbm>>
      tpu.enqueue_dma source(%arg7 : memref<128x128xf32, #tpu.memory_space<vmem>>) target(%dma_start3A_278 : memref<128x128xf32, #tpu.memory_space<hbm>>) target_semaphore(%run_scoped3A_270 : memref<!tpu.dma_semaphore, #tpu.memory_space<semaphore_mem>>)
      %dma_wait3A_279 = arith.constant 128 : i32
      %dma_wait3A_280 = arith.constant 0 : i32
      %dma_wait3A_281 = tpu.memref_slice %arg4[%add3A_137, %run_scoped3A_202, %dma_wait3A_279, %dma_wait3A_280] : memref<64x3x512x128xf32, #tpu.memory_space<hbm>> -> memref<1x1x128x128xf32, #tpu.memory_space<hbm>>
      %dma_wait3A_282 = tpu.memref_squeeze %dma_wait3A_281 : memref<1x1x128x128xf32, #tpu.memory_space<hbm>> -> memref<128x128xf32, #tpu.memory_space<hbm>>
      %dma_wait3A_283 = arith.constant 128 : i32
      %dma_wait3A_284 = arith.constant 0 : i32
      %dma_wait3A_285 = tpu.memref_slice %arg4[%add3A_137, %run_scoped3A_202, %dma_wait3A_283, %dma_wait3A_284] : memref<64x3x512x128xf32, #tpu.memory_space<hbm>> -> memref<1x1x128x128xf32, #tpu.memory_space<hbm>>
      %dma_wait3A_286 = tpu.memref_squeeze %dma_wait3A_285 : memref<1x1x128x128xf32, #tpu.memory_space<hbm>> -> memref<128x128xf32, #tpu.memory_space<hbm>>
      tpu.wait_dma2 semaphore(%run_scoped3A_270 : memref<!tpu.dma_semaphore, #tpu.memory_space<semaphore_mem>>) src(%arg7 : memref<128x128xf32, #tpu.memory_space<vmem>>) dst(%dma_wait3A_286 : memref<128x128xf32, #tpu.memory_space<hbm>>)
      tpu.yield
    }) : () -> ()
    %run_scoped3A_203 = arith.constant 2 : i32
    "tpu.region"() ({
      %run_scoped3A_270 = tpu.sem_alloc : memref<!tpu.dma_semaphore, #tpu.memory_space<semaphore_mem>>
      %dma_start3A_271 = arith.constant 128 : i32
      %dma_start3A_272 = arith.constant 0 : i32
      %dma_start3A_273 = tpu.memref_slice %arg4[%add3A_137, %run_scoped3A_203, %dma_start3A_271, %dma_start3A_272] : memref<64x3x512x128xf32, #tpu.memory_space<hbm>> -> memref<1x1x128x128xf32, #tpu.memory_space<hbm>>
      %dma_start3A_274 = tpu.memref_squeeze %dma_start3A_273 : memref<1x1x128x128xf32, #tpu.memory_space<hbm>> -> memref<128x128xf32, #tpu.memory_space<hbm>>
      %dma_start3A_275 = arith.constant 128 : i32
      %dma_start3A_276 = arith.constant 0 : i32
      %dma_start3A_277 = tpu.memref_slice %arg4[%add3A_137, %run_scoped3A_203, %dma_start3A_275, %dma_start3A_276] : memref<64x3x512x128xf32, #tpu.memory_space<hbm>> -> memref<1x1x128x128xf32, #tpu.memory_space<hbm>>
      %dma_start3A_278 = tpu.memref_squeeze %dma_start3A_277 : memref<1x1x128x128xf32, #tpu.memory_space<hbm>> -> memref<128x128xf32, #tpu.memory_space<hbm>>
      tpu.enqueue_dma source(%arg8 : memref<128x128xf32, #tpu.memory_space<vmem>>) target(%dma_start3A_278 : memref<128x128xf32, #tpu.memory_space<hbm>>) target_semaphore(%run_scoped3A_270 : memref<!tpu.dma_semaphore, #tpu.memory_space<semaphore_mem>>)
      %dma_wait3A_279 = arith.constant 128 : i32
      %dma_wait3A_280 = arith.constant 0 : i32
      %dma_wait3A_281 = tpu.memref_slice %arg4[%add3A_137, %run_scoped3A_203, %dma_wait3A_279, %dma_wait3A_280] : memref<64x3x512x128xf32, #tpu.memory_space<hbm>> -> memref<1x1x128x128xf32, #tpu.memory_space<hbm>>
      %dma_wait3A_282 = tpu.memref_squeeze %dma_wait3A_281 : memref<1x1x128x128xf32, #tpu.memory_space<hbm>> -> memref<128x128xf32, #tpu.memory_space<hbm>>
      %dma_wait3A_283 = arith.constant 128 : i32
      %dma_wait3A_284 = arith.constant 0 : i32
      %dma_wait3A_285 = tpu.memref_slice %arg4[%add3A_137, %run_scoped3A_203, %dma_wait3A_283, %dma_wait3A_284] : memref<64x3x512x128xf32, #tpu.memory_space<hbm>> -> memref<1x1x128x128xf32, #tpu.memory_space<hbm>>
      %dma_wait3A_286 = tpu.memref_squeeze %dma_wait3A_285 : memref<1x1x128x128xf32, #tpu.memory_space<hbm>> -> memref<128x128xf32, #tpu.memory_space<hbm>>
      tpu.wait_dma2 semaphore(%run_scoped3A_270 : memref<!tpu.dma_semaphore, #tpu.memory_space<semaphore_mem>>) src(%arg8 : memref<128x128xf32, #tpu.memory_space<vmem>>) dst(%dma_wait3A_286 : memref<128x128xf32, #tpu.memory_space<hbm>>)
      tpu.yield
    }) : () -> ()
    %dma_start3A_204 = arith.constant 256 : i32
    %dma_start3A_205 = tpu.memref_slice %arg5[%dma_start3A_204] : memref<1536xi32, #tpu.memory_space<vmem>> -> memref<128xi32, #tpu.memory_space<vmem>>
    %dma_start3A_206 = arith.constant 0 : i32
    %dma_start3A_207 = arith.constant 0 : i32
    %dma_start3A_208 = tpu.memref_slice %arg2[%dma_start3A_206, %dma_start3A_207] : memref<8192x128xf32, #tpu.memory_space<hbm>> -> memref<8192x128xf32, #tpu.memory_space<hbm>>
    tpu.enqueue_indirect_dma source(%dma_start3A_208 : memref<8192x128xf32, #tpu.memory_space<hbm>>) target(%arg6 : memref<128x128xf32, #tpu.memory_space<vmem>>) offsets(%dma_start3A_205 : memref<128xi32, #tpu.memory_space<vmem>>) semaphore(%arg9 : memref<!tpu.dma_semaphore, #tpu.memory_space<semaphore_mem>>)
    %dma_start3A_209 = arith.constant 768 : i32
    %dma_start3A_210 = tpu.memref_slice %arg5[%dma_start3A_209] : memref<1536xi32, #tpu.memory_space<vmem>> -> memref<128xi32, #tpu.memory_space<vmem>>
    %dma_start3A_211 = arith.constant 0 : i32
    %dma_start3A_212 = arith.constant 0 : i32
    %dma_start3A_213 = tpu.memref_slice %arg2[%dma_start3A_211, %dma_start3A_212] : memref<8192x128xf32, #tpu.memory_space<hbm>> -> memref<8192x128xf32, #tpu.memory_space<hbm>>
    tpu.enqueue_indirect_dma source(%dma_start3A_213 : memref<8192x128xf32, #tpu.memory_space<hbm>>) target(%arg7 : memref<128x128xf32, #tpu.memory_space<vmem>>) offsets(%dma_start3A_210 : memref<128xi32, #tpu.memory_space<vmem>>) semaphore(%arg9 : memref<!tpu.dma_semaphore, #tpu.memory_space<semaphore_mem>>)
    %dma_start3A_214 = arith.constant 1280 : i32
    %dma_start3A_215 = tpu.memref_slice %arg5[%dma_start3A_214] : memref<1536xi32, #tpu.memory_space<vmem>> -> memref<128xi32, #tpu.memory_space<vmem>>
    %dma_start3A_216 = arith.constant 0 : i32
    %dma_start3A_217 = arith.constant 0 : i32
    %dma_start3A_218 = tpu.memref_slice %arg2[%dma_start3A_216, %dma_start3A_217] : memref<8192x128xf32, #tpu.memory_space<hbm>> -> memref<8192x128xf32, #tpu.memory_space<hbm>>
    tpu.enqueue_indirect_dma source(%dma_start3A_218 : memref<8192x128xf32, #tpu.memory_space<hbm>>) target(%arg8 : memref<128x128xf32, #tpu.memory_space<vmem>>) offsets(%dma_start3A_215 : memref<128xi32, #tpu.memory_space<vmem>>) semaphore(%arg9 : memref<!tpu.dma_semaphore, #tpu.memory_space<semaphore_mem>>)
    %dma_wait3A_219 = arith.constant 256 : i32
    %dma_wait3A_220 = tpu.memref_slice %arg5[%dma_wait3A_219] : memref<1536xi32, #tpu.memory_space<vmem>> -> memref<128xi32, #tpu.memory_space<vmem>>
    %dma_wait3A_221 = arith.constant 0 : i32
    %dma_wait3A_222 = arith.constant 0 : i32
    %dma_wait3A_223 = tpu.memref_slice %arg2[%dma_wait3A_221, %dma_wait3A_222] : memref<8192x128xf32, #tpu.memory_space<hbm>> -> memref<8192x128xf32, #tpu.memory_space<hbm>>
    tpu.wait_indirect_dma semaphore(%arg9 : memref<!tpu.dma_semaphore, #tpu.memory_space<semaphore_mem>>) src(%dma_wait3A_223 : memref<8192x128xf32, #tpu.memory_space<hbm>>) dst(%arg6 : memref<128x128xf32, #tpu.memory_space<vmem>>)
    %dma_wait3A_224 = arith.constant 768 : i32
    %dma_wait3A_225 = tpu.memref_slice %arg5[%dma_wait3A_224] : memref<1536xi32, #tpu.memory_space<vmem>> -> memref<128xi32, #tpu.memory_space<vmem>>
    %dma_wait3A_226 = arith.constant 0 : i32
    %dma_wait3A_227 = arith.constant 0 : i32
    %dma_wait3A_228 = tpu.memref_slice %arg2[%dma_wait3A_226, %dma_wait3A_227] : memref<8192x128xf32, #tpu.memory_space<hbm>> -> memref<8192x128xf32, #tpu.memory_space<hbm>>
    tpu.wait_indirect_dma semaphore(%arg9 : memref<!tpu.dma_semaphore, #tpu.memory_space<semaphore_mem>>) src(%dma_wait3A_228 : memref<8192x128xf32, #tpu.memory_space<hbm>>) dst(%arg7 : memref<128x128xf32, #tpu.memory_space<vmem>>)
    %dma_wait3A_229 = arith.constant 1280 : i32
    %dma_wait3A_230 = tpu.memref_slice %arg5[%dma_wait3A_229] : memref<1536xi32, #tpu.memory_space<vmem>> -> memref<128xi32, #tpu.memory_space<vmem>>
    %dma_wait3A_231 = arith.constant 0 : i32
    %dma_wait3A_232 = arith.constant 0 : i32
    %dma_wait3A_233 = tpu.memref_slice %arg2[%dma_wait3A_231, %dma_wait3A_232] : memref<8192x128xf32, #tpu.memory_space<hbm>> -> memref<8192x128xf32, #tpu.memory_space<hbm>>
    tpu.wait_indirect_dma semaphore(%arg9 : memref<!tpu.dma_semaphore, #tpu.memory_space<semaphore_mem>>) src(%dma_wait3A_233 : memref<8192x128xf32, #tpu.memory_space<hbm>>) dst(%arg8 : memref<128x128xf32, #tpu.memory_space<vmem>>)
    %run_scoped3A_234 = arith.constant 0 : i32
    "tpu.region"() ({
      %run_scoped3A_270 = tpu.sem_alloc : memref<!tpu.dma_semaphore, #tpu.memory_space<semaphore_mem>>
      %dma_start3A_271 = arith.constant 256 : i32
      %dma_start3A_272 = arith.constant 0 : i32
      %dma_start3A_273 = tpu.memref_slice %arg4[%add3A_137, %run_scoped3A_234, %dma_start3A_271, %dma_start3A_272] : memref<64x3x512x128xf32, #tpu.memory_space<hbm>> -> memref<1x1x128x128xf32, #tpu.memory_space<hbm>>
      %dma_start3A_274 = tpu.memref_squeeze %dma_start3A_273 : memref<1x1x128x128xf32, #tpu.memory_space<hbm>> -> memref<128x128xf32, #tpu.memory_space<hbm>>
      %dma_start3A_275 = arith.constant 256 : i32
      %dma_start3A_276 = arith.constant 0 : i32
      %dma_start3A_277 = tpu.memref_slice %arg4[%add3A_137, %run_scoped3A_234, %dma_start3A_275, %dma_start3A_276] : memref<64x3x512x128xf32, #tpu.memory_space<hbm>> -> memref<1x1x128x128xf32, #tpu.memory_space<hbm>>
      %dma_start3A_278 = tpu.memref_squeeze %dma_start3A_277 : memref<1x1x128x128xf32, #tpu.memory_space<hbm>> -> memref<128x128xf32, #tpu.memory_space<hbm>>
      tpu.enqueue_dma source(%arg6 : memref<128x128xf32, #tpu.memory_space<vmem>>) target(%dma_start3A_278 : memref<128x128xf32, #tpu.memory_space<hbm>>) target_semaphore(%run_scoped3A_270 : memref<!tpu.dma_semaphore, #tpu.memory_space<semaphore_mem>>)
      %dma_wait3A_279 = arith.constant 256 : i32
      %dma_wait3A_280 = arith.constant 0 : i32
      %dma_wait3A_281 = tpu.memref_slice %arg4[%add3A_137, %run_scoped3A_234, %dma_wait3A_279, %dma_wait3A_280] : memref<64x3x512x128xf32, #tpu.memory_space<hbm>> -> memref<1x1x128x128xf32, #tpu.memory_space<hbm>>
      %dma_wait3A_282 = tpu.memref_squeeze %dma_wait3A_281 : memref<1x1x128x128xf32, #tpu.memory_space<hbm>> -> memref<128x128xf32, #tpu.memory_space<hbm>>
      %dma_wait3A_283 = arith.constant 256 : i32
      %dma_wait3A_284 = arith.constant 0 : i32
      %dma_wait3A_285 = tpu.memref_slice %arg4[%add3A_137, %run_scoped3A_234, %dma_wait3A_283, %dma_wait3A_284] : memref<64x3x512x128xf32, #tpu.memory_space<hbm>> -> memref<1x1x128x128xf32, #tpu.memory_space<hbm>>
      %dma_wait3A_286 = tpu.memref_squeeze %dma_wait3A_285 : memref<1x1x128x128xf32, #tpu.memory_space<hbm>> -> memref<128x128xf32, #tpu.memory_space<hbm>>
      tpu.wait_dma2 semaphore(%run_scoped3A_270 : memref<!tpu.dma_semaphore, #tpu.memory_space<semaphore_mem>>) src(%arg6 : memref<128x128xf32, #tpu.memory_space<vmem>>) dst(%dma_wait3A_286 : memref<128x128xf32, #tpu.memory_space<hbm>>)
      tpu.yield
    }) : () -> ()
    %run_scoped3A_235 = arith.constant 1 : i32
    "tpu.region"() ({
      %run_scoped3A_270 = tpu.sem_alloc : memref<!tpu.dma_semaphore, #tpu.memory_space<semaphore_mem>>
      %dma_start3A_271 = arith.constant 256 : i32
      %dma_start3A_272 = arith.constant 0 : i32
      %dma_start3A_273 = tpu.memref_slice %arg4[%add3A_137, %run_scoped3A_235, %dma_start3A_271, %dma_start3A_272] : memref<64x3x512x128xf32, #tpu.memory_space<hbm>> -> memref<1x1x128x128xf32, #tpu.memory_space<hbm>>
      %dma_start3A_274 = tpu.memref_squeeze %dma_start3A_273 : memref<1x1x128x128xf32, #tpu.memory_space<hbm>> -> memref<128x128xf32, #tpu.memory_space<hbm>>
      %dma_start3A_275 = arith.constant 256 : i32
      %dma_start3A_276 = arith.constant 0 : i32
      %dma_start3A_277 = tpu.memref_slice %arg4[%add3A_137, %run_scoped3A_235, %dma_start3A_275, %dma_start3A_276] : memref<64x3x512x128xf32, #tpu.memory_space<hbm>> -> memref<1x1x128x128xf32, #tpu.memory_space<hbm>>
      %dma_start3A_278 = tpu.memref_squeeze %dma_start3A_277 : memref<1x1x128x128xf32, #tpu.memory_space<hbm>> -> memref<128x128xf32, #tpu.memory_space<hbm>>
      tpu.enqueue_dma source(%arg7 : memref<128x128xf32, #tpu.memory_space<vmem>>) target(%dma_start3A_278 : memref<128x128xf32, #tpu.memory_space<hbm>>) target_semaphore(%run_scoped3A_270 : memref<!tpu.dma_semaphore, #tpu.memory_space<semaphore_mem>>)
      %dma_wait3A_279 = arith.constant 256 : i32
      %dma_wait3A_280 = arith.constant 0 : i32
      %dma_wait3A_281 = tpu.memref_slice %arg4[%add3A_137, %run_scoped3A_235, %dma_wait3A_279, %dma_wait3A_280] : memref<64x3x512x128xf32, #tpu.memory_space<hbm>> -> memref<1x1x128x128xf32, #tpu.memory_space<hbm>>
      %dma_wait3A_282 = tpu.memref_squeeze %dma_wait3A_281 : memref<1x1x128x128xf32, #tpu.memory_space<hbm>> -> memref<128x128xf32, #tpu.memory_space<hbm>>
      %dma_wait3A_283 = arith.constant 256 : i32
      %dma_wait3A_284 = arith.constant 0 : i32
      %dma_wait3A_285 = tpu.memref_slice %arg4[%add3A_137, %run_scoped3A_235, %dma_wait3A_283, %dma_wait3A_284] : memref<64x3x512x128xf32, #tpu.memory_space<hbm>> -> memref<1x1x128x128xf32, #tpu.memory_space<hbm>>
      %dma_wait3A_286 = tpu.memref_squeeze %dma_wait3A_285 : memref<1x1x128x128xf32, #tpu.memory_space<hbm>> -> memref<128x128xf32, #tpu.memory_space<hbm>>
      tpu.wait_dma2 semaphore(%run_scoped3A_270 : memref<!tpu.dma_semaphore, #tpu.memory_space<semaphore_mem>>) src(%arg7 : memref<128x128xf32, #tpu.memory_space<vmem>>) dst(%dma_wait3A_286 : memref<128x128xf32, #tpu.memory_space<hbm>>)
      tpu.yield
    }) : () -> ()
    %run_scoped3A_236 = arith.constant 2 : i32
    "tpu.region"() ({
      %run_scoped3A_270 = tpu.sem_alloc : memref<!tpu.dma_semaphore, #tpu.memory_space<semaphore_mem>>
      %dma_start3A_271 = arith.constant 256 : i32
      %dma_start3A_272 = arith.constant 0 : i32
      %dma_start3A_273 = tpu.memref_slice %arg4[%add3A_137, %run_scoped3A_236, %dma_start3A_271, %dma_start3A_272] : memref<64x3x512x128xf32, #tpu.memory_space<hbm>> -> memref<1x1x128x128xf32, #tpu.memory_space<hbm>>
      %dma_start3A_274 = tpu.memref_squeeze %dma_start3A_273 : memref<1x1x128x128xf32, #tpu.memory_space<hbm>> -> memref<128x128xf32, #tpu.memory_space<hbm>>
      %dma_start3A_275 = arith.constant 256 : i32
      %dma_start3A_276 = arith.constant 0 : i32
      %dma_start3A_277 = tpu.memref_slice %arg4[%add3A_137, %run_scoped3A_236, %dma_start3A_275, %dma_start3A_276] : memref<64x3x512x128xf32, #tpu.memory_space<hbm>> -> memref<1x1x128x128xf32, #tpu.memory_space<hbm>>
      %dma_start3A_278 = tpu.memref_squeeze %dma_start3A_277 : memref<1x1x128x128xf32, #tpu.memory_space<hbm>> -> memref<128x128xf32, #tpu.memory_space<hbm>>
      tpu.enqueue_dma source(%arg8 : memref<128x128xf32, #tpu.memory_space<vmem>>) target(%dma_start3A_278 : memref<128x128xf32, #tpu.memory_space<hbm>>) target_semaphore(%run_scoped3A_270 : memref<!tpu.dma_semaphore, #tpu.memory_space<semaphore_mem>>)
      %dma_wait3A_279 = arith.constant 256 : i32
      %dma_wait3A_280 = arith.constant 0 : i32
      %dma_wait3A_281 = tpu.memref_slice %arg4[%add3A_137, %run_scoped3A_236, %dma_wait3A_279, %dma_wait3A_280] : memref<64x3x512x128xf32, #tpu.memory_space<hbm>> -> memref<1x1x128x128xf32, #tpu.memory_space<hbm>>
      %dma_wait3A_282 = tpu.memref_squeeze %dma_wait3A_281 : memref<1x1x128x128xf32, #tpu.memory_space<hbm>> -> memref<128x128xf32, #tpu.memory_space<hbm>>
      %dma_wait3A_283 = arith.constant 256 : i32
      %dma_wait3A_284 = arith.constant 0 : i32
      %dma_wait3A_285 = tpu.memref_slice %arg4[%add3A_137, %run_scoped3A_236, %dma_wait3A_283, %dma_wait3A_284] : memref<64x3x512x128xf32, #tpu.memory_space<hbm>> -> memref<1x1x128x128xf32, #tpu.memory_space<hbm>>
      %dma_wait3A_286 = tpu.memref_squeeze %dma_wait3A_285 : memref<1x1x128x128xf32, #tpu.memory_space<hbm>> -> memref<128x128xf32, #tpu.memory_space<hbm>>
      tpu.wait_dma2 semaphore(%run_scoped3A_270 : memref<!tpu.dma_semaphore, #tpu.memory_space<semaphore_mem>>) src(%arg8 : memref<128x128xf32, #tpu.memory_space<vmem>>) dst(%dma_wait3A_286 : memref<128x128xf32, #tpu.memory_space<hbm>>)
      tpu.yield
    }) : () -> ()
    %dma_start3A_237 = arith.constant 384 : i32
    %dma_start3A_238 = tpu.memref_slice %arg5[%dma_start3A_237] : memref<1536xi32, #tpu.memory_space<vmem>> -> memref<128xi32, #tpu.memory_space<vmem>>
    %dma_start3A_239 = arith.constant 0 : i32
    %dma_start3A_240 = arith.constant 0 : i32
    %dma_start3A_241 = tpu.memref_slice %arg2[%dma_start3A_239, %dma_start3A_240] : memref<8192x128xf32, #tpu.memory_space<hbm>> -> memref<8192x128xf32, #tpu.memory_space<hbm>>
    tpu.enqueue_indirect_dma source(%dma_start3A_241 : memref<8192x128xf32, #tpu.memory_space<hbm>>) target(%arg6 : memref<128x128xf32, #tpu.memory_space<vmem>>) offsets(%dma_start3A_238 : memref<128xi32, #tpu.memory_space<vmem>>) semaphore(%arg9 : memref<!tpu.dma_semaphore, #tpu.memory_space<semaphore_mem>>)
    %dma_start3A_242 = arith.constant 896 : i32
    %dma_start3A_243 = tpu.memref_slice %arg5[%dma_start3A_242] : memref<1536xi32, #tpu.memory_space<vmem>> -> memref<128xi32, #tpu.memory_space<vmem>>
    %dma_start3A_244 = arith.constant 0 : i32
    %dma_start3A_245 = arith.constant 0 : i32
    %dma_start3A_246 = tpu.memref_slice %arg2[%dma_start3A_244, %dma_start3A_245] : memref<8192x128xf32, #tpu.memory_space<hbm>> -> memref<8192x128xf32, #tpu.memory_space<hbm>>
    tpu.enqueue_indirect_dma source(%dma_start3A_246 : memref<8192x128xf32, #tpu.memory_space<hbm>>) target(%arg7 : memref<128x128xf32, #tpu.memory_space<vmem>>) offsets(%dma_start3A_243 : memref<128xi32, #tpu.memory_space<vmem>>) semaphore(%arg9 : memref<!tpu.dma_semaphore, #tpu.memory_space<semaphore_mem>>)
    %dma_start3A_247 = arith.constant 1408 : i32
    %dma_start3A_248 = tpu.memref_slice %arg5[%dma_start3A_247] : memref<1536xi32, #tpu.memory_space<vmem>> -> memref<128xi32, #tpu.memory_space<vmem>>
    %dma_start3A_249 = arith.constant 0 : i32
    %dma_start3A_250 = arith.constant 0 : i32
    %dma_start3A_251 = tpu.memref_slice %arg2[%dma_start3A_249, %dma_start3A_250] : memref<8192x128xf32, #tpu.memory_space<hbm>> -> memref<8192x128xf32, #tpu.memory_space<hbm>>
    tpu.enqueue_indirect_dma source(%dma_start3A_251 : memref<8192x128xf32, #tpu.memory_space<hbm>>) target(%arg8 : memref<128x128xf32, #tpu.memory_space<vmem>>) offsets(%dma_start3A_248 : memref<128xi32, #tpu.memory_space<vmem>>) semaphore(%arg9 : memref<!tpu.dma_semaphore, #tpu.memory_space<semaphore_mem>>)
    %dma_wait3A_252 = arith.constant 384 : i32
    %dma_wait3A_253 = tpu.memref_slice %arg5[%dma_wait3A_252] : memref<1536xi32, #tpu.memory_space<vmem>> -> memref<128xi32, #tpu.memory_space<vmem>>
    %dma_wait3A_254 = arith.constant 0 : i32
    %dma_wait3A_255 = arith.constant 0 : i32
    %dma_wait3A_256 = tpu.memref_slice %arg2[%dma_wait3A_254, %dma_wait3A_255] : memref<8192x128xf32, #tpu.memory_space<hbm>> -> memref<8192x128xf32, #tpu.memory_space<hbm>>
    tpu.wait_indirect_dma semaphore(%arg9 : memref<!tpu.dma_semaphore, #tpu.memory_space<semaphore_mem>>) src(%dma_wait3A_256 : memref<8192x128xf32, #tpu.memory_space<hbm>>) dst(%arg6 : memref<128x128xf32, #tpu.memory_space<vmem>>)
    %dma_wait3A_257 = arith.constant 896 : i32
    %dma_wait3A_258 = tpu.memref_slice %arg5[%dma_wait3A_257] : memref<1536xi32, #tpu.memory_space<vmem>> -> memref<128xi32, #tpu.memory_space<vmem>>
    %dma_wait3A_259 = arith.constant 0 : i32
    %dma_wait3A_260 = arith.constant 0 : i32
    %dma_wait3A_261 = tpu.memref_slice %arg2[%dma_wait3A_259, %dma_wait3A_260] : memref<8192x128xf32, #tpu.memory_space<hbm>> -> memref<8192x128xf32, #tpu.memory_space<hbm>>
    tpu.wait_indirect_dma semaphore(%arg9 : memref<!tpu.dma_semaphore, #tpu.memory_space<semaphore_mem>>) src(%dma_wait3A_261 : memref<8192x128xf32, #tpu.memory_space<hbm>>) dst(%arg7 : memref<128x128xf32, #tpu.memory_space<vmem>>)
    %dma_wait3A_262 = arith.constant 1408 : i32
    %dma_wait3A_263 = tpu.memref_slice %arg5[%dma_wait3A_262] : memref<1536xi32, #tpu.memory_space<vmem>> -> memref<128xi32, #tpu.memory_space<vmem>>
    %dma_wait3A_264 = arith.constant 0 : i32
    %dma_wait3A_265 = arith.constant 0 : i32
    %dma_wait3A_266 = tpu.memref_slice %arg2[%dma_wait3A_264, %dma_wait3A_265] : memref<8192x128xf32, #tpu.memory_space<hbm>> -> memref<8192x128xf32, #tpu.memory_space<hbm>>
    tpu.wait_indirect_dma semaphore(%arg9 : memref<!tpu.dma_semaphore, #tpu.memory_space<semaphore_mem>>) src(%dma_wait3A_266 : memref<8192x128xf32, #tpu.memory_space<hbm>>) dst(%arg8 : memref<128x128xf32, #tpu.memory_space<vmem>>)
    %run_scoped3A_267 = arith.constant 0 : i32
    "tpu.region"() ({
      %run_scoped3A_270 = tpu.sem_alloc : memref<!tpu.dma_semaphore, #tpu.memory_space<semaphore_mem>>
      %dma_start3A_271 = arith.constant 384 : i32
      %dma_start3A_272 = arith.constant 0 : i32
      %dma_start3A_273 = tpu.memref_slice %arg4[%add3A_137, %run_scoped3A_267, %dma_start3A_271, %dma_start3A_272] : memref<64x3x512x128xf32, #tpu.memory_space<hbm>> -> memref<1x1x128x128xf32, #tpu.memory_space<hbm>>
      %dma_start3A_274 = tpu.memref_squeeze %dma_start3A_273 : memref<1x1x128x128xf32, #tpu.memory_space<hbm>> -> memref<128x128xf32, #tpu.memory_space<hbm>>
      %dma_start3A_275 = arith.constant 384 : i32
      %dma_start3A_276 = arith.constant 0 : i32
      %dma_start3A_277 = tpu.memref_slice %arg4[%add3A_137, %run_scoped3A_267, %dma_start3A_275, %dma_start3A_276] : memref<64x3x512x128xf32, #tpu.memory_space<hbm>> -> memref<1x1x128x128xf32, #tpu.memory_space<hbm>>
      %dma_start3A_278 = tpu.memref_squeeze %dma_start3A_277 : memref<1x1x128x128xf32, #tpu.memory_space<hbm>> -> memref<128x128xf32, #tpu.memory_space<hbm>>
      tpu.enqueue_dma source(%arg6 : memref<128x128xf32, #tpu.memory_space<vmem>>) target(%dma_start3A_278 : memref<128x128xf32, #tpu.memory_space<hbm>>) target_semaphore(%run_scoped3A_270 : memref<!tpu.dma_semaphore, #tpu.memory_space<semaphore_mem>>)
      %dma_wait3A_279 = arith.constant 384 : i32
      %dma_wait3A_280 = arith.constant 0 : i32
      %dma_wait3A_281 = tpu.memref_slice %arg4[%add3A_137, %run_scoped3A_267, %dma_wait3A_279, %dma_wait3A_280] : memref<64x3x512x128xf32, #tpu.memory_space<hbm>> -> memref<1x1x128x128xf32, #tpu.memory_space<hbm>>
      %dma_wait3A_282 = tpu.memref_squeeze %dma_wait3A_281 : memref<1x1x128x128xf32, #tpu.memory_space<hbm>> -> memref<128x128xf32, #tpu.memory_space<hbm>>
      %dma_wait3A_283 = arith.constant 384 : i32
      %dma_wait3A_284 = arith.constant 0 : i32
      %dma_wait3A_285 = tpu.memref_slice %arg4[%add3A_137, %run_scoped3A_267, %dma_wait3A_283, %dma_wait3A_284] : memref<64x3x512x128xf32, #tpu.memory_space<hbm>> -> memref<1x1x128x128xf32, #tpu.memory_space<hbm>>
      %dma_wait3A_286 = tpu.memref_squeeze %dma_wait3A_285 : memref<1x1x128x128xf32, #tpu.memory_space<hbm>> -> memref<128x128xf32, #tpu.memory_space<hbm>>
      tpu.wait_dma2 semaphore(%run_scoped3A_270 : memref<!tpu.dma_semaphore, #tpu.memory_space<semaphore_mem>>) src(%arg6 : memref<128x128xf32, #tpu.memory_space<vmem>>) dst(%dma_wait3A_286 : memref<128x128xf32, #tpu.memory_space<hbm>>)
      tpu.yield
    }) : () -> ()
    %run_scoped3A_268 = arith.constant 1 : i32
    "tpu.region"() ({
      %run_scoped3A_270 = tpu.sem_alloc : memref<!tpu.dma_semaphore, #tpu.memory_space<semaphore_mem>>
      %dma_start3A_271 = arith.constant 384 : i32
      %dma_start3A_272 = arith.constant 0 : i32
      %dma_start3A_273 = tpu.memref_slice %arg4[%add3A_137, %run_scoped3A_268, %dma_start3A_271, %dma_start3A_272] : memref<64x3x512x128xf32, #tpu.memory_space<hbm>> -> memref<1x1x128x128xf32, #tpu.memory_space<hbm>>
      %dma_start3A_274 = tpu.memref_squeeze %dma_start3A_273 : memref<1x1x128x128xf32, #tpu.memory_space<hbm>> -> memref<128x128xf32, #tpu.memory_space<hbm>>
      %dma_start3A_275 = arith.constant 384 : i32
      %dma_start3A_276 = arith.constant 0 : i32
      %dma_start3A_277 = tpu.memref_slice %arg4[%add3A_137, %run_scoped3A_268, %dma_start3A_275, %dma_start3A_276] : memref<64x3x512x128xf32, #tpu.memory_space<hbm>> -> memref<1x1x128x128xf32, #tpu.memory_space<hbm>>
      %dma_start3A_278 = tpu.memref_squeeze %dma_start3A_277 : memref<1x1x128x128xf32, #tpu.memory_space<hbm>> -> memref<128x128xf32, #tpu.memory_space<hbm>>
      tpu.enqueue_dma source(%arg7 : memref<128x128xf32, #tpu.memory_space<vmem>>) target(%dma_start3A_278 : memref<128x128xf32, #tpu.memory_space<hbm>>) target_semaphore(%run_scoped3A_270 : memref<!tpu.dma_semaphore, #tpu.memory_space<semaphore_mem>>)
      %dma_wait3A_279 = arith.constant 384 : i32
      %dma_wait3A_280 = arith.constant 0 : i32
      %dma_wait3A_281 = tpu.memref_slice %arg4[%add3A_137, %run_scoped3A_268, %dma_wait3A_279, %dma_wait3A_280] : memref<64x3x512x128xf32, #tpu.memory_space<hbm>> -> memref<1x1x128x128xf32, #tpu.memory_space<hbm>>
      %dma_wait3A_282 = tpu.memref_squeeze %dma_wait3A_281 : memref<1x1x128x128xf32, #tpu.memory_space<hbm>> -> memref<128x128xf32, #tpu.memory_space<hbm>>
      %dma_wait3A_283 = arith.constant 384 : i32
      %dma_wait3A_284 = arith.constant 0 : i32
      %dma_wait3A_285 = tpu.memref_slice %arg4[%add3A_137, %run_scoped3A_268, %dma_wait3A_283, %dma_wait3A_284] : memref<64x3x512x128xf32, #tpu.memory_space<hbm>> -> memref<1x1x128x128xf32, #tpu.memory_space<hbm>>
      %dma_wait3A_286 = tpu.memref_squeeze %dma_wait3A_285 : memref<1x1x128x128xf32, #tpu.memory_space<hbm>> -> memref<128x128xf32, #tpu.memory_space<hbm>>
      tpu.wait_dma2 semaphore(%run_scoped3A_270 : memref<!tpu.dma_semaphore, #tpu.memory_space<semaphore_mem>>) src(%arg7 : memref<128x128xf32, #tpu.memory_space<vmem>>) dst(%dma_wait3A_286 : memref<128x128xf32, #tpu.memory_space<hbm>>)
      tpu.yield
    }) : () -> ()
    %run_scoped3A_269 = arith.constant 2 : i32
    "tpu.region"() ({
      %run_scoped3A_270 = tpu.sem_alloc : memref<!tpu.dma_semaphore, #tpu.memory_space<semaphore_mem>>
      %dma_start3A_271 = arith.constant 384 : i32
      %dma_start3A_272 = arith.constant 0 : i32
      %dma_start3A_273 = tpu.memref_slice %arg4[%add3A_137, %run_scoped3A_269, %dma_start3A_271, %dma_start3A_272] : memref<64x3x512x128xf32, #tpu.memory_space<hbm>> -> memref<1x1x128x128xf32, #tpu.memory_space<hbm>>
      %dma_start3A_274 = tpu.memref_squeeze %dma_start3A_273 : memref<1x1x128x128xf32, #tpu.memory_space<hbm>> -> memref<128x128xf32, #tpu.memory_space<hbm>>
      %dma_start3A_275 = arith.constant 384 : i32
      %dma_start3A_276 = arith.constant 0 : i32
      %dma_start3A_277 = tpu.memref_slice %arg4[%add3A_137, %run_scoped3A_269, %dma_start3A_275, %dma_start3A_276] : memref<64x3x512x128xf32, #tpu.memory_space<hbm>> -> memref<1x1x128x128xf32, #tpu.memory_space<hbm>>
      %dma_start3A_278 = tpu.memref_squeeze %dma_start3A_277 : memref<1x1x128x128xf32, #tpu.memory_space<hbm>> -> memref<128x128xf32, #tpu.memory_space<hbm>>
      tpu.enqueue_dma source(%arg8 : memref<128x128xf32, #tpu.memory_space<vmem>>) target(%dma_start3A_278 : memref<128x128xf32, #tpu.memory_space<hbm>>) target_semaphore(%run_scoped3A_270 : memref<!tpu.dma_semaphore, #tpu.memory_space<semaphore_mem>>)
      %dma_wait3A_279 = arith.constant 384 : i32
      %dma_wait3A_280 = arith.constant 0 : i32
      %dma_wait3A_281 = tpu.memref_slice %arg4[%add3A_137, %run_scoped3A_269, %dma_wait3A_279, %dma_wait3A_280] : memref<64x3x512x128xf32, #tpu.memory_space<hbm>> -> memref<1x1x128x128xf32, #tpu.memory_space<hbm>>
      %dma_wait3A_282 = tpu.memref_squeeze %dma_wait3A_281 : memref<1x1x128x128xf32, #tpu.memory_space<hbm>> -> memref<128x128xf32, #tpu.memory_space<hbm>>
      %dma_wait3A_283 = arith.constant 384 : i32
      %dma_wait3A_284 = arith.constant 0 : i32
      %dma_wait3A_285 = tpu.memref_slice %arg4[%add3A_137, %run_scoped3A_269, %dma_wait3A_283, %dma_wait3A_284] : memref<64x3x512x128xf32, #tpu.memory_space<hbm>> -> memref<1x1x128x128xf32, #tpu.memory_space<hbm>>
      %dma_wait3A_286 = tpu.memref_squeeze %dma_wait3A_285 : memref<1x1x128x128xf32, #tpu.memory_space<hbm>> -> memref<128x128xf32, #tpu.memory_space<hbm>>
      tpu.wait_dma2 semaphore(%run_scoped3A_270 : memref<!tpu.dma_semaphore, #tpu.memory_space<semaphore_mem>>) src(%arg8 : memref<128x128xf32, #tpu.memory_space<vmem>>) dst(%dma_wait3A_286 : memref<128x128xf32, #tpu.memory_space<hbm>>)
      tpu.yield
    }) : () -> ()
    return
  }
}

module attributes {stable_mosaic.version = 14 : i64} {
  func.func @_k1_body(%arg0: i32, %arg1: i32, %arg2: memref<1x3x512xf32, #tpu.memory_space<vmem>>, %arg3: memref<1x3x1024xf32, #tpu.memory_space<vmem>>, %arg4: memref<1x1536x1xi32, #tpu.memory_space<vmem>>, %arg5: memref<1x1536x1xf32, #tpu.memory_space<vmem>>) attributes {dimension_semantics = [#tpu.dimension_semantics<arbitrary>, #tpu.dimension_semantics<arbitrary>], iteration_bounds = array<i64: 8, 8>, scalar_prefetch = 0 : i64, scratch_operands = 0 : i64, tpu.core_type = #tpu.core_type<tc>, window_params = [{transform_indices = @transform_0, window_bounds = array<i64: 1, 3, 512>}, {transform_indices = @transform_1, window_bounds = array<i64: 1, 3, 1024>}, {transform_indices = @transform_2, window_bounds = array<i64: 1, 1536, 1>}, {transform_indices = @transform_3, window_bounds = array<i64: 1, 1536, 1>}]} {
    %get3A = arith.constant 0 : index
    %get3A_0 = arith.constant 0 : index
    %get3A_1 = arith.constant 0 : index
    %get3A_2 = vector.load %arg2[%get3A, %get3A_0, %get3A_1] : memref<1x3x512xf32, #tpu.memory_space<vmem>>, vector<1x1x512xf32>
    %get3A_3 = vector.shape_cast %get3A_2 : vector<1x1x512xf32> to vector<512xf32>
    %broadcast_in_dim3A = vector.shape_cast %get3A_3 : vector<512xf32> to vector<512x1xf32>
    %get3A_4 = arith.constant 0 : index
    %get3A_5 = arith.constant 0 : index
    %get3A_6 = arith.constant 0 : index
    %get3A_7 = vector.load %arg3[%get3A_4, %get3A_5, %get3A_6] : memref<1x3x1024xf32, #tpu.memory_space<vmem>>, vector<1x1x1024xf32>
    %get3A_8 = vector.shape_cast %get3A_7 : vector<1x1x1024xf32> to vector<1024xf32>
    %broadcast_in_dim3A_9 = vector.shape_cast %get3A_8 : vector<1024xf32> to vector<1x1024xf32>
    %sub3A = vector.broadcast %broadcast_in_dim3A : vector<512x1xf32> to vector<512x1024xf32>
    %sub3A_10 = vector.broadcast %broadcast_in_dim3A_9 : vector<1x1024xf32> to vector<512x1024xf32>
    %sub3A_11 = arith.subf %sub3A, %sub3A_10 : vector<512x1024xf32>
    %mul3A = arith.mulf %sub3A_11, %sub3A_11 : vector<512x1024xf32>
    %get3A_12 = arith.constant 0 : index
    %get3A_13 = arith.constant 1 : index
    %get3A_14 = arith.constant 0 : index
    %get3A_15 = vector.load %arg2[%get3A_12, %get3A_13, %get3A_14] : memref<1x3x512xf32, #tpu.memory_space<vmem>>, vector<1x1x512xf32>
    %get3A_16 = vector.shape_cast %get3A_15 : vector<1x1x512xf32> to vector<512xf32>
    %broadcast_in_dim3A_17 = vector.shape_cast %get3A_16 : vector<512xf32> to vector<512x1xf32>
    %get3A_18 = arith.constant 0 : index
    %get3A_19 = arith.constant 1 : index
    %get3A_20 = arith.constant 0 : index
    %get3A_21 = vector.load %arg3[%get3A_18, %get3A_19, %get3A_20] : memref<1x3x1024xf32, #tpu.memory_space<vmem>>, vector<1x1x1024xf32>
    %get3A_22 = vector.shape_cast %get3A_21 : vector<1x1x1024xf32> to vector<1024xf32>
    %broadcast_in_dim3A_23 = vector.shape_cast %get3A_22 : vector<1024xf32> to vector<1x1024xf32>
    %sub3A_24 = vector.broadcast %broadcast_in_dim3A_17 : vector<512x1xf32> to vector<512x1024xf32>
    %sub3A_25 = vector.broadcast %broadcast_in_dim3A_23 : vector<1x1024xf32> to vector<512x1024xf32>
    %sub3A_26 = arith.subf %sub3A_24, %sub3A_25 : vector<512x1024xf32>
    %mul3A_27 = arith.mulf %sub3A_26, %sub3A_26 : vector<512x1024xf32>
    %add3A = arith.addf %mul3A, %mul3A_27 : vector<512x1024xf32>
    %get3A_28 = arith.constant 0 : index
    %get3A_29 = arith.constant 2 : index
    %get3A_30 = arith.constant 0 : index
    %get3A_31 = vector.load %arg2[%get3A_28, %get3A_29, %get3A_30] : memref<1x3x512xf32, #tpu.memory_space<vmem>>, vector<1x1x512xf32>
    %get3A_32 = vector.shape_cast %get3A_31 : vector<1x1x512xf32> to vector<512xf32>
    %broadcast_in_dim3A_33 = vector.shape_cast %get3A_32 : vector<512xf32> to vector<512x1xf32>
    %get3A_34 = arith.constant 0 : index
    %get3A_35 = arith.constant 2 : index
    %get3A_36 = arith.constant 0 : index
    %get3A_37 = vector.load %arg3[%get3A_34, %get3A_35, %get3A_36] : memref<1x3x1024xf32, #tpu.memory_space<vmem>>, vector<1x1x1024xf32>
    %get3A_38 = vector.shape_cast %get3A_37 : vector<1x1x1024xf32> to vector<1024xf32>
    %broadcast_in_dim3A_39 = vector.shape_cast %get3A_38 : vector<1024xf32> to vector<1x1024xf32>
    %sub3A_40 = vector.broadcast %broadcast_in_dim3A_33 : vector<512x1xf32> to vector<512x1024xf32>
    %sub3A_41 = vector.broadcast %broadcast_in_dim3A_39 : vector<1x1024xf32> to vector<512x1024xf32>
    %sub3A_42 = arith.subf %sub3A_40, %sub3A_41 : vector<512x1024xf32>
    %mul3A_43 = arith.mulf %sub3A_42, %sub3A_42 : vector<512x1024xf32>
    %add3A_44 = arith.addf %add3A, %mul3A_43 : vector<512x1024xf32>
    %iota3A = tpu.iota {dimensions = array<i32: 0>} : vector<1024x2xi32>
    %iota3A_45 = tpu.iota {dimensions = array<i32: 1>} : vector<1024x2xi32>
    %eq3A = arith.constant 0 : i32
    %eq3A_46 = vector.broadcast %eq3A : i32 to vector<1024x2xi32>
    %eq3A_47 = arith.cmpi eq, %iota3A_45, %eq3A_46 : vector<1024x2xi32>
    %shift_right_arithmetic3A = arith.constant 5 : i32
    %shift_right_arithmetic3A_48 = vector.broadcast %shift_right_arithmetic3A : i32 to vector<1024x2xi32>
    %shift_right_arithmetic3A_49 = arith.shrsi %iota3A, %shift_right_arithmetic3A_48 : vector<1024x2xi32>
    %and3A = arith.constant 31 : i32
    %and3A_50 = vector.broadcast %and3A : i32 to vector<1024x2xi32>
    %and3A_51 = arith.andi %iota3A, %and3A_50 : vector<1024x2xi32>
    %select_n3A = arith.select %eq3A_47, %shift_right_arithmetic3A_49, %and3A_51 : vector<1024x2xi1>, vector<1024x2xi32>
    %convert_element_type3A = arith.sitofp %select_n3A : vector<1024x2xi32> to vector<1024x2xf32>
    %reduce_min3A = arith.constant dense<0x7F800000> : vector<512xf32>
    %reduce_min3A_52 = vector.multi_reduction <minimumf>, %add3A_44, %reduce_min3A [1] : vector<512x1024xf32> to vector<512xf32>
    %broadcast_in_dim3A_53 = vector.shape_cast %reduce_min3A_52 : vector<512xf32> to vector<512x1xf32>
    %eq3A_54 = vector.broadcast %broadcast_in_dim3A_53 : vector<512x1xf32> to vector<512x1024xf32>
    %eq3A_55 = arith.cmpf oeq, %add3A_44, %eq3A_54 : vector<512x1024xf32>
    %jit3A = arith.constant 1.000000e+00 : f32
    %jit3A_56 = arith.constant 0.000000e+00 : f32
    %broadcast_in_dim3A_57 = vector.broadcast %jit3A : f32 to vector<512x1024xf32>
    %broadcast_in_dim3A_58 = vector.broadcast %jit3A_56 : f32 to vector<512x1024xf32>
    %select_n3A_59 = arith.select %eq3A_55, %broadcast_in_dim3A_57, %broadcast_in_dim3A_58 : vector<512x1024xi1>, vector<512x1024xf32>
    %dot_general3A = arith.constant dense<0.000000e+00> : vector<512x2xf32>
    %dot_general3A_60 = tpu.matmul %select_n3A_59, %convert_element_type3A, %dot_general3A {dimension_numbers = #tpu.dot_dimension_numbers<[1], [0], [0], [1], [0, 0, 1, 1], [], []>, transpose_lhs_hint = false} : vector<512x1024xf32>, vector<1024x2xf32>, vector<512x2xf32> -> vector<512x2xf32>
    %convert_element_type3A_61 = arith.fptosi %dot_general3A_60 : vector<512x2xf32> to vector<512x2xi32>
    %slice3A = vector.extract_strided_slice %convert_element_type3A_61 {offsets = [0, 0], sizes = [512, 1], strides = [1, 1]} : vector<512x2xi32> to vector<512x1xi32>
    %shift_left3A = arith.constant 5 : i32
    %shift_left3A_62 = vector.broadcast %shift_left3A : i32 to vector<512x1xi32>
    %shift_left3A_63 = arith.shli %slice3A, %shift_left3A_62 : vector<512x1xi32>
    %slice3A_64 = vector.extract_strided_slice %convert_element_type3A_61 {offsets = [0, 1], sizes = [512, 1], strides = [1, 1]} : vector<512x2xi32> to vector<512x1xi32>
    %add3A_65 = arith.addi %shift_left3A_63, %slice3A_64 : vector<512x1xi32>
    %min3A = arith.constant 1023 : i32
    %min3A_66 = vector.broadcast %min3A : i32 to vector<512x1xi32>
    %min3A_67 = arith.minsi %add3A_65, %min3A_66 : vector<512x1xi32>
    %mul3A_68 = arith.constant 1024 : i32
    %mul3A_69 = arith.muli %arg0, %mul3A_68 : i32
    %add3A_70 = vector.broadcast %mul3A_69 : i32 to vector<512x1xi32>
    %add3A_71 = arith.addi %min3A_67, %add3A_70 : vector<512x1xi32>
    %swap3A = arith.constant 0 : index
    %swap3A_72 = arith.constant 0 : index
    %swap3A_73 = arith.constant 0 : index
    %swap3A_74 = vector.load %arg4[%swap3A, %swap3A_72, %swap3A_73] : memref<1x1536x1xi32, #tpu.memory_space<vmem>>, vector<1x512x1xi32>
    %swap3A_75 = vector.shape_cast %swap3A_74 : vector<1x512x1xi32> to vector<512x1xi32>
    %swap3A_76 = vector.shape_cast %add3A_71 : vector<512x1xi32> to vector<1x512x1xi32>
    tpu.vector_store %arg4[%swap3A, %swap3A_72, %swap3A_73], %swap3A_76 {strides = array<i32>} : memref<1x1536x1xi32, #tpu.memory_space<vmem>>, vector<1x512x1xi32>,
    %div3A = arith.constant 1.000000e+00 : f32
    %div3A_77 = vector.broadcast %div3A : f32 to vector<512x1xf32>
    %div3A_78 = arith.divf %div3A_77, %broadcast_in_dim3A_53 : vector<512x1xf32>
    %eq3A_79 = vector.broadcast %broadcast_in_dim3A_53 : vector<512x1xf32> to vector<512x1024xf32>
    %eq3A_80 = arith.cmpf oeq, %add3A_44, %eq3A_79 : vector<512x1024xf32>
    %jit3A_81 = arith.constant 0x7F800000 : f32
    %broadcast_in_dim3A_82 = vector.broadcast %jit3A_81 : f32 to vector<512x1024xf32>
    %select_n3A_83 = arith.select %eq3A_80, %broadcast_in_dim3A_82, %add3A_44 : vector<512x1024xi1>, vector<512x1024xf32>
    %reduce_min3A_84 = arith.constant dense<0x7F800000> : vector<512xf32>
    %reduce_min3A_85 = vector.multi_reduction <minimumf>, %select_n3A_83, %reduce_min3A_84 [1] : vector<512x1024xf32> to vector<512xf32>
    %broadcast_in_dim3A_86 = vector.shape_cast %reduce_min3A_85 : vector<512xf32> to vector<512x1xf32>
    %eq3A_87 = vector.broadcast %broadcast_in_dim3A_86 : vector<512x1xf32> to vector<512x1024xf32>
    %eq3A_88 = arith.cmpf oeq, %select_n3A_83, %eq3A_87 : vector<512x1024xf32>
    %jit3A_89 = arith.constant 1.000000e+00 : f32
    %jit3A_90 = arith.constant 0.000000e+00 : f32
    %broadcast_in_dim3A_91 = vector.broadcast %jit3A_89 : f32 to vector<512x1024xf32>
    %broadcast_in_dim3A_92 = vector.broadcast %jit3A_90 : f32 to vector<512x1024xf32>
    %select_n3A_93 = arith.select %eq3A_88, %broadcast_in_dim3A_91, %broadcast_in_dim3A_92 : vector<512x1024xi1>, vector<512x1024xf32>
    %dot_general3A_94 = arith.constant dense<0.000000e+00> : vector<512x2xf32>
    %dot_general3A_95 = tpu.matmul %select_n3A_93, %convert_element_type3A, %dot_general3A_94 {dimension_numbers = #tpu.dot_dimension_numbers<[1], [0], [0], [1], [0, 0, 1, 1], [], []>, transpose_lhs_hint = false} : vector<512x1024xf32>, vector<1024x2xf32>, vector<512x2xf32> -> vector<512x2xf32>
    %convert_element_type3A_96 = arith.fptosi %dot_general3A_95 : vector<512x2xf32> to vector<512x2xi32>
    %slice3A_97 = vector.extract_strided_slice %convert_element_type3A_96 {offsets = [0, 0], sizes = [512, 1], strides = [1, 1]} : vector<512x2xi32> to vector<512x1xi32>
    %shift_left3A_98 = arith.constant 5 : i32
    %shift_left3A_99 = vector.broadcast %shift_left3A_98 : i32 to vector<512x1xi32>
    %shift_left3A_100 = arith.shli %slice3A_97, %shift_left3A_99 : vector<512x1xi32>
    %slice3A_101 = vector.extract_strided_slice %convert_element_type3A_96 {offsets = [0, 1], sizes = [512, 1], strides = [1, 1]} : vector<512x2xi32> to vector<512x1xi32>
    %add3A_102 = arith.addi %shift_left3A_100, %slice3A_101 : vector<512x1xi32>
    %min3A_103 = arith.constant 1023 : i32
    %min3A_104 = vector.broadcast %min3A_103 : i32 to vector<512x1xi32>
    %min3A_105 = arith.minsi %add3A_102, %min3A_104 : vector<512x1xi32>
    %mul3A_106 = arith.constant 1024 : i32
    %mul3A_107 = arith.muli %arg0, %mul3A_106 : i32
    %add3A_108 = vector.broadcast %mul3A_107 : i32 to vector<512x1xi32>
    %add3A_109 = arith.addi %min3A_105, %add3A_108 : vector<512x1xi32>
    %swap3A_110 = arith.constant 0 : index
    %swap3A_111 = arith.constant 512 : index
    %swap3A_112 = arith.constant 0 : index
    %swap3A_113 = vector.load %arg4[%swap3A_110, %swap3A_111, %swap3A_112] : memref<1x1536x1xi32, #tpu.memory_space<vmem>>, vector<1x512x1xi32>
    %swap3A_114 = vector.shape_cast %swap3A_113 : vector<1x512x1xi32> to vector<512x1xi32>
    %swap3A_115 = vector.shape_cast %add3A_109 : vector<512x1xi32> to vector<1x512x1xi32>
    tpu.vector_store %arg4[%swap3A_110, %swap3A_111, %swap3A_112], %swap3A_115 {strides = array<i32>} : memref<1x1536x1xi32, #tpu.memory_space<vmem>>, vector<1x512x1xi32>,
    %div3A_116 = arith.constant 1.000000e+00 : f32
    %div3A_117 = vector.broadcast %div3A_116 : f32 to vector<512x1xf32>
    %div3A_118 = arith.divf %div3A_117, %broadcast_in_dim3A_86 : vector<512x1xf32>
    %eq3A_119 = vector.broadcast %broadcast_in_dim3A_86 : vector<512x1xf32> to vector<512x1024xf32>
    %eq3A_120 = arith.cmpf oeq, %select_n3A_83, %eq3A_119 : vector<512x1024xf32>
    %jit3A_121 = arith.constant 0x7F800000 : f32
    %broadcast_in_dim3A_122 = vector.broadcast %jit3A_121 : f32 to vector<512x1024xf32>
    %select_n3A_123 = arith.select %eq3A_120, %broadcast_in_dim3A_122, %select_n3A_83 : vector<512x1024xi1>, vector<512x1024xf32>
    %reduce_min3A_124 = arith.constant dense<0x7F800000> : vector<512xf32>
    %reduce_min3A_125 = vector.multi_reduction <minimumf>, %select_n3A_123, %reduce_min3A_124 [1] : vector<512x1024xf32> to vector<512xf32>
    %broadcast_in_dim3A_126 = vector.shape_cast %reduce_min3A_125 : vector<512xf32> to vector<512x1xf32>
    %eq3A_127 = vector.broadcast %broadcast_in_dim3A_126 : vector<512x1xf32> to vector<512x1024xf32>
    %eq3A_128 = arith.cmpf oeq, %select_n3A_123, %eq3A_127 : vector<512x1024xf32>
    %jit3A_129 = arith.constant 1.000000e+00 : f32
    %jit3A_130 = arith.constant 0.000000e+00 : f32
    %broadcast_in_dim3A_131 = vector.broadcast %jit3A_129 : f32 to vector<512x1024xf32>
    %broadcast_in_dim3A_132 = vector.broadcast %jit3A_130 : f32 to vector<512x1024xf32>
    %select_n3A_133 = arith.select %eq3A_128, %broadcast_in_dim3A_131, %broadcast_in_dim3A_132 : vector<512x1024xi1>, vector<512x1024xf32>
    %dot_general3A_134 = arith.constant dense<0.000000e+00> : vector<512x2xf32>
    %dot_general3A_135 = tpu.matmul %select_n3A_133, %convert_element_type3A, %dot_general3A_134 {dimension_numbers = #tpu.dot_dimension_numbers<[1], [0], [0], [1], [0, 0, 1, 1], [], []>, transpose_lhs_hint = false} : vector<512x1024xf32>, vector<1024x2xf32>, vector<512x2xf32> -> vector<512x2xf32>
    %convert_element_type3A_136 = arith.fptosi %dot_general3A_135 : vector<512x2xf32> to vector<512x2xi32>
    %slice3A_137 = vector.extract_strided_slice %convert_element_type3A_136 {offsets = [0, 0], sizes = [512, 1], strides = [1, 1]} : vector<512x2xi32> to vector<512x1xi32>
    %shift_left3A_138 = arith.constant 5 : i32
    %shift_left3A_139 = vector.broadcast %shift_left3A_138 : i32 to vector<512x1xi32>
    %shift_left3A_140 = arith.shli %slice3A_137, %shift_left3A_139 : vector<512x1xi32>
    %slice3A_141 = vector.extract_strided_slice %convert_element_type3A_136 {offsets = [0, 1], sizes = [512, 1], strides = [1, 1]} : vector<512x2xi32> to vector<512x1xi32>
    %add3A_142 = arith.addi %shift_left3A_140, %slice3A_141 : vector<512x1xi32>
    %min3A_143 = arith.constant 1023 : i32
    %min3A_144 = vector.broadcast %min3A_143 : i32 to vector<512x1xi32>
    %min3A_145 = arith.minsi %add3A_142, %min3A_144 : vector<512x1xi32>
    %mul3A_146 = arith.constant 1024 : i32
    %mul3A_147 = arith.muli %arg0, %mul3A_146 : i32
    %add3A_148 = vector.broadcast %mul3A_147 : i32 to vector<512x1xi32>
    %add3A_149 = arith.addi %min3A_145, %add3A_148 : vector<512x1xi32>
    %swap3A_150 = arith.constant 0 : index
    %swap3A_151 = arith.constant 1024 : index
    %swap3A_152 = arith.constant 0 : index
    %swap3A_153 = vector.load %arg4[%swap3A_150, %swap3A_151, %swap3A_152] : memref<1x1536x1xi32, #tpu.memory_space<vmem>>, vector<1x512x1xi32>
    %swap3A_154 = vector.shape_cast %swap3A_153 : vector<1x512x1xi32> to vector<512x1xi32>
    %swap3A_155 = vector.shape_cast %add3A_149 : vector<512x1xi32> to vector<1x512x1xi32>
    tpu.vector_store %arg4[%swap3A_150, %swap3A_151, %swap3A_152], %swap3A_155 {strides = array<i32>} : memref<1x1536x1xi32, #tpu.memory_space<vmem>>, vector<1x512x1xi32>,
    %div3A_156 = arith.constant 1.000000e+00 : f32
    %div3A_157 = vector.broadcast %div3A_156 : f32 to vector<512x1xf32>
    %div3A_158 = arith.divf %div3A_157, %broadcast_in_dim3A_126 : vector<512x1xf32>
    %add3A_159 = arith.addf %div3A_78, %div3A_118 : vector<512x1xf32>
    %add3A_160 = arith.addf %add3A_159, %div3A_158 : vector<512x1xf32>
    %div3A_161 = arith.divf %div3A_78, %add3A_160 : vector<512x1xf32>
    %swap3A_162 = arith.constant 0 : index
    %swap3A_163 = arith.constant 0 : index
    %swap3A_164 = arith.constant 0 : index
    %swap3A_165 = vector.load %arg5[%swap3A_162, %swap3A_163, %swap3A_164] : memref<1x1536x1xf32, #tpu.memory_space<vmem>>, vector<1x512x1xf32>
    %swap3A_166 = vector.shape_cast %swap3A_165 : vector<1x512x1xf32> to vector<512x1xf32>
    %swap3A_167 = vector.shape_cast %div3A_161 : vector<512x1xf32> to vector<1x512x1xf32>
    tpu.vector_store %arg5[%swap3A_162, %swap3A_163, %swap3A_164], %swap3A_167 {strides = array<i32>} : memref<1x1536x1xf32, #tpu.memory_space<vmem>>, vector<1x512x1xf32>,
    %div3A_168 = arith.divf %div3A_118, %add3A_160 : vector<512x1xf32>
    %swap3A_169 = arith.constant 0 : index
    %swap3A_170 = arith.constant 512 : index
    %swap3A_171 = arith.constant 0 : index
    %swap3A_172 = vector.load %arg5[%swap3A_169, %swap3A_170, %swap3A_171] : memref<1x1536x1xf32, #tpu.memory_space<vmem>>, vector<1x512x1xf32>
    %swap3A_173 = vector.shape_cast %swap3A_172 : vector<1x512x1xf32> to vector<512x1xf32>
    %swap3A_174 = vector.shape_cast %div3A_168 : vector<512x1xf32> to vector<1x512x1xf32>
    tpu.vector_store %arg5[%swap3A_169, %swap3A_170, %swap3A_171], %swap3A_174 {strides = array<i32>} : memref<1x1536x1xf32, #tpu.memory_space<vmem>>, vector<1x512x1xf32>,
    %div3A_175 = arith.divf %div3A_158, %add3A_160 : vector<512x1xf32>
    %swap3A_176 = arith.constant 0 : index
    %swap3A_177 = arith.constant 1024 : index
    %swap3A_178 = arith.constant 0 : index
    %swap3A_179 = vector.load %arg5[%swap3A_176, %swap3A_177, %swap3A_178] : memref<1x1536x1xf32, #tpu.memory_space<vmem>>, vector<1x512x1xf32>
    %swap3A_180 = vector.shape_cast %swap3A_179 : vector<1x512x1xf32> to vector<512x1xf32>
    %swap3A_181 = vector.shape_cast %div3A_175 : vector<512x1xf32> to vector<1x512x1xf32>
    tpu.vector_store %arg5[%swap3A_176, %swap3A_177, %swap3A_178], %swap3A_181 {strides = array<i32>} : memref<1x1536x1xf32, #tpu.memory_space<vmem>>, vector<1x512x1xf32>,
    return
  }
  func.func @transform_0(%arg0: i32, %arg1: i32) -> (i32, i32, i32) {
    %c0_i32 = arith.constant 0 : i32
    %c0_i32_0 = arith.constant 0 : i32
    return %arg0, %c0_i32, %arg1 : i32, i32, i32
  }
  func.func @transform_1(%arg0: i32, %arg1: i32) -> (i32, i32, i32) {
    %c0_i32 = arith.constant 0 : i32
    %c0_i32_0 = arith.constant 0 : i32
    %c0_i32_1 = arith.constant 0 : i32
    return %arg0, %c0_i32, %c0_i32_0 : i32, i32, i32
  }
  func.func @transform_2(%arg0: i32, %arg1: i32) -> (i32, i32, i32) {
    %mul3A = arith.constant 8 : i32
    %mul3A_0 = arith.muli %arg0, %mul3A : i32
    %add3A = arith.addi %mul3A_0, %arg1 : i32
    %c0_i32 = arith.constant 0 : i32
    %c0_i32_1 = arith.constant 0 : i32
    %c0_i32_2 = arith.constant 0 : i32
    return %add3A, %c0_i32, %c0_i32_1 : i32, i32, i32
  }
  func.func @transform_3(%arg0: i32, %arg1: i32) -> (i32, i32, i32) {
    %mul3A = arith.constant 8 : i32
    %mul3A_0 = arith.muli %arg0, %mul3A : i32
    %add3A = arith.addi %mul3A_0, %arg1 : i32
    %c0_i32 = arith.constant 0 : i32
    %c0_i32_1 = arith.constant 0 : i32
    %c0_i32_2 = arith.constant 0 : i32
    return %add3A, %c0_i32, %c0_i32_1 : i32, i32, i32
  }
}

module attributes {stable_mosaic.version = 14 : i64} {
  func.func @_k3_body(%arg0: i32, %arg1: i32, %arg2: memref<1x256x1024xbf16, #tpu.memory_space<vmem>>, %arg3: memref<256x1xf32, #tpu.memory_space<vmem>>, %arg4: memref<256x1xf32, #tpu.memory_space<vmem>>, %arg5: memref<256x1xf32, #tpu.memory_space<vmem>>, %arg6: memref<256x1xf32, #tpu.memory_space<vmem>>, %arg7: memref<128x256xf32, #tpu.memory_space<vmem>>, %arg8: memref<128x1xf32, #tpu.memory_space<vmem>>, %arg9: memref<1x128x1024xbf16, #tpu.memory_space<vmem>>, %arg10: memref<128x1xf32, #tpu.memory_space<vmem>>, %arg11: memref<128x1xf32, #tpu.memory_space<vmem>>) attributes {dimension_semantics = [#tpu.dimension_semantics<arbitrary>, #tpu.dimension_semantics<arbitrary>], iteration_bounds = array<i64: 8, 4>, scalar_prefetch = 0 : i64, scratch_operands = 0 : i64, tpu.core_type = #tpu.core_type<tc>, window_params = [{transform_indices = @transform_0, window_bounds = array<i64: 1, 256, 1024>}, {pipeline_mode = #tpu.pipeline_mode<synchronous>, transform_indices = @transform_1, window_bounds = array<i64: 256, 1>}, {pipeline_mode = #tpu.pipeline_mode<synchronous>, transform_indices = @transform_2, window_bounds = array<i64: 256, 1>}, {pipeline_mode = #tpu.pipeline_mode<synchronous>, transform_indices = @transform_3, window_bounds = array<i64: 256, 1>}, {pipeline_mode = #tpu.pipeline_mode<synchronous>, transform_indices = @transform_4, window_bounds = array<i64: 256, 1>}, {pipeline_mode = #tpu.pipeline_mode<synchronous>, transform_indices = @transform_5, window_bounds = array<i64: 128, 256>}, {pipeline_mode = #tpu.pipeline_mode<synchronous>, transform_indices = @transform_6, window_bounds = array<i64: 128, 1>}, {transform_indices = @transform_7, window_bounds = array<i64: 1, 128, 1024>}, {pipeline_mode = #tpu.pipeline_mode<synchronous>, transform_indices = @transform_8, window_bounds = array<i64: 128, 1>}, {pipeline_mode = #tpu.pipeline_mode<synchronous>, transform_indices = @transform_9, window_bounds = array<i64: 128, 1>}]} {
    %get3A = arith.constant 0 : index
    %get3A_0 = arith.constant 0 : index
    %get3A_1 = vector.load %arg3[%get3A, %get3A_0] : memref<256x1xf32, #tpu.memory_space<vmem>>, vector<256x1xf32>
    %mul3A = arith.constant 3.05175781E-5 : f32
    %mul3A_2 = vector.broadcast %mul3A : f32 to vector<256x1xf32>
    %mul3A_3 = arith.mulf %get3A_1, %mul3A_2 : vector<256x1xf32>
    %get3A_4 = arith.constant 0 : index
    %get3A_5 = arith.constant 0 : index
    %get3A_6 = vector.load %arg4[%get3A_4, %get3A_5] : memref<256x1xf32, #tpu.memory_space<vmem>>, vector<256x1xf32>
    %mul3A_7 = arith.constant 3.05175781E-5 : f32
    %mul3A_8 = vector.broadcast %mul3A_7 : f32 to vector<256x1xf32>
    %mul3A_9 = arith.mulf %get3A_6, %mul3A_8 : vector<256x1xf32>
    %mul3A_10 = arith.mulf %mul3A_3, %mul3A_3 : vector<256x1xf32>
    %sub3A = arith.subf %mul3A_9, %mul3A_10 : vector<256x1xf32>
    %get3A_11 = arith.constant 0 : index
    %get3A_12 = arith.constant 0 : index
    %get3A_13 = vector.load %arg5[%get3A_11, %get3A_12] : memref<256x1xf32, #tpu.memory_space<vmem>>, vector<256x1xf32>
    %add3A = arith.constant 9.99999974E-6 : f32
    %add3A_14 = vector.broadcast %add3A : f32 to vector<256x1xf32>
    %add3A_15 = arith.addf %sub3A, %add3A_14 : vector<256x1xf32>
    %sqrt3A = math.sqrt %add3A_15 : vector<256x1xf32>
    %div3A = arith.divf %get3A_13, %sqrt3A : vector<256x1xf32>
    %get3A_16 = arith.constant 0 : index
    %get3A_17 = arith.constant 0 : index
    %get3A_18 = vector.load %arg6[%get3A_16, %get3A_17] : memref<256x1xf32, #tpu.memory_space<vmem>>, vector<256x1xf32>
    %mul3A_19 = arith.mulf %mul3A_3, %div3A : vector<256x1xf32>
    %sub3A_20 = arith.subf %get3A_18, %mul3A_19 : vector<256x1xf32>
    %get3A_21 = arith.constant 0 : index
    %get3A_22 = arith.constant 0 : index
    %get3A_23 = arith.constant 0 : index
    %get3A_24 = vector.load %arg2[%get3A_21, %get3A_22, %get3A_23] : memref<1x256x1024xbf16, #tpu.memory_space<vmem>>, vector<1x256x1024xbf16>
    %get3A_25 = vector.shape_cast %get3A_24 : vector<1x256x1024xbf16> to vector<256x1024xbf16>
    %convert_element_type3A = arith.extf %get3A_25 : vector<256x1024xbf16> to vector<256x1024xf32>
    %mul3A_26 = vector.broadcast %div3A : vector<256x1xf32> to vector<256x1024xf32>
    %mul3A_27 = arith.mulf %convert_element_type3A, %mul3A_26 : vector<256x1024xf32>
    %add3A_28 = vector.broadcast %sub3A_20 : vector<256x1xf32> to vector<256x1024xf32>
    %add3A_29 = arith.addf %mul3A_27, %add3A_28 : vector<256x1024xf32>
    %max3A = arith.constant 0.000000e+00 : f32
    %max3A_30 = vector.broadcast %max3A : f32 to vector<256x1024xf32>
    %max3A_31 = arith.maximumf %add3A_29, %max3A_30 : vector<256x1024xf32>
    %get3A_32 = arith.constant 0 : index
    %get3A_33 = arith.constant 0 : index
    %get3A_34 = vector.load %arg7[%get3A_32, %get3A_33] : memref<128x256xf32, #tpu.memory_space<vmem>>, vector<128x256xf32>
    %dot_general3A = arith.constant dense<0.000000e+00> : vector<128x1024xf32>
    %dot_general3A_35 = tpu.matmul %get3A_34, %max3A_31, %dot_general3A {dimension_numbers = #tpu.dot_dimension_numbers<[1], [0], [0], [1], [0, 0, 1, 1], [], []>, transpose_lhs_hint = false} : vector<128x256xf32>, vector<256x1024xf32>, vector<128x1024xf32> -> vector<128x1024xf32>
    %get3A_36 = arith.constant 0 : index
    %get3A_37 = arith.constant 0 : index
    %get3A_38 = vector.load %arg8[%get3A_36, %get3A_37] : memref<128x1xf32, #tpu.memory_space<vmem>>, vector<128x1xf32>
    %add3A_39 = vector.broadcast %get3A_38 : vector<128x1xf32> to vector<128x1024xf32>
    %add3A_40 = arith.addf %dot_general3A_35, %add3A_39 : vector<128x1024xf32>
    %convert_element_type3A_41 = arith.truncf %add3A_40 : vector<128x1024xf32> to vector<128x1024xbf16>
    %swap3A = arith.constant 0 : index
    %swap3A_42 = arith.constant 0 : index
    %swap3A_43 = arith.constant 0 : index
    %swap3A_44 = vector.load %arg9[%swap3A, %swap3A_42, %swap3A_43] : memref<1x128x1024xbf16, #tpu.memory_space<vmem>>, vector<1x128x1024xbf16>
    %swap3A_45 = vector.shape_cast %swap3A_44 : vector<1x128x1024xbf16> to vector<128x1024xbf16>
    %swap3A_46 = vector.shape_cast %convert_element_type3A_41 : vector<128x1024xbf16> to vector<1x128x1024xbf16>
    tpu.vector_store %arg9[%swap3A, %swap3A_42, %swap3A_43], %swap3A_46 {strides = array<i32>} : memref<1x128x1024xbf16, #tpu.memory_space<vmem>>, vector<1x128x1024xbf16>,
    %reduce_sum3A = arith.constant dense<0.000000e+00> : vector<128xf32>
    %reduce_sum3A_47 = vector.multi_reduction <add>, %add3A_40, %reduce_sum3A [1] : vector<128x1024xf32> to vector<128xf32>
    %broadcast_in_dim3A = vector.shape_cast %reduce_sum3A_47 : vector<128xf32> to vector<128x1xf32>
    %mul3A_48 = arith.mulf %add3A_40, %add3A_40 : vector<128x1024xf32>
    %reduce_sum3A_49 = arith.constant dense<0.000000e+00> : vector<128xf32>
    %reduce_sum3A_50 = vector.multi_reduction <add>, %mul3A_48, %reduce_sum3A_49 [1] : vector<128x1024xf32> to vector<128xf32>
    %broadcast_in_dim3A_51 = vector.shape_cast %reduce_sum3A_50 : vector<128xf32> to vector<128x1xf32>
    %eq3A = arith.constant 0 : i32
    %eq3A_52 = arith.cmpi eq, %arg0, %eq3A : i32
    %eq3A_53 = arith.constant 0 : i32
    %eq3A_54 = arith.cmpi eq, %arg1, %eq3A_53 : i32
    %and3A = arith.andi %eq3A_52, %eq3A_54 : i1
    %convert_element_type3A_55 = arith.extui %and3A : i1 to i32
    %cond3A = arith.constant 0 : i32
    %cond3A_56 = arith.cmpi ne, %convert_element_type3A_55, %cond3A : i32
    scf.if %cond3A_56 {
      %swap3A_61 = arith.constant 0 : index
      %swap3A_62 = arith.constant 0 : index
      %swap3A_63 = vector.load %arg10[%swap3A_61, %swap3A_62] : memref<128x1xf32, #tpu.memory_space<vmem>>, vector<128x1xf32>
      tpu.vector_store %arg10[%swap3A_61, %swap3A_62], %broadcast_in_dim3A {strides = array<i32>} : memref<128x1xf32, #tpu.memory_space<vmem>>, vector<128x1xf32>,
      %swap3A_64 = arith.constant 0 : index
      %swap3A_65 = arith.constant 0 : index
      %swap3A_66 = vector.load %arg11[%swap3A_64, %swap3A_65] : memref<128x1xf32, #tpu.memory_space<vmem>>, vector<128x1xf32>
      tpu.vector_store %arg11[%swap3A_64, %swap3A_65], %broadcast_in_dim3A_51 {strides = array<i32>} : memref<128x1xf32, #tpu.memory_space<vmem>>, vector<128x1xf32>,
    } else {
    }
    %not3A = arith.constant true
    %not3A_57 = arith.xori %and3A, %not3A : i1
    %convert_element_type3A_58 = arith.extui %not3A_57 : i1 to i32
    %cond3A_59 = arith.constant 0 : i32
    %cond3A_60 = arith.cmpi ne, %convert_element_type3A_58, %cond3A_59 : i32
    scf.if %cond3A_60 {
      %get3A_61 = arith.constant 0 : index
      %get3A_62 = arith.constant 0 : index
      %get3A_63 = vector.load %arg10[%get3A_61, %get3A_62] : memref<128x1xf32, #tpu.memory_space<vmem>>, vector<128x1xf32>
      %add3A_64 = arith.addf %get3A_63, %broadcast_in_dim3A : vector<128x1xf32>
      %swap3A_65 = arith.constant 0 : index
      %swap3A_66 = arith.constant 0 : index
      %swap3A_67 = vector.load %arg10[%swap3A_65, %swap3A_66] : memref<128x1xf32, #tpu.memory_space<vmem>>, vector<128x1xf32>
      tpu.vector_store %arg10[%swap3A_65, %swap3A_66], %add3A_64 {strides = array<i32>} : memref<128x1xf32, #tpu.memory_space<vmem>>, vector<128x1xf32>,
      %get3A_68 = arith.constant 0 : index
      %get3A_69 = arith.constant 0 : index
      %get3A_70 = vector.load %arg11[%get3A_68, %get3A_69] : memref<128x1xf32, #tpu.memory_space<vmem>>, vector<128x1xf32>
      %add3A_71 = arith.addf %get3A_70, %broadcast_in_dim3A_51 : vector<128x1xf32>
      %swap3A_72 = arith.constant 0 : index
      %swap3A_73 = arith.constant 0 : index
      %swap3A_74 = vector.load %arg11[%swap3A_72, %swap3A_73] : memref<128x1xf32, #tpu.memory_space<vmem>>, vector<128x1xf32>
      tpu.vector_store %arg11[%swap3A_72, %swap3A_73], %add3A_71 {strides = array<i32>} : memref<128x1xf32, #tpu.memory_space<vmem>>, vector<128x1xf32>,
    } else {
    }
    return
  }
  func.func @transform_0(%arg0: i32, %arg1: i32) -> (i32, i32, i32) {
    %c0_i32 = arith.constant 0 : i32
    %c0_i32_0 = arith.constant 0 : i32
    return %arg0, %c0_i32, %arg1 : i32, i32, i32
  }
  func.func @transform_1(%arg0: i32, %arg1: i32) -> (i32, i32) {
    %c0_i32 = arith.constant 0 : i32
    %c0_i32_0 = arith.constant 0 : i32
    %c0_i32_1 = arith.constant 0 : i32
    return %c0_i32, %c0_i32_0 : i32, i32
  }
  func.func @transform_2(%arg0: i32, %arg1: i32) -> (i32, i32) {
    %c0_i32 = arith.constant 0 : i32
    %c0_i32_0 = arith.constant 0 : i32
    %c0_i32_1 = arith.constant 0 : i32
    return %c0_i32, %c0_i32_0 : i32, i32
  }
  func.func @transform_3(%arg0: i32, %arg1: i32) -> (i32, i32) {
    %c0_i32 = arith.constant 0 : i32
    %c0_i32_0 = arith.constant 0 : i32
    %c0_i32_1 = arith.constant 0 : i32
    return %c0_i32, %c0_i32_0 : i32, i32
  }
  func.func @transform_4(%arg0: i32, %arg1: i32) -> (i32, i32) {
    %c0_i32 = arith.constant 0 : i32
    %c0_i32_0 = arith.constant 0 : i32
    %c0_i32_1 = arith.constant 0 : i32
    return %c0_i32, %c0_i32_0 : i32, i32
  }
  func.func @transform_5(%arg0: i32, %arg1: i32) -> (i32, i32) {
    %c0_i32 = arith.constant 0 : i32
    %c0_i32_0 = arith.constant 0 : i32
    %c0_i32_1 = arith.constant 0 : i32
    return %c0_i32, %c0_i32_0 : i32, i32
  }
  func.func @transform_6(%arg0: i32, %arg1: i32) -> (i32, i32) {
    %c0_i32 = arith.constant 0 : i32
    %c0_i32_0 = arith.constant 0 : i32
    %c0_i32_1 = arith.constant 0 : i32
    return %c0_i32, %c0_i32_0 : i32, i32
  }
  func.func @transform_7(%arg0: i32, %arg1: i32) -> (i32, i32, i32) {
    %c0_i32 = arith.constant 0 : i32
    %c0_i32_0 = arith.constant 0 : i32
    return %arg0, %c0_i32, %arg1 : i32, i32, i32
  }
  func.func @transform_8(%arg0: i32, %arg1: i32) -> (i32, i32) {
    %c0_i32 = arith.constant 0 : i32
    %c0_i32_0 = arith.constant 0 : i32
    %c0_i32_1 = arith.constant 0 : i32
    return %c0_i32, %c0_i32_0 : i32, i32
  }
  func.func @transform_9(%arg0: i32, %arg1: i32) -> (i32, i32) {
    %c0_i32 = arith.constant 0 : i32
    %c0_i32_0 = arith.constant 0 : i32
    %c0_i32_1 = arith.constant 0 : i32
    return %c0_i32, %c0_i32_0 : i32, i32
  }
}

module attributes {stable_mosaic.version = 14 : i64} {
  func.func @_k2_body(%arg0: i32, %arg1: i32, %arg2: memref<1x128x1024xf32, #tpu.memory_space<vmem>>, %arg3: memref<2x3x512x128xf32, #tpu.memory_space<vmem>>, %arg4: memref<2x1536x1xf32, #tpu.memory_space<vmem>>, %arg5: memref<1x128x1024xf32, #tpu.memory_space<vmem>>, %arg6: memref<256x384xf32, #tpu.memory_space<vmem>>, %arg7: memref<256x1xf32, #tpu.memory_space<vmem>>, %arg8: memref<1x256x1024xbf16, #tpu.memory_space<vmem>>, %arg9: memref<256x1xf32, #tpu.memory_space<vmem>>, %arg10: memref<256x1xf32, #tpu.memory_space<vmem>>) attributes {dimension_semantics = [#tpu.dimension_semantics<arbitrary>, #tpu.dimension_semantics<arbitrary>], iteration_bounds = array<i64: 8, 4>, scalar_prefetch = 0 : i64, scratch_operands = 0 : i64, tpu.core_type = #tpu.core_type<tc>, window_params = [{transform_indices = @transform_0, window_bounds = array<i64: 1, 128, 1024>}, {transform_indices = @transform_1, window_bounds = array<i64: 2, 3, 512, 128>}, {transform_indices = @transform_2, window_bounds = array<i64: 2, 1536, 1>}, {transform_indices = @transform_3, window_bounds = array<i64: 1, 128, 1024>}, {pipeline_mode = #tpu.pipeline_mode<synchronous>, transform_indices = @transform_4, window_bounds = array<i64: 256, 384>}, {pipeline_mode = #tpu.pipeline_mode<synchronous>, transform_indices = @transform_5, window_bounds = array<i64: 256, 1>}, {transform_indices = @transform_6, window_bounds = array<i64: 1, 256, 1024>}, {pipeline_mode = #tpu.pipeline_mode<synchronous>, transform_indices = @transform_7, window_bounds = array<i64: 256, 1>}, {pipeline_mode = #tpu.pipeline_mode<synchronous>, transform_indices = @transform_8, window_bounds = array<i64: 256, 1>}]} {
    %get3A = arith.constant 0 : index
    %get3A_0 = arith.constant 0 : index
    %get3A_1 = arith.constant 0 : index
    %get3A_2 = vector.load %arg4[%get3A, %get3A_0, %get3A_1] : memref<2x1536x1xf32, #tpu.memory_space<vmem>>, vector<1x512x1xf32>
    %get3A_3 = vector.shape_cast %get3A_2 : vector<1x512x1xf32> to vector<512x1xf32>
    %get3A_4 = arith.constant 0 : index
    %get3A_5 = arith.constant 512 : index
    %get3A_6 = arith.constant 0 : index
    %get3A_7 = vector.load %arg4[%get3A_4, %get3A_5, %get3A_6] : memref<2x1536x1xf32, #tpu.memory_space<vmem>>, vector<1x512x1xf32>
    %get3A_8 = vector.shape_cast %get3A_7 : vector<1x512x1xf32> to vector<512x1xf32>
    %get3A_9 = arith.constant 0 : index
    %get3A_10 = arith.constant 1024 : index
    %get3A_11 = arith.constant 0 : index
    %get3A_12 = vector.load %arg4[%get3A_9, %get3A_10, %get3A_11] : memref<2x1536x1xf32, #tpu.memory_space<vmem>>, vector<1x512x1xf32>
    %get3A_13 = vector.shape_cast %get3A_12 : vector<1x512x1xf32> to vector<512x1xf32>
    %get3A_14 = arith.constant 0 : index
    %get3A_15 = arith.constant 0 : index
    %get3A_16 = arith.constant 0 : index
    %get3A_17 = arith.constant 0 : index
    %get3A_18 = vector.load %arg3[%get3A_14, %get3A_15, %get3A_16, %get3A_17] : memref<2x3x512x128xf32, #tpu.memory_space<vmem>>, vector<1x1x512x128xf32>
    %get3A_19 = vector.shape_cast %get3A_18 : vector<1x1x512x128xf32> to vector<512x128xf32>
    %mul3A = vector.broadcast %get3A_3 : vector<512x1xf32> to vector<512x128xf32>
    %mul3A_20 = arith.mulf %mul3A, %get3A_19 : vector<512x128xf32>
    %get3A_21 = arith.constant 0 : index
    %get3A_22 = arith.constant 1 : index
    %get3A_23 = arith.constant 0 : index
    %get3A_24 = arith.constant 0 : index
    %get3A_25 = vector.load %arg3[%get3A_21, %get3A_22, %get3A_23, %get3A_24] : memref<2x3x512x128xf32, #tpu.memory_space<vmem>>, vector<1x1x512x128xf32>
    %get3A_26 = vector.shape_cast %get3A_25 : vector<1x1x512x128xf32> to vector<512x128xf32>
    %mul3A_27 = vector.broadcast %get3A_8 : vector<512x1xf32> to vector<512x128xf32>
    %mul3A_28 = arith.mulf %mul3A_27, %get3A_26 : vector<512x128xf32>
    %add3A = arith.addf %mul3A_20, %mul3A_28 : vector<512x128xf32>
    %get3A_29 = arith.constant 0 : index
    %get3A_30 = arith.constant 2 : index
    %get3A_31 = arith.constant 0 : index
    %get3A_32 = arith.constant 0 : index
    %get3A_33 = vector.load %arg3[%get3A_29, %get3A_30, %get3A_31, %get3A_32] : memref<2x3x512x128xf32, #tpu.memory_space<vmem>>, vector<1x1x512x128xf32>
    %get3A_34 = vector.shape_cast %get3A_33 : vector<1x1x512x128xf32> to vector<512x128xf32>
    %mul3A_35 = vector.broadcast %get3A_13 : vector<512x1xf32> to vector<512x128xf32>
    %mul3A_36 = arith.mulf %mul3A_35, %get3A_34 : vector<512x128xf32>
    %add3A_37 = arith.addf %add3A, %mul3A_36 : vector<512x128xf32>
    %get3A_38 = arith.constant 1 : index
    %get3A_39 = arith.constant 0 : index
    %get3A_40 = arith.constant 0 : index
    %get3A_41 = vector.load %arg4[%get3A_38, %get3A_39, %get3A_40] : memref<2x1536x1xf32, #tpu.memory_space<vmem>>, vector<1x512x1xf32>
    %get3A_42 = vector.shape_cast %get3A_41 : vector<1x512x1xf32> to vector<512x1xf32>
    %get3A_43 = arith.constant 1 : index
    %get3A_44 = arith.constant 512 : index
    %get3A_45 = arith.constant 0 : index
    %get3A_46 = vector.load %arg4[%get3A_43, %get3A_44, %get3A_45] : memref<2x1536x1xf32, #tpu.memory_space<vmem>>, vector<1x512x1xf32>
    %get3A_47 = vector.shape_cast %get3A_46 : vector<1x512x1xf32> to vector<512x1xf32>
    %get3A_48 = arith.constant 1 : index
    %get3A_49 = arith.constant 1024 : index
    %get3A_50 = arith.constant 0 : index
    %get3A_51 = vector.load %arg4[%get3A_48, %get3A_49, %get3A_50] : memref<2x1536x1xf32, #tpu.memory_space<vmem>>, vector<1x512x1xf32>
    %get3A_52 = vector.shape_cast %get3A_51 : vector<1x512x1xf32> to vector<512x1xf32>
    %get3A_53 = arith.constant 1 : index
    %get3A_54 = arith.constant 0 : index
    %get3A_55 = arith.constant 0 : index
    %get3A_56 = arith.constant 0 : index
    %get3A_57 = vector.load %arg3[%get3A_53, %get3A_54, %get3A_55, %get3A_56] : memref<2x3x512x128xf32, #tpu.memory_space<vmem>>, vector<1x1x512x128xf32>
    %get3A_58 = vector.shape_cast %get3A_57 : vector<1x1x512x128xf32> to vector<512x128xf32>
    %mul3A_59 = vector.broadcast %get3A_42 : vector<512x1xf32> to vector<512x128xf32>
    %mul3A_60 = arith.mulf %mul3A_59, %get3A_58 : vector<512x128xf32>
    %get3A_61 = arith.constant 1 : index
    %get3A_62 = arith.constant 1 : index
    %get3A_63 = arith.constant 0 : index
    %get3A_64 = arith.constant 0 : index
    %get3A_65 = vector.load %arg3[%get3A_61, %get3A_62, %get3A_63, %get3A_64] : memref<2x3x512x128xf32, #tpu.memory_space<vmem>>, vector<1x1x512x128xf32>
    %get3A_66 = vector.shape_cast %get3A_65 : vector<1x1x512x128xf32> to vector<512x128xf32>
    %mul3A_67 = vector.broadcast %get3A_47 : vector<512x1xf32> to vector<512x128xf32>
    %mul3A_68 = arith.mulf %mul3A_67, %get3A_66 : vector<512x128xf32>
    %add3A_69 = arith.addf %mul3A_60, %mul3A_68 : vector<512x128xf32>
    %get3A_70 = arith.constant 1 : index
    %get3A_71 = arith.constant 2 : index
    %get3A_72 = arith.constant 0 : index
    %get3A_73 = arith.constant 0 : index
    %get3A_74 = vector.load %arg3[%get3A_70, %get3A_71, %get3A_72, %get3A_73] : memref<2x3x512x128xf32, #tpu.memory_space<vmem>>, vector<1x1x512x128xf32>
    %get3A_75 = vector.shape_cast %get3A_74 : vector<1x1x512x128xf32> to vector<512x128xf32>
    %mul3A_76 = vector.broadcast %get3A_52 : vector<512x1xf32> to vector<512x128xf32>
    %mul3A_77 = arith.mulf %mul3A_76, %get3A_75 : vector<512x128xf32>
    %add3A_78 = arith.addf %add3A_69, %mul3A_77 : vector<512x128xf32>
    %concatenate3A = tpu.concatenate %add3A_37, %add3A_78 in 0 : vector<512x128xf32>, vector<512x128xf32> -> vector<1024x128xf32>
    %get3A_79 = arith.constant 0 : index
    %get3A_80 = arith.constant 0 : index
    %get3A_81 = vector.load %arg6[%get3A_79, %get3A_80] : memref<256x384xf32, #tpu.memory_space<vmem>>, vector<256x384xf32>
    %slice3A = vector.extract_strided_slice %get3A_81 {offsets = [0, 0], sizes = [256, 128], strides = [1, 1]} : vector<256x384xf32> to vector<256x128xf32>
    %get3A_82 = arith.constant 0 : index
    %get3A_83 = arith.constant 0 : index
    %get3A_84 = arith.constant 0 : index
    %get3A_85 = vector.load %arg2[%get3A_82, %get3A_83, %get3A_84] : memref<1x128x1024xf32, #tpu.memory_space<vmem>>, vector<1x128x1024xf32>
    %get3A_86 = vector.shape_cast %get3A_85 : vector<1x128x1024xf32> to vector<128x1024xf32>
    %dot_general3A = arith.constant dense<0.000000e+00> : vector<256x1024xf32>
    %dot_general3A_87 = tpu.matmul %slice3A, %get3A_86, %dot_general3A {dimension_numbers = #tpu.dot_dimension_numbers<[1], [0], [0], [1], [0, 0, 1, 1], [], []>, transpose_lhs_hint = false} : vector<256x128xf32>, vector<128x1024xf32>, vector<256x1024xf32> -> vector<256x1024xf32>
    %slice3A_88 = vector.extract_strided_slice %get3A_81 {offsets = [0, 128], sizes = [256, 128], strides = [1, 1]} : vector<256x384xf32> to vector<256x128xf32>
    %dot_general3A_89 = arith.constant dense<0.000000e+00> : vector<256x1024xf32>
    %dot_general3A_90 = tpu.matmul %slice3A_88, %concatenate3A, %dot_general3A_89 {dimension_numbers = #tpu.dot_dimension_numbers<[1], [1], [0], [0], [0, 0, 1, 0], [], []>, transpose_lhs_hint = false} : vector<256x128xf32>, vector<1024x128xf32>, vector<256x1024xf32> -> vector<256x1024xf32>
    %add3A_91 = arith.addf %dot_general3A_87, %dot_general3A_90 : vector<256x1024xf32>
    %slice3A_92 = vector.extract_strided_slice %get3A_81 {offsets = [0, 256], sizes = [256, 128], strides = [1, 1]} : vector<256x384xf32> to vector<256x128xf32>
    %get3A_93 = arith.constant 0 : index
    %get3A_94 = arith.constant 0 : index
    %get3A_95 = arith.constant 0 : index
    %get3A_96 = vector.load %arg5[%get3A_93, %get3A_94, %get3A_95] : memref<1x128x1024xf32, #tpu.memory_space<vmem>>, vector<1x128x1024xf32>
    %get3A_97 = vector.shape_cast %get3A_96 : vector<1x128x1024xf32> to vector<128x1024xf32>
    %dot_general3A_98 = arith.constant dense<0.000000e+00> : vector<256x1024xf32>
    %dot_general3A_99 = tpu.matmul %slice3A_92, %get3A_97, %dot_general3A_98 {dimension_numbers = #tpu.dot_dimension_numbers<[1], [0], [0], [1], [0, 0, 1, 1], [], []>, transpose_lhs_hint = false} : vector<256x128xf32>, vector<128x1024xf32>, vector<256x1024xf32> -> vector<256x1024xf32>
    %add3A_100 = arith.addf %add3A_91, %dot_general3A_99 : vector<256x1024xf32>
    %get3A_101 = arith.constant 0 : index
    %get3A_102 = arith.constant 0 : index
    %get3A_103 = vector.load %arg7[%get3A_101, %get3A_102] : memref<256x1xf32, #tpu.memory_space<vmem>>, vector<256x1xf32>
    %add3A_104 = vector.broadcast %get3A_103 : vector<256x1xf32> to vector<256x1024xf32>
    %add3A_105 = arith.addf %add3A_100, %add3A_104 : vector<256x1024xf32>
    %convert_element_type3A = arith.truncf %add3A_105 : vector<256x1024xf32> to vector<256x1024xbf16>
    %swap3A = arith.constant 0 : index
    %swap3A_106 = arith.constant 0 : index
    %swap3A_107 = arith.constant 0 : index
    %swap3A_108 = vector.load %arg8[%swap3A, %swap3A_106, %swap3A_107] : memref<1x256x1024xbf16, #tpu.memory_space<vmem>>, vector<1x256x1024xbf16>
    %swap3A_109 = vector.shape_cast %swap3A_108 : vector<1x256x1024xbf16> to vector<256x1024xbf16>
    %swap3A_110 = vector.shape_cast %convert_element_type3A : vector<256x1024xbf16> to vector<1x256x1024xbf16>
    tpu.vector_store %arg8[%swap3A, %swap3A_106, %swap3A_107], %swap3A_110 {strides = array<i32>} : memref<1x256x1024xbf16, #tpu.memory_space<vmem>>, vector<1x256x1024xbf16>,
    %reduce_sum3A = arith.constant dense<0.000000e+00> : vector<256xf32>
    %reduce_sum3A_111 = vector.multi_reduction <add>, %add3A_105, %reduce_sum3A [1] : vector<256x1024xf32> to vector<256xf32>
    %broadcast_in_dim3A = vector.shape_cast %reduce_sum3A_111 : vector<256xf32> to vector<256x1xf32>
    %mul3A_112 = arith.mulf %add3A_105, %add3A_105 : vector<256x1024xf32>
    %reduce_sum3A_113 = arith.constant dense<0.000000e+00> : vector<256xf32>
    %reduce_sum3A_114 = vector.multi_reduction <add>, %mul3A_112, %reduce_sum3A_113 [1] : vector<256x1024xf32> to vector<256xf32>
    %broadcast_in_dim3A_115 = vector.shape_cast %reduce_sum3A_114 : vector<256xf32> to vector<256x1xf32>
    %eq3A = arith.constant 0 : i32
    %eq3A_116 = arith.cmpi eq, %arg0, %eq3A : i32
    %eq3A_117 = arith.constant 0 : i32
    %eq3A_118 = arith.cmpi eq, %arg1, %eq3A_117 : i32
    %and3A = arith.andi %eq3A_116, %eq3A_118 : i1
    %convert_element_type3A_119 = arith.extui %and3A : i1 to i32
    %cond3A = arith.constant 0 : i32
    %cond3A_120 = arith.cmpi ne, %convert_element_type3A_119, %cond3A : i32
    scf.if %cond3A_120 {
      %swap3A_125 = arith.constant 0 : index
      %swap3A_126 = arith.constant 0 : index
      %swap3A_127 = vector.load %arg9[%swap3A_125, %swap3A_126] : memref<256x1xf32, #tpu.memory_space<vmem>>, vector<256x1xf32>
      tpu.vector_store %arg9[%swap3A_125, %swap3A_126], %broadcast_in_dim3A {strides = array<i32>} : memref<256x1xf32, #tpu.memory_space<vmem>>, vector<256x1xf32>,
      %swap3A_128 = arith.constant 0 : index
      %swap3A_129 = arith.constant 0 : index
      %swap3A_130 = vector.load %arg10[%swap3A_128, %swap3A_129] : memref<256x1xf32, #tpu.memory_space<vmem>>, vector<256x1xf32>
      tpu.vector_store %arg10[%swap3A_128, %swap3A_129], %broadcast_in_dim3A_115 {strides = array<i32>} : memref<256x1xf32, #tpu.memory_space<vmem>>, vector<256x1xf32>,
    } else {
    }
    %not3A = arith.constant true
    %not3A_121 = arith.xori %and3A, %not3A : i1
    %convert_element_type3A_122 = arith.extui %not3A_121 : i1 to i32
    %cond3A_123 = arith.constant 0 : i32
    %cond3A_124 = arith.cmpi ne, %convert_element_type3A_122, %cond3A_123 : i32
    scf.if %cond3A_124 {
      %get3A_125 = arith.constant 0 : index
      %get3A_126 = arith.constant 0 : index
      %get3A_127 = vector.load %arg9[%get3A_125, %get3A_126] : memref<256x1xf32, #tpu.memory_space<vmem>>, vector<256x1xf32>
      %add3A_128 = arith.addf %get3A_127, %broadcast_in_dim3A : vector<256x1xf32>
      %swap3A_129 = arith.constant 0 : index
      %swap3A_130 = arith.constant 0 : index
      %swap3A_131 = vector.load %arg9[%swap3A_129, %swap3A_130] : memref<256x1xf32, #tpu.memory_space<vmem>>, vector<256x1xf32>
      tpu.vector_store %arg9[%swap3A_129, %swap3A_130], %add3A_128 {strides = array<i32>} : memref<256x1xf32, #tpu.memory_space<vmem>>, vector<256x1xf32>,
      %get3A_132 = arith.constant 0 : index
      %get3A_133 = arith.constant 0 : index
      %get3A_134 = vector.load %arg10[%get3A_132, %get3A_133] : memref<256x1xf32, #tpu.memory_space<vmem>>, vector<256x1xf32>
      %add3A_135 = arith.addf %get3A_134, %broadcast_in_dim3A_115 : vector<256x1xf32>
      %swap3A_136 = arith.constant 0 : index
      %swap3A_137 = arith.constant 0 : index
      %swap3A_138 = vector.load %arg10[%swap3A_136, %swap3A_137] : memref<256x1xf32, #tpu.memory_space<vmem>>, vector<256x1xf32>
      tpu.vector_store %arg10[%swap3A_136, %swap3A_137], %add3A_135 {strides = array<i32>} : memref<256x1xf32, #tpu.memory_space<vmem>>, vector<256x1xf32>,
    } else {
    }
    return
  }
  func.func @transform_0(%arg0: i32, %arg1: i32) -> (i32, i32, i32) {
    %c0_i32 = arith.constant 0 : i32
    %c0_i32_0 = arith.constant 0 : i32
    return %arg0, %c0_i32, %arg1 : i32, i32, i32
  }
  func.func @transform_1(%arg0: i32, %arg1: i32) -> (i32, i32, i32, i32) {
    %mul3A = arith.constant 4 : i32
    %mul3A_0 = arith.muli %arg0, %mul3A : i32
    %add3A = arith.addi %mul3A_0, %arg1 : i32
    %c0_i32 = arith.constant 0 : i32
    %c0_i32_1 = arith.constant 0 : i32
    %c0_i32_2 = arith.constant 0 : i32
    %c0_i32_3 = arith.constant 0 : i32
    return %add3A, %c0_i32, %c0_i32_1, %c0_i32_2 : i32, i32, i32, i32
  }
  func.func @transform_2(%arg0: i32, %arg1: i32) -> (i32, i32, i32) {
    %mul3A = arith.constant 4 : i32
    %mul3A_0 = arith.muli %arg0, %mul3A : i32
    %add3A = arith.addi %mul3A_0, %arg1 : i32
    %c0_i32 = arith.constant 0 : i32
    %c0_i32_1 = arith.constant 0 : i32
    %c0_i32_2 = arith.constant 0 : i32
    return %add3A, %c0_i32, %c0_i32_1 : i32, i32, i32
  }
  func.func @transform_3(%arg0: i32, %arg1: i32) -> (i32, i32, i32) {
    %c0_i32 = arith.constant 0 : i32
    %c0_i32_0 = arith.constant 0 : i32
    return %arg0, %c0_i32, %arg1 : i32, i32, i32
  }
  func.func @transform_4(%arg0: i32, %arg1: i32) -> (i32, i32) {
    %c0_i32 = arith.constant 0 : i32
    %c0_i32_0 = arith.constant 0 : i32
    %c0_i32_1 = arith.constant 0 : i32
    return %c0_i32, %c0_i32_0 : i32, i32
  }
  func.func @transform_5(%arg0: i32, %arg1: i32) -> (i32, i32) {
    %c0_i32 = arith.constant 0 : i32
    %c0_i32_0 = arith.constant 0 : i32
    %c0_i32_1 = arith.constant 0 : i32
    return %c0_i32, %c0_i32_0 : i32, i32
  }
  func.func @transform_6(%arg0: i32, %arg1: i32) -> (i32, i32, i32) {
    %c0_i32 = arith.constant 0 : i32
    %c0_i32_0 = arith.constant 0 : i32
    return %arg0, %c0_i32, %arg1 : i32, i32, i32
  }
  func.func @transform_7(%arg0: i32, %arg1: i32) -> (i32, i32) {
    %c0_i32 = arith.constant 0 : i32
    %c0_i32_0 = arith.constant 0 : i32
    %c0_i32_1 = arith.constant 0 : i32
    return %c0_i32, %c0_i32_0 : i32, i32
  }
  func.func @transform_8(%arg0: i32, %arg1: i32) -> (i32, i32) {
    %c0_i32 = arith.constant 0 : i32
    %c0_i32_0 = arith.constant 0 : i32
    %c0_i32_1 = arith.constant 0 : i32
    return %c0_i32, %c0_i32_0 : i32, i32
  }
}

module attributes {stable_mosaic.version = 14 : i64} {
  func.func @_k4_body(%arg0: i32, %arg1: i32, %arg2: memref<1x128x2048xbf16, #tpu.memory_space<vmem>>, %arg3: memref<128x1xf32, #tpu.memory_space<vmem>>, %arg4: memref<128x1xf32, #tpu.memory_space<vmem>>, %arg5: memref<128x1xf32, #tpu.memory_space<vmem>>, %arg6: memref<128x1xf32, #tpu.memory_space<vmem>>, %arg7: memref<1x1x2048xf32, #tpu.memory_space<vmem>>) attributes {dimension_semantics = [#tpu.dimension_semantics<arbitrary>, #tpu.dimension_semantics<arbitrary>], iteration_bounds = array<i64: 8, 2>, scalar_prefetch = 0 : i64, scratch_operands = 0 : i64, tpu.core_type = #tpu.core_type<tc>, window_params = [{transform_indices = @transform_0, window_bounds = array<i64: 1, 128, 2048>}, {pipeline_mode = #tpu.pipeline_mode<synchronous>, transform_indices = @transform_1, window_bounds = array<i64: 128, 1>}, {pipeline_mode = #tpu.pipeline_mode<synchronous>, transform_indices = @transform_2, window_bounds = array<i64: 128, 1>}, {pipeline_mode = #tpu.pipeline_mode<synchronous>, transform_indices = @transform_3, window_bounds = array<i64: 128, 1>}, {pipeline_mode = #tpu.pipeline_mode<synchronous>, transform_indices = @transform_4, window_bounds = array<i64: 128, 1>}, {transform_indices = @transform_5, window_bounds = array<i64: 1, 1, 2048>}]} {
    %get3A = arith.constant 0 : index
    %get3A_0 = arith.constant 0 : index
    %get3A_1 = vector.load %arg3[%get3A, %get3A_0] : memref<128x1xf32, #tpu.memory_space<vmem>>, vector<128x1xf32>
    %mul3A = arith.constant 3.05175781E-5 : f32
    %mul3A_2 = vector.broadcast %mul3A : f32 to vector<128x1xf32>
    %mul3A_3 = arith.mulf %get3A_1, %mul3A_2 : vector<128x1xf32>
    %get3A_4 = arith.constant 0 : index
    %get3A_5 = arith.constant 0 : index
    %get3A_6 = vector.load %arg4[%get3A_4, %get3A_5] : memref<128x1xf32, #tpu.memory_space<vmem>>, vector<128x1xf32>
    %mul3A_7 = arith.constant 3.05175781E-5 : f32
    %mul3A_8 = vector.broadcast %mul3A_7 : f32 to vector<128x1xf32>
    %mul3A_9 = arith.mulf %get3A_6, %mul3A_8 : vector<128x1xf32>
    %mul3A_10 = arith.mulf %mul3A_3, %mul3A_3 : vector<128x1xf32>
    %sub3A = arith.subf %mul3A_9, %mul3A_10 : vector<128x1xf32>
    %get3A_11 = arith.constant 0 : index
    %get3A_12 = arith.constant 0 : index
    %get3A_13 = vector.load %arg5[%get3A_11, %get3A_12] : memref<128x1xf32, #tpu.memory_space<vmem>>, vector<128x1xf32>
    %add3A = arith.constant 9.99999974E-6 : f32
    %add3A_14 = vector.broadcast %add3A : f32 to vector<128x1xf32>
    %add3A_15 = arith.addf %sub3A, %add3A_14 : vector<128x1xf32>
    %sqrt3A = math.sqrt %add3A_15 : vector<128x1xf32>
    %div3A = arith.divf %get3A_13, %sqrt3A : vector<128x1xf32>
    %get3A_16 = arith.constant 0 : index
    %get3A_17 = arith.constant 0 : index
    %get3A_18 = vector.load %arg6[%get3A_16, %get3A_17] : memref<128x1xf32, #tpu.memory_space<vmem>>, vector<128x1xf32>
    %mul3A_19 = arith.mulf %mul3A_3, %div3A : vector<128x1xf32>
    %sub3A_20 = arith.subf %get3A_18, %mul3A_19 : vector<128x1xf32>
    %get3A_21 = arith.constant 0 : index
    %get3A_22 = arith.constant 0 : index
    %get3A_23 = arith.constant 0 : index
    %get3A_24 = vector.load %arg2[%get3A_21, %get3A_22, %get3A_23] : memref<1x128x2048xbf16, #tpu.memory_space<vmem>>, vector<1x128x2048xbf16>
    %get3A_25 = vector.shape_cast %get3A_24 : vector<1x128x2048xbf16> to vector<128x2048xbf16>
    %convert_element_type3A = arith.extf %get3A_25 : vector<128x2048xbf16> to vector<128x2048xf32>
    %mul3A_26 = vector.broadcast %div3A : vector<128x1xf32> to vector<128x2048xf32>
    %mul3A_27 = arith.mulf %convert_element_type3A, %mul3A_26 : vector<128x2048xf32>
    %add3A_28 = vector.broadcast %sub3A_20 : vector<128x1xf32> to vector<128x2048xf32>
    %add3A_29 = arith.addf %mul3A_27, %add3A_28 : vector<128x2048xf32>
    %reduce_max3A = arith.constant dense<0xFF800000> : vector<2048xf32>
    %reduce_max3A_30 = vector.multi_reduction <maximumf>, %add3A_29, %reduce_max3A [0] : vector<128x2048xf32> to vector<2048xf32>
    %max3A = arith.constant 0.000000e+00 : f32
    %max3A_31 = vector.broadcast %max3A : f32 to vector<2048xf32>
    %max3A_32 = arith.maximumf %reduce_max3A_30, %max3A_31 : vector<2048xf32>
    %swap3A = arith.constant 0 : index
    %swap3A_33 = arith.constant 0 : index
    %swap3A_34 = arith.constant 0 : index
    %swap3A_35 = vector.load %arg7[%swap3A, %swap3A_33, %swap3A_34] : memref<1x1x2048xf32, #tpu.memory_space<vmem>>, vector<1x1x2048xf32>
    %swap3A_36 = vector.shape_cast %swap3A_35 : vector<1x1x2048xf32> to vector<2048xf32>
    %swap3A_37 = vector.shape_cast %max3A_32 : vector<2048xf32> to vector<1x1x2048xf32>
    tpu.vector_store %arg7[%swap3A, %swap3A_33, %swap3A_34], %swap3A_37 {strides = array<i32>} : memref<1x1x2048xf32, #tpu.memory_space<vmem>>, vector<1x1x2048xf32>,
    return
  }
  func.func @transform_0(%arg0: i32, %arg1: i32) -> (i32, i32, i32) {
    %c0_i32 = arith.constant 0 : i32
    %c0_i32_0 = arith.constant 0 : i32
    return %arg0, %c0_i32, %arg1 : i32, i32, i32
  }
  func.func @transform_1(%arg0: i32, %arg1: i32) -> (i32, i32) {
    %c0_i32 = arith.constant 0 : i32
    %c0_i32_0 = arith.constant 0 : i32
    %c0_i32_1 = arith.constant 0 : i32
    return %c0_i32, %c0_i32_0 : i32, i32
  }
  func.func @transform_2(%arg0: i32, %arg1: i32) -> (i32, i32) {
    %c0_i32 = arith.constant 0 : i32
    %c0_i32_0 = arith.constant 0 : i32
    %c0_i32_1 = arith.constant 0 : i32
    return %c0_i32, %c0_i32_0 : i32, i32
  }
  func.func @transform_3(%arg0: i32, %arg1: i32) -> (i32, i32) {
    %c0_i32 = arith.constant 0 : i32
    %c0_i32_0 = arith.constant 0 : i32
    %c0_i32_1 = arith.constant 0 : i32
    return %c0_i32, %c0_i32_0 : i32, i32
  }
  func.func @transform_4(%arg0: i32, %arg1: i32) -> (i32, i32) {
    %c0_i32 = arith.constant 0 : i32
    %c0_i32_0 = arith.constant 0 : i32
    %c0_i32_1 = arith.constant 0 : i32
    return %c0_i32, %c0_i32_0 : i32, i32
  }
  func.func @transform_5(%arg0: i32, %arg1: i32) -> (i32, i32, i32) {
    %c0_i32 = arith.constant 0 : i32
    %c0_i32_0 = arith.constant 0 : i32
    return %arg0, %c0_i32, %arg1 : i32, i32, i32
  }
}

</mosaic_0001>

<sc_bundles>
// kernel: kernel.7.cloned.1.call-start
scs
__scs_entry_jumppad:
0x0: {  	(pc) =	sbr.rel $0x88, $3  }
0x1: {  	(tag) =	ssettag $0x0;
	lr =	simm.s32 $0x1  }
0x2: {  	[smem:$0x3F94] =	sst lr;
	_ =	strace $0xD0000000  }
0x3: {  	_ = 	snop  }
0x4: {  	_ = 	snop  }
0x5: {  	_ = 	snop  }
0x6: {  	_ = 	snop  }
0x7: {  	_ = 	snop  }
__scs_overlays_trampoline_lowered:
0x8: {  	[smem:$0x3FA3] =	sst s0  }
0x9: {  	[smem:$0x3FA4] =	sst s1  }
0xa: {  	[smem:$0x3FA5] =	sst s2  }
0xb: {  	[smem:$0x3FA6] =	sst s3  }
0xc: {  	[smem:$0x3FA7] =	sst s4  }
0xd: {  	[smem:$0x3FA8] =	sst s5  }
0xe: {  	[smem:$0x3FA9] =	sst s6  }
0xf: {  	[smem:$0x3FAA] =	sst s7  }
0x10: {  	[smem:$0x3FAB] =	sst s8  }
0x11: {  	[smem:$0x3FAC] =	sst s9;
	s0 =	simm.s32 @!p0 $0x0  }
0x12: {  	s1 =	sld [smem:$0x3F92];
	s0 =	simm.s32 @p0 $0x1  }
0x13: {  	[smem:$0x3FAD] =	sst s0;
	s0 =	simm.s32 @!p1 $0x0  }
0x14: {  	s2 =	sld [smem:$0x3F91];
	s0 =	simm.s32 @p1 $0x1  }
0x15: {  	[smem:$0x3FAE] =	sst s0;
	s0 =	simm.s32 @!p2 $0x0  }
0x16: {  	s3 =	sld [smem:$0x3FDB];
	s0 =	simm.s32 @p2 $0x1  }
0x17: {  	s4 =	simm.s32 $0x1BF5;
	[smem:$0x3FB0] =	sst s0  }
0x18: {  	s0 =	sld [smem:$0x3F93];
	_ =	swait.ge [sflag:s4], $0x0  }
0x19: {  	s7 =	sld [smem:$0x3F94]  }
0x1a: {  	s8 =	sadd.s32 $0xFFFFE003, lr  }
0x1b: {  	s9 =	sadd.s32 $0xFFFFFEF7, lr;
	s5 =	simm.s32 $0xFFFFFFFF;
	p2 =	slt.u32 s8, $0xFFFFF086  }
0x1c: {  	p1 =	slt.u32 s9, $0xF7A;
	s5 =	simm.s32 @!p2 $0x0  }
0x1d: {  	s5 =	simm.s32 @p1 $0x1;
	p0 =	seq.s32 s7, s2  }
0x1e: {  	s7 =	smul.u32 @!p0 $0xF7A, s2;
	p2 =	seq.s32 @!p0 s5, $0x0  }
0x1f: {  	s9 =	smul.u32 $0xF7A, s1;
	s8 =	simm.s32 @!p0 $0x1BF5;
	p2 =	por !p2, p0  }
0x20: {  	[sflag:s8] =	ssyncset.s32 @!p0 $0xFFFFF086;
	s6 =	sadd.s32 @!p0 s3, s7;
	s7 =	simm.s32 @!p0 $0x108  }
0x21: {  	s3 =	sadd.s32 s3, s9;
	s6 =	sadd.s32 @!p0 $0x88, s6;
	s7 =	simm.s32 @p2 $0x1082  }
0x22: {  	[simem:s7], [sflag:s8] =	dma.local @!p0 [hbm:s6], $0xF7A  }
0x23: {  	s9 =	sor.u32 $0xD0000000, s2;
	s6 =	simm.s32 $0x108;
	_ =	swait.ge @!p0 [sflag:s8], $0x0  }
0x24: {  	s3 =	sadd.s32 $0x88, s3;
	s6 =	simm.s32 @!p1 $0x1082;
	[sflag:s4] =	ssyncset.s32 $0xFFFFF086  }
0x25: {  	[simem:s6], [sflag:s4] =	dma.local [hbm:s3], $0xF7A  }
0x26: {  	[smem:$0x3F94] =	sst s1;
	(tag) =	ssettag s2;
	_ =	strace s9  }
0x27: {  	s1 =	sld [smem:$0x3FA4]  }
0x28: {  	s2 =	sld [smem:$0x3FA5]  }
0x29: {  	s4 =	sld [smem:$0x3FA7]  }
0x2a: {  	p0 =	seq.s32 s5, $0x0;
	s5 =	sld [smem:$0x3FA8]  }
0x2b: {  	s6 =	sld [smem:$0x3FA9]  }
0x2c: {  	s7 =	sld [smem:$0x3FAA]  }
0x2d: {  	s3 =	simm.s32 $0x108;
	s8 =	sld [smem:$0x3FAB]  }
0x2e: {  	s3 =	simm.s32 @!p0 $0x1082;
	s9 =	sld [smem:$0x3FAC]  }
0x2f: {  	lr =	sadd.s32 s0, s3;
	s0 =	sld [smem:$0x3FA3]  }
0x30: {  	s3 =	sld [smem:$0x3FA6]  }
0x31: {  	[smem:$0x3FAF] =	sst s10  }
0x32: {  	s10 =	sld [smem:$0x3FAD];
	_ =	sdelay $0x3  }
0x33: {  	p0 =	seq.s32 s10, $0x1;
	s10 =	sld [smem:$0x3FAF];
	_ =	sdelay $0x3  }
0x34: {  	[smem:$0x3FAF] =	sst s10  }
0x35: {  	s10 =	sld [smem:$0x3FAE];
	_ =	sdelay $0x3  }
0x36: {  	p1 =	seq.s32 s10, $0x1;
	s10 =	sld [smem:$0x3FAF];
	_ =	sdelay $0x3  }
0x37: {  	[smem:$0x3FAF] =	sst s10  }
0x38: {  	s10 =	sld [smem:$0x3FB0]  }
0x39: {  	_ = 	snop;
	(pc) =	sbr.ind lr, $3  }
0x3a: {  	_ = 	snop  }
0x3b: {  	_ = 	snop  }
0x3c: {  	p2 =	seq.s32 s10, $0x1;
	s10 =	sld [smem:$0x3FAF]  }
0x3d: {  	_ =	shalt  }
0x3e: {  	_ =	shalt  }
0x3f: {  	_ =	shalt  }
0x40: {  	_ =	shalt  }
0x41: {  	_ =	shalt  }
0x42: {  	_ =	shalt  }
0x43: {  	_ =	shalt  }
0x44: {  	_ =	shalt  }
0x45: {  	_ =	shalt  }
0x46: {  	_ =	shalt  }
0x47: {  	_ =	shalt  }
0x48: {  	_ =	shalt  }
0x49: {  	_ =	shalt  }
0x4a: {  	_ =	shalt  }
0x4b: {  	_ =	shalt  }
0x4c: {  	_ =	shalt  }
0x4d: {  	_ =	shalt  }
0x4e: {  	_ =	shalt  }
0x4f: {  	_ =	shalt  }
0x50: {  	_ =	shalt  }
0x51: {  	_ =	shalt  }
0x52: {  	_ =	shalt  }
0x53: {  	_ =	shalt  }
0x54: {  	_ =	shalt  }
0x55: {  	_ =	shalt  }
0x56: {  	_ =	shalt  }
0x57: {  	_ =	shalt  }
0x58: {  	_ =	shalt  }
0x59: {  	_ =	shalt  }
0x5a: {  	_ =	shalt  }
0x5b: {  	_ =	shalt  }
0x5c: {  	_ =	shalt  }
0x5d: {  	_ =	shalt  }
0x5e: {  	_ =	shalt  }
0x5f: {  	_ =	shalt  }
0x60: {  	_ =	shalt  }
0x61: {  	_ =	shalt  }
0x62: {  	_ =	shalt  }
0x63: {  	_ =	shalt  }
0x64: {  	_ =	shalt  }
0x65: {  	_ =	shalt  }
0x66: {  	_ =	shalt  }
0x67: {  	_ =	shalt  }
0x68: {  	_ =	shalt  }
0x69: {  	_ =	shalt  }
0x6a: {  	_ =	shalt  }
0x6b: {  	_ =	shalt  }
0x6c: {  	_ =	shalt  }
0x6d: {  	_ =	shalt  }
0x6e: {  	_ =	shalt  }
0x6f: {  	_ =	shalt  }
0x70: {  	_ =	shalt  }
0x71: {  	_ =	shalt  }
0x72: {  	_ =	shalt  }
0x73: {  	_ =	shalt  }
0x74: {  	_ =	shalt  }
0x75: {  	_ =	shalt  }
0x76: {  	_ =	shalt  }
0x77: {  	_ =	shalt  }
0x78: {  	_ =	shalt  }
0x79: {  	_ =	shalt  }
0x7a: {  	_ =	shalt  }
0x7b: {  	_ =	shalt  }
0x7c: {  	_ =	shalt  }
0x7d: {  	_ =	shalt  }
0x7e: {  	_ =	shalt  }
0x7f: {  	_ =	shalt  }
0x80: {  	_ =	shalt  }
0x81: {  	_ =	shalt  }
0x82: {  	_ =	shalt  }
0x83: {  	_ =	shalt  }
0x84: {  	_ =	shalt  }
0x85: {  	_ =	shalt  }
0x86: {  	_ =	shalt  }
0x87: {  	_ =	shalt  }
.Lfunc_end0:
.L_simem_size_0:
called_computation_lowered:
.L_overlay_start_0:
0x88: {  	s2 =	sld [smem:$0x3FD9]  }
0x89: {  	s3 =	sld [smem:$0x3FFE];
	_ =	sdelay $0x1  }
0x8a: {  	s1 =	srdreg.scid  }
0x8b: {  	s0 =	sand.u32 $0x1, s1  }
0x8c: {  	s16 =	sshll.u32 s0, $0xA;
	s2 =	sadd.s32 s3, s2  }
0x8d: {  	s2 =	sadd.s32 s2, s16  }
0x8e: {  	[smem:$0x3FBB] =	sst s2  }
0x8f: {  	_ = 	snop  }
0x90: {  	(tm) =	ssettm $0x1  }
0x91: {  	s17 =	sld [smem:$0x3FFB];
	_ =	sdelay $0x3  }
0x92: {  	_ =	strace s17  }
0x93: {  	s2 =	sld [smem:$0x3FFC];
	_ =	sdelay $0x3  }
0x94: {  	_ =	strace s2  }
0x95: {  	s2 =	sld [smem:$0x3FFD];
	_ =	sdelay $0x3  }
0x96: {  	_ =	strace s2  }
0x97: {  	_ =	strace $0x8FFFFFFF  }
0x98: {  	s18 =	sld [smem:$0x3FDB];
	_ =	sdelay $0x1  }
0x99: {  	s19 =	simm.s32 $_scs_section_size  }
0x9a: {  	s4 =	simm.s32 $_size__tile_overlayer_lowered;
	s5 =	simm.s32 $_tile_overlayer_lowered  }
0x9b: {  	s22 =	simm.s32 $0x1BFF;
	s21 =	sshll.u32 s5, $0x1;
	s2 =	sadd.s32 s19, s18  }
0x9c: {  	s6 =	simm.s32 $0x0;
	s20 =	sshll.u32 s4, $0x1;
	s4 =	sadd.s32 s21, s2  }
0x9d: {  	[timem:s6], [sflag:s22] =	dma.local [hbm:s4], s20  }
0x9e: {  	_ =	swait.ge [sflag:s22], s20  }
0x9f: {  	s3 =	ssub.s32 $0x0, s20;
	[sflag:s22] =	ssyncset.done $0x0  }
0xa0: {  	[sflag:s22] =	ssyncadd.s32 s3;
	_ =	sdelay $0x1  }
0xa1: {  	s23 =	simm.s32 $0x1B8B  }
0xa2: {  	_ =	swait.ge [sflag:s23], $0x1  }
0xa3: {  	[sflag:s23] =	ssyncset.done $0x0  }
0xa4: {  	s25 =	simm.s32 $0x1B8E;
	s24 =	sld [smem:$0x3FFE];
	[sflag:s23] =	ssyncadd.s32 $0xFFFFFFFF  }
0xa5: {  	s26 =	simm.s32 $execute0_lowered;
	[smem:$0x3FD2] =	sst s25  }
0xa6: {  	s4 =	sshll.u32 s26, $0x1;
	_ =	strace $0x80000046;
	[dreg:$0x1] =	wrdreg $0xFFFFFFFF  }
0xa7: {  	s28 =	simm.s32 $_size_execute0_lowered;
	s2 =	sadd.s32 s2, s4;
	[dreg:$0x0] =	wrdreg $0x0  }
0xa8: {  	s4 =	sshll.u32 s28, $0x1;
	[dreg:$0x2] =	wrdreg s2  }
0xa9: {  	[dreg:$0x3] =	wrdreg s4  }
0xaa: {  	[dreg:$0x4] =	wrdreg $0xC0  }
0xab: {  	_ =	task [dreg:s6], $0x5FFFF  }
0xac: {  	[dreg:$0x1] =	wrdreg $0xFFFFFFFF  }
0xad: {  	[dreg:$0x0] =	wrdreg $0x60  }
0xae: {  	[dreg:$0x2] =	wrdreg s24  }
0xaf: {  	[dreg:$0x3] =	wrdreg $0x9  }
0xb0: {  	_ =	task.clear_ibuf [dreg:s6], $0x4FFFF;
	_ =	strace $0x90000046  }
0xb1: {  	s29 =	simm.s32 $0x9;
	_ =	strace $0x80000048  }
0xb2: {  	_ =	swait.ge [sflag:s29], $0x1  }
0xb3: {  	[sflag:s29] =	ssyncadd.s32 $0xFFFFFFFF  }
0xb4: {  	_ =	strace $0x90000048  }
0xb5: {  	_ =	sfence  }
0xb6: {  	s30 =	sld [smem:$0x0];
	_ =	sdelay $0x2  }
0xb7: {  	s31 =	sshll.u32 s1, $0xD;
	s1 =	sshrl.u32 s1, $0x2  }
0xb8: {  	s3 =	sand.u32 $0x4000, s31;
	s1 =	sadd.s32 s1, s30  }
0xb9: {  	s0 =	sor.u32 s3, s0;
	s1 =	sshll.u32 s1, $0x11  }
0xba: {  	s0 =	sor.u32 s1, s0  }
0xbb: {  	s0 =	sadd.s32 $0x8F2B, s0  }
0xbc: {  	[sflag:s0] =	ssyncadd.remote.s32 $0x1  }
0xbd: {  	_ =	sfence.sel $0xFFFF  }
0xbe: {  	[dreg:$0x0] =	wrdreg $0xFFFFFFFF;
	(pc) =	sbr.abs _section_cstart, $3  }
0xbf: {  	[dreg:$0x1] =	wrdreg $0xFFFFFFFF  }
0xc0: {  	_ =	task.clear_ibuf [dreg:s6], $0x2FFFF;
	_ =	strace $0x9FFFFFFF  }
0xc1: {  	(tm) =	ssettm $0x7FFFFFFF  }
tec
execute0_lowered:
.L_overlay_start_1:
0x0: {  	(tag) =	ssettag $0x1  }
0x1: {  	s0 =	srdreg.scid  }
0x2: {  	s4 =	stileid.u32;
	s3 =	rddreg [dreg:$0x0];
	s29 =	simm.s32 $0x400  }
0x3: {  	s30 =	simm.s32 $0x200;
	s28 =	simm.s32 $0x480;
	p0 =	por $0x0, $0x0  }
0x4: {  	s0 =	sand.u32 $0x1, s0;
	s1 =	sshll.u32 s4, $0x2;
	s10 =	sshrl.u32 s4, $0x1  }
0x5: {  	s7 =	sadd.s32 $0x321800, s3;
	s8 =	sadd.s32 $0x21800, s3;
	s9 =	sadd.s32 $0x22000, s3  }
0x6: {  	s2 =	sshll.u32 s0, $0x1;
	s4 =	smul.u32 $0x3000, s10;
	s10 =	sadd.s32 $0x22800, s3  }
0x7: {  	s0 =	ssub.s32 $0x2, s0;
	s1 =	sor.u32 s2, s1;
	s2 =	simm.s32 $0x0  }
0x8: {  	s24 =	sshrl.u32 s0, $0x1;
	s5 =	sshll.u32 s1, $0x7;
	s6 =	smul.u32 $0x30000, s1  }
0x9: {  	[smem:$0x7FF] =	sst s2;
	s1 =	sor.u32 $0x1, s1;
	s0 =	ssub.s32 s0, s24  }
0xa: {  	s24 =	simm.s32 $0x500;
	s5 =	sand.u32 $0x300, s5;
	s6 =	sshrl.u32 s6, $0x3  }
0xb: {  	_ =	strace $0x80000047;
	s5 =	sor.u32 s4, s5;
	s13 =	sadd.s32 s6, s9  }
0xc: {  	s5 =	sshrl.u32 s5, $0x3;
	s16 =	sadd.s32 s6, s10;
	[dreg:$0x5] =	wrdreg s13  }
0xd: {  	s31 =	sadd.s32 s8, s6;
	s5 =	sadd.s32 s7, s5;
	[dreg:$0x8] =	wrdreg s16  }
0xe: {  	s20 =	sshll.u32 s1, $0x7;
	s11 =	sadd.s32 $0x2000, s31;
	[dreg:$0x2] =	wrdreg s5  }
0xf: {  	s1 =	smul.u32 $0x30000, s1;
	s12 =	sadd.s32 $0x4000, s31;
	[dreg:$0x3] =	wrdreg s11  }
0x10: {  	s0 =	smax.u32 s0, $0x1;
	s14 =	sadd.s32 $0x2800, s31;
	[dreg:$0x4] =	wrdreg s12  }
0x11: {  	p1 =	sne.s32 s0, $0x1;
	s15 =	sadd.s32 $0x4800, s31;
	[dreg:$0x6] =	wrdreg s14  }
0x12: {  	s1 =	sshrl.u32 s1, $0x3;
	s17 =	sadd.s32 $0x3000, s31;
	[dreg:$0x7] =	wrdreg s15  }
0x13: {  	s18 =	sadd.s32 $0x5000, s31;
	s21 =	sadd.s32 $0x3800, s31;
	[dreg:$0x9] =	wrdreg s17  }
0x14: {  	s22 =	sadd.s32 $0x5800, s31;
	s25 =	sadd.s32 s8, s1;
	[dreg:$0xa] =	wrdreg s18  }
0x15: {  	s8 =	simm.s32 $0x8600;
	s16 =	simm.s32 $0x180;
	[dreg:$0xc] =	wrdreg s21  }
0x16: {  	s11 =	sadd.s32 $0x23000, s3;
	s5 =	sand.u32 $0x380, s20;
	[dreg:$0xd] =	wrdreg s22  }
0x17: {  	s23 =	sadd.s32 $0x2000, s25;
	s26 =	sadd.s32 $0x4000, s25;
	s21 =	sadd.s32 s1, s9  }
0x18: {  	s20 =	sadd.s32 $0x2800, s25;
	s15 =	sadd.s32 s1, s10;
	s14 =	sadd.s32 $0x3000, s25  }
0x19: {  	s13 =	sadd.s32 $0x5000, s25;
	s12 =	simm.s32 $0x80;
	s10 =	simm.s32 $0x600  }
0x1a: {  	s9 =	simm.s32 $0x4600;
	s22 =	simm.s32 $0x100;
	s17 =	simm.s32 $0x380  }
0x1b: {  	s18 =	simm.s32 $0x580;
	s19 =	sadd.s32 s6, s11;
	[dreg:$0xf] =	wrdreg s23  }
0x1c: {  	s4 =	sor.u32 s4, s5;
	[dreg:$0x10] =	wrdreg s26;
	s6 =	sadd.s32 s1, s11  }
.Ltmp0:
0x1d: {  	s5 =	sadd.s32 $0x3800, s25;
	s11 =	simm.s32 $0x1;
	(pc) =	sbr.rel @!p1 .LBB2_3-.Ltmp0, $4  }
0x1e: {  	s26 =	simm.s32 $0x280;
	s1 =	sadd.s32 $0xFFFFFFFF, s0;
	s0 =	rddreg [dreg:$0x2]  }
0x1f: {  	s23 =	simm.s32 $0x300;
	[dreg:$0xb] =	wrdreg s19;
	s4 =	sshrl.u32 s4, $0x3  }
0x20: {  	s19 =	sadd.s32 $0x4800, s25;
	s4 =	sadd.s32 s7, s4;
	s7 =	sadd.s32 $0x1800, s3  }
0x21: {  	s3 =	sadd.s32 $0x5800, s25;
	[dreg:$0xe] =	wrdreg s4;
	s4 =	simm.s32 $0x2  }
0x22: {  	[tilespmem:s2], [sflag:$0x2] =	stream.strided.gather [hbm4b:s0+s12], $0x600, s29, s12, $0x38;
	[tilespmem:$0xC600] =	vst v63  }
0x23: {  	_ =	swait.ge [sflag:s4], $0x600  }
0x24: {  	[sflag:s4] =	ssyncset.done $0x0  }
0x25: {  	[sflag:s4] =	ssyncadd.s32 $0xFFFFFA00  }
0x26: {  	[tilespmem:s10], [sflag:$0x1] =	stream.indirect.gather [hbm4b:s7+s12], $0x80, s2, s12, $0xb8;
	[tilespmem:$0xC600] =	vst v63  }
0x27: {  	_ = 	snop  }
0x28: {  	[tilespmem:s9], [sflag:$0x1] =	stream.indirect.gather [hbm4b:s7+s12], $0x80, s30, s12, $0xb8;
	[tilespmem:$0xC600] =	vst v63  }
0x29: {  	_ = 	snop  }
0x2a: {  	[tilespmem:s8], [sflag:$0x1] =	stream.indirect.gather [hbm4b:s7+s12], $0x80, s29, s12, $0xb8;
	[tilespmem:$0xC600] =	vst v63  }
0x2b: {  	_ =	swait.ge [sflag:s11], $0x4000  }
0x2c: {  	[sflag:s11] =	ssyncset.done $0x0  }
0x2d: {  	[sflag:s11] =	ssyncadd.s32 $0xFFFFC000  }
0x2e: {  	_ =	swait.ge [sflag:s11], $0x4000  }
0x2f: {  	[sflag:s11] =	ssyncset.done $0x0  }
0x30: {  	[sflag:s11] =	ssyncadd.s32 $0xFFFFC000  }
0x31: {  	_ =	swait.ge [sflag:s11], $0x4000  }
0x32: {  	[sflag:s11] =	ssyncset.done $0x0  }
0x33: {  	[sflag:s11] =	ssyncadd.s32 $0xFFFFC000  }
0x34: {  	[hbm4b:s31+s2] =	stream.linear.scatter [tilespmem:s10], [sflag:$0x2], $0x4000, $0x38;
	[tilespmem:$0xC600] =	vst v63  }
0x35: {  	_ =	swait.ge [sflag:s4], $0x4000  }
0x36: {  	[sflag:s4] =	ssyncset.done $0x0  }
0x37: {  	s0 =	rddreg [dreg:$0x3];
	[sflag:s4] =	ssyncadd.s32 $0xFFFFC000  }
0x38: {  	[hbm4b:s0+s2] =	stream.linear.scatter [tilespmem:s9], [sflag:$0x2], $0x4000, $0x38;
	[tilespmem:$0xC600] =	vst v63  }
0x39: {  	_ =	swait.ge [sflag:s4], $0x4000  }
0x3a: {  	[sflag:s4] =	ssyncset.done $0x0  }
0x3b: {  	s0 =	rddreg [dreg:$0x4];
	[sflag:s4] =	ssyncadd.s32 $0xFFFFC000  }
0x3c: {  	[hbm4b:s0+s2] =	stream.linear.scatter [tilespmem:s8], [sflag:$0x2], $0x4000, $0x38;
	[tilespmem:$0xC600] =	vst v63  }
0x3d: {  	_ =	swait.ge [sflag:s4], $0x4000  }
0x3e: {  	[sflag:s4] =	ssyncset.done $0x0  }
0x3f: {  	[sflag:s4] =	ssyncadd.s32 $0xFFFFC000  }
0x40: {  	[tilespmem:s10], [sflag:$0x1] =	stream.indirect.gather [hbm4b:s7+s12], $0x80, s12, s12, $0xb8;
	[tilespmem:$0xC600] =	vst v63  }
0x41: {  	_ = 	snop  }
0x42: {  	[tilespmem:s9], [sflag:$0x1] =	stream.indirect.gather [hbm4b:s7+s12], $0x80, s26, s12, $0xb8;
	[tilespmem:$0xC600] =	vst v63  }
0x43: {  	_ = 	snop  }
0x44: {  	[tilespmem:s8], [sflag:$0x1] =	stream.indirect.gather [hbm4b:s7+s12], $0x80, s28, s12, $0xb8;
	[tilespmem:$0xC600] =	vst v63  }
0x45: {  	_ =	swait.ge [sflag:s11], $0x4000  }
0x46: {  	[sflag:s11] =	ssyncset.done $0x0  }
0x47: {  	[sflag:s11] =	ssyncadd.s32 $0xFFFFC000  }
0x48: {  	_ =	swait.ge [sflag:s11], $0x4000  }
0x49: {  	[sflag:s11] =	ssyncset.done $0x0  }
0x4a: {  	[sflag:s11] =	ssyncadd.s32 $0xFFFFC000  }
0x4b: {  	_ =	swait.ge [sflag:s11], $0x4000  }
0x4c: {  	[sflag:s11] =	ssyncset.done $0x0  }
0x4d: {  	s0 =	rddreg [dreg:$0x5];
	[sflag:s11] =	ssyncadd.s32 $0xFFFFC000  }
0x4e: {  	[hbm4b:s0+s2] =	stream.linear.scatter [tilespmem:s10], [sflag:$0x2], $0x4000, $0x38;
	[tilespmem:$0xC600] =	vst v63  }
0x4f: {  	_ =	swait.ge [sflag:s4], $0x4000  }
0x50: {  	[sflag:s4] =	ssyncset.done $0x0  }
0x51: {  	s0 =	rddreg [dreg:$0x6];
	[sflag:s4] =	ssyncadd.s32 $0xFFFFC000  }
0x52: {  	[hbm4b:s0+s2] =	stream.linear.scatter [tilespmem:s9], [sflag:$0x2], $0x4000, $0x38;
	[tilespmem:$0xC600] =	vst v63  }
0x53: {  	_ =	swait.ge [sflag:s4], $0x4000  }
0x54: {  	[sflag:s4] =	ssyncset.done $0x0  }
0x55: {  	s0 =	rddreg [dreg:$0x7];
	[sflag:s4] =	ssyncadd.s32 $0xFFFFC000  }
0x56: {  	[hbm4b:s0+s2] =	stream.linear.scatter [tilespmem:s8], [sflag:$0x2], $0x4000, $0x38;
	[tilespmem:$0xC600] =	vst v63  }
0x57: {  	_ =	swait.ge [sflag:s4], $0x4000  }
0x58: {  	[sflag:s4] =	ssyncset.done $0x0  }
0x59: {  	[sflag:s4] =	ssyncadd.s32 $0xFFFFC000  }
0x5a: {  	[tilespmem:s10], [sflag:$0x1] =	stream.indirect.gather [hbm4b:s7+s12], $0x80, s22, s12, $0xb8;
	[tilespmem:$0xC600] =	vst v63  }
0x5b: {  	_ = 	snop  }
0x5c: {  	[tilespmem:s9], [sflag:$0x1] =	stream.indirect.gather [hbm4b:s7+s12], $0x80, s23, s12, $0xb8;
	[tilespmem:$0xC600] =	vst v63  }
0x5d: {  	_ = 	snop  }
0x5e: {  	[tilespmem:s8], [sflag:$0x1] =	stream.indirect.gather [hbm4b:s7+s12], $0x80, s24, s12, $0xb8;
	[tilespmem:$0xC600] =	vst v63  }
0x5f: {  	_ =	swait.ge [sflag:s11], $0x4000  }
0x60: {  	[sflag:s11] =	ssyncset.done $0x0  }
0x61: {  	[sflag:s11] =	ssyncadd.s32 $0xFFFFC000  }
0x62: {  	_ =	swait.ge [sflag:s11], $0x4000  }
0x63: {  	[sflag:s11] =	ssyncset.done $0x0  }
0x64: {  	[sflag:s11] =	ssyncadd.s32 $0xFFFFC000  }
0x65: {  	_ =	swait.ge [sflag:s11], $0x4000  }
0x66: {  	[sflag:s11] =	ssyncset.done $0x0  }
0x67: {  	s0 =	rddreg [dreg:$0x8];
	[sflag:s11] =	ssyncadd.s32 $0xFFFFC000  }
0x68: {  	[hbm4b:s0+s2] =	stream.linear.scatter [tilespmem:s10], [sflag:$0x2], $0x4000, $0x38;
	[tilespmem:$0xC600] =	vst v63  }
0x69: {  	_ =	swait.ge [sflag:s4], $0x4000  }
0x6a: {  	[sflag:s4] =	ssyncset.done $0x0  }
0x6b: {  	s0 =	rddreg [dreg:$0x9];
	[sflag:s4] =	ssyncadd.s32 $0xFFFFC000  }
0x6c: {  	[hbm4b:s0+s2] =	stream.linear.scatter [tilespmem:s9], [sflag:$0x2], $0x4000, $0x38;
	[tilespmem:$0xC600] =	vst v63  }
0x6d: {  	_ =	swait.ge [sflag:s4], $0x4000  }
0x6e: {  	[sflag:s4] =	ssyncset.done $0x0  }
0x6f: {  	s0 =	rddreg [dreg:$0xa];
	[sflag:s4] =	ssyncadd.s32 $0xFFFFC000  }
0x70: {  	[hbm4b:s0+s2] =	stream.linear.scatter [tilespmem:s8], [sflag:$0x2], $0x4000, $0x38;
	[tilespmem:$0xC600] =	vst v63  }
0x71: {  	_ =	swait.ge [sflag:s4], $0x4000  }
0x72: {  	[sflag:s4] =	ssyncset.done $0x0  }
0x73: {  	[sflag:s4] =	ssyncadd.s32 $0xFFFFC000  }
0x74: {  	[tilespmem:s10], [sflag:$0x1] =	stream.indirect.gather [hbm4b:s7+s12], $0x80, s16, s12, $0xb8;
	[tilespmem:$0xC600] =	vst v63  }
0x75: {  	_ = 	snop  }
0x76: {  	[tilespmem:s9], [sflag:$0x1] =	stream.indirect.gather [hbm4b:s7+s12], $0x80, s17, s12, $0xb8;
	[tilespmem:$0xC600] =	vst v63  }
0x77: {  	_ = 	snop  }
0x78: {  	[tilespmem:s8], [sflag:$0x1] =	stream.indirect.gather [hbm4b:s7+s12], $0x80, s18, s12, $0xb8;
	[tilespmem:$0xC600] =	vst v63  }
0x79: {  	_ =	swait.ge [sflag:s11], $0x4000  }
0x7a: {  	[sflag:s11] =	ssyncset.done $0x0  }
0x7b: {  	[sflag:s11] =	ssyncadd.s32 $0xFFFFC000  }
0x7c: {  	_ =	swait.ge [sflag:s11], $0x4000  }
0x7d: {  	[sflag:s11] =	ssyncset.done $0x0  }
0x7e: {  	[sflag:s11] =	ssyncadd.s32 $0xFFFFC000  }
0x7f: {  	_ =	swait.ge [sflag:s11], $0x4000  }
0x80: {  	[sflag:s11] =	ssyncset.done $0x0  }
0x81: {  	s0 =	rddreg [dreg:$0xb];
	[sflag:s11] =	ssyncadd.s32 $0xFFFFC000  }
0x82: {  	[hbm4b:s0+s2] =	stream.linear.scatter [tilespmem:s10], [sflag:$0x2], $0x4000, $0x38;
	[tilespmem:$0xC600] =	vst v63  }
0x83: {  	_ =	swait.ge [sflag:s4], $0x4000  }
0x84: {  	[sflag:s4] =	ssyncset.done $0x0  }
0x85: {  	s0 =	rddreg [dreg:$0xc];
	[sflag:s4] =	ssyncadd.s32 $0xFFFFC000  }
0x86: {  	[hbm4b:s0+s2] =	stream.linear.scatter [tilespmem:s9], [sflag:$0x2], $0x4000, $0x38;
	[tilespmem:$0xC600] =	vst v63  }
0x87: {  	_ =	swait.ge [sflag:s4], $0x4000  }
0x88: {  	[sflag:s4] =	ssyncset.done $0x0  }
0x89: {  	s0 =	rddreg [dreg:$0xd];
	[sflag:s4] =	ssyncadd.s32 $0xFFFFC000  }
0x8a: {  	[hbm4b:s0+s2] =	stream.linear.scatter [tilespmem:s8], [sflag:$0x2], $0x4000, $0x38;
	[tilespmem:$0xC600] =	vst v63  }
0x8b: {  	_ =	swait.ge [sflag:s4], $0x4000  }
0x8c: {  	[sflag:s4] =	ssyncset.done $0x0  }
0x8d: {  	s0 =	rddreg [dreg:$0xe];
	[sflag:s4] =	ssyncadd.s32 $0xFFFFC000  }
0x8e: {  	[tilespmem:s2], [sflag:$0x2] =	stream.strided.gather [hbm4b:s0+s12], $0x600, s29, s12, $0x38;
	[tilespmem:$0xC600] =	vst v63  }
0x8f: {  	_ =	swait.ge [sflag:s4], $0x600  }
0x90: {  	[sflag:s4] =	ssyncset.done $0x0  }
0x91: {  	[sflag:s4] =	ssyncadd.s32 $0xFFFFFA00  }
0x92: {  	[tilespmem:s10], [sflag:$0x1] =	stream.indirect.gather [hbm4b:s7+s12], $0x80, s2, s12, $0xb8;
	[tilespmem:$0xC600] =	vst v63  }
0x93: {  	_ = 	snop  }
0x94: {  	[tilespmem:s9], [sflag:$0x1] =	stream.indirect.gather [hbm4b:s7+s12], $0x80, s30, s12, $0xb8;
	[tilespmem:$0xC600] =	vst v63  }
0x95: {  	_ = 	snop  }
0x96: {  	[tilespmem:s8], [sflag:$0x1] =	stream.indirect.gather [hbm4b:s7+s12], $0x80, s29, s12, $0xb8;
	[tilespmem:$0xC600] =	vst v63  }
0x97: {  	_ =	swait.ge [sflag:s11], $0x4000  }
0x98: {  	[sflag:s11] =	ssyncset.done $0x0  }
0x99: {  	[sflag:s11] =	ssyncadd.s32 $0xFFFFC000  }
0x9a: {  	_ =	swait.ge [sflag:s11], $0x4000  }
0x9b: {  	[sflag:s11] =	ssyncset.done $0x0  }
0x9c: {  	[sflag:s11] =	ssyncadd.s32 $0xFFFFC000  }
0x9d: {  	_ =	swait.ge [sflag:s11], $0x4000  }
0x9e: {  	[sflag:s11] =	ssyncset.done $0x0  }
0x9f: {  	[sflag:s11] =	ssyncadd.s32 $0xFFFFC000  }
0xa0: {  	[hbm4b:s25+s2] =	stream.linear.scatter [tilespmem:s10], [sflag:$0x2], $0x4000, $0x38;
	[tilespmem:$0xC600] =	vst v63  }
0xa1: {  	_ =	swait.ge [sflag:s4], $0x4000  }
0xa2: {  	[sflag:s4] =	ssyncset.done $0x0  }
0xa3: {  	s0 =	rddreg [dreg:$0xf];
	[sflag:s4] =	ssyncadd.s32 $0xFFFFC000  }
0xa4: {  	[hbm4b:s0+s2] =	stream.linear.scatter [tilespmem:s9], [sflag:$0x2], $0x4000, $0x38;
	[tilespmem:$0xC600] =	vst v63  }
0xa5: {  	_ =	swait.ge [sflag:s4], $0x4000  }
0xa6: {  	[sflag:s4] =	ssyncset.done $0x0  }
0xa7: {  	s0 =	rddreg [dreg:$0x10];
	[sflag:s4] =	ssyncadd.s32 $0xFFFFC000  }
0xa8: {  	[hbm4b:s0+s2] =	stream.linear.scatter [tilespmem:s8], [sflag:$0x2], $0x4000, $0x38;
	[tilespmem:$0xC600] =	vst v63  }
0xa9: {  	_ =	swait.ge [sflag:s4], $0x4000  }
0xaa: {  	[sflag:s4] =	ssyncset.done $0x0  }
0xab: {  	[sflag:s4] =	ssyncadd.s32 $0xFFFFC000  }
0xac: {  	[tilespmem:s10], [sflag:$0x1] =	stream.indirect.gather [hbm4b:s7+s12], $0x80, s12, s12, $0xb8;
	[tilespmem:$0xC600] =	vst v63  }
0xad: {  	_ = 	snop  }
0xae: {  	[tilespmem:s9], [sflag:$0x1] =	stream.indirect.gather [hbm4b:s7+s12], $0x80, s26, s12, $0xb8;
	[tilespmem:$0xC600] =	vst v63  }
0xaf: {  	_ = 	snop  }
0xb0: {  	[tilespmem:s8], [sflag:$0x1] =	stream.indirect.gather [hbm4b:s7+s12], $0x80, s28, s12, $0xb8;
	[tilespmem:$0xC600] =	vst v63  }
0xb1: {  	_ =	swait.ge [sflag:s11], $0x4000  }
0xb2: {  	[sflag:s11] =	ssyncset.done $0x0  }
0xb3: {  	[sflag:s11] =	ssyncadd.s32 $0xFFFFC000  }
0xb4: {  	_ =	swait.ge [sflag:s11], $0x4000  }
0xb5: {  	[sflag:s11] =	ssyncset.done $0x0  }
0xb6: {  	[sflag:s11] =	ssyncadd.s32 $0xFFFFC000  }
0xb7: {  	_ =	swait.ge [sflag:s11], $0x4000  }
0xb8: {  	[sflag:s11] =	ssyncset.done $0x0  }
0xb9: {  	[sflag:s11] =	ssyncadd.s32 $0xFFFFC000  }
0xba: {  	[hbm4b:s21+s2] =	stream.linear.scatter [tilespmem:s10], [sflag:$0x2], $0x4000, $0x38;
	[tilespmem:$0xC600] =	vst v63  }
0xbb: {  	_ =	swait.ge [sflag:s4], $0x4000  }
0xbc: {  	[sflag:s4] =	ssyncset.done $0x0  }
0xbd: {  	[sflag:s4] =	ssyncadd.s32 $0xFFFFC000  }
0xbe: {  	[hbm4b:s20+s2] =	stream.linear.scatter [tilespmem:s9], [sflag:$0x2], $0x4000, $0x38;
	[tilespmem:$0xC600] =	vst v63  }
0xbf: {  	_ =	swait.ge [sflag:s4], $0x4000  }
0xc0: {  	[sflag:s4] =	ssyncset.done $0x0  }
0xc1: {  	[sflag:s4] =	ssyncadd.s32 $0xFFFFC000  }
0xc2: {  	[hbm4b:s19+s2] =	stream.linear.scatter [tilespmem:s8], [sflag:$0x2], $0x4000, $0x38;
	[tilespmem:$0xC600] =	vst v63  }
0xc3: {  	_ =	swait.ge [sflag:s4], $0x4000  }
0xc4: {  	[sflag:s4] =	ssyncset.done $0x0  }
0xc5: {  	[sflag:s4] =	ssyncadd.s32 $0xFFFFC000  }
0xc6: {  	[tilespmem:s10], [sflag:$0x1] =	stream.indirect.gather [hbm4b:s7+s12], $0x80, s22, s12, $0xb8;
	[tilespmem:$0xC600] =	vst v63  }
0xc7: {  	_ = 	snop  }
0xc8: {  	[tilespmem:s9], [sflag:$0x1] =	stream.indirect.gather [hbm4b:s7+s12], $0x80, s23, s12, $0xb8;
	[tilespmem:$0xC600] =	vst v63  }
0xc9: {  	_ = 	snop  }
0xca: {  	[tilespmem:s8], [sflag:$0x1] =	stream.indirect.gather [hbm4b:s7+s12], $0x80, s24, s12, $0xb8;
	[tilespmem:$0xC600] =	vst v63  }
0xcb: {  	_ =	swait.ge [sflag:s11], $0x4000  }
0xcc: {  	[sflag:s11] =	ssyncset.done $0x0  }
0xcd: {  	[sflag:s11] =	ssyncadd.s32 $0xFFFFC000  }
0xce: {  	_ =	swait.ge [sflag:s11], $0x4000  }
0xcf: {  	[sflag:s11] =	ssyncset.done $0x0  }
0xd0: {  	[sflag:s11] =	ssyncadd.s32 $0xFFFFC000  }
0xd1: {  	_ =	swait.ge [sflag:s11], $0x4000  }
0xd2: {  	[sflag:s11] =	ssyncset.done $0x0  }
0xd3: {  	[sflag:s11] =	ssyncadd.s32 $0xFFFFC000  }
0xd4: {  	[hbm4b:s15+s2] =	stream.linear.scatter [tilespmem:s10], [sflag:$0x2], $0x4000, $0x38;
	[tilespmem:$0xC600] =	vst v63  }
0xd5: {  	_ =	swait.ge [sflag:s4], $0x4000  }
0xd6: {  	[sflag:s4] =	ssyncset.done $0x0  }
0xd7: {  	[sflag:s4] =	ssyncadd.s32 $0xFFFFC000  }
0xd8: {  	[hbm4b:s14+s2] =	stream.linear.scatter [tilespmem:s9], [sflag:$0x2], $0x4000, $0x38;
	[tilespmem:$0xC600] =	vst v63  }
0xd9: {  	_ =	swait.ge [sflag:s4], $0x4000  }
0xda: {  	[sflag:s4] =	ssyncset.done $0x0  }
0xdb: {  	[sflag:s4] =	ssyncadd.s32 $0xFFFFC000  }
0xdc: {  	[hbm4b:s13+s2] =	stream.linear.scatter [tilespmem:s8], [sflag:$0x2], $0x4000, $0x38;
	[tilespmem:$0xC600] =	vst v63  }
0xdd: {  	_ =	swait.ge [sflag:s4], $0x4000  }
0xde: {  	[sflag:s4] =	ssyncset.done $0x0  }
0xdf: {  	[sflag:s4] =	ssyncadd.s32 $0xFFFFC000  }
0xe0: {  	[tilespmem:s10], [sflag:$0x1] =	stream.indirect.gather [hbm4b:s7+s12], $0x80, s16, s12, $0xb8;
	[tilespmem:$0xC600] =	vst v63  }
0xe1: {  	_ = 	snop  }
0xe2: {  	[tilespmem:s9], [sflag:$0x1] =	stream.indirect.gather [hbm4b:s7+s12], $0x80, s17, s12, $0xb8;
	[tilespmem:$0xC600] =	vst v63  }
0xe3: {  	_ = 	snop  }
0xe4: {  	[tilespmem:s8], [sflag:$0x1] =	stream.indirect.gather [hbm4b:s7+s12], $0x80, s18, s12, $0xb8;
	[tilespmem:$0xC600] =	vst v63  }
0xe5: {  	_ =	swait.ge [sflag:s11], $0x4000  }
0xe6: {  	[sflag:s11] =	ssyncset.done $0x0  }
0xe7: {  	[sflag:s11] =	ssyncadd.s32 $0xFFFFC000  }
0xe8: {  	_ =	swait.ge [sflag:s11], $0x4000  }
0xe9: {  	[sflag:s11] =	ssyncset.done $0x0  }
0xea: {  	[sflag:s11] =	ssyncadd.s32 $0xFFFFC000  }
0xeb: {  	_ =	swait.ge [sflag:s11], $0x4000  }
0xec: {  	[sflag:s11] =	ssyncset.done $0x0  }
0xed: {  	[sflag:s11] =	ssyncadd.s32 $0xFFFFC000  }
0xee: {  	[hbm4b:s6+s2] =	stream.linear.scatter [tilespmem:s10], [sflag:$0x2], $0x4000, $0x38;
	[tilespmem:$0xC600] =	vst v63  }
0xef: {  	_ =	swait.ge [sflag:s4], $0x4000  }
0xf0: {  	[sflag:s4] =	ssyncset.done $0x0  }
0xf1: {  	[sflag:s4] =	ssyncadd.s32 $0xFFFFC000  }
0xf2: {  	[hbm4b:s5+s2] =	stream.linear.scatter [tilespmem:s9], [sflag:$0x2], $0x4000, $0x38;
	[tilespmem:$0xC600] =	vst v63  }
0xf3: {  	p1 =	sne.s32 s1, $0x1;
	_ =	swait.ge [sflag:s4], $0x4000  }
.Ltmp1:
0xf4: {  	[sflag:s4] =	ssyncset.done $0x0;
	(pc) =	sbr.rel @!p1 .LBB2_3-.Ltmp1, $4  }
0xf5: {  	[sflag:s4] =	ssyncadd.s32 $0xFFFFC000  }
0xf6: {  	[hbm4b:s3+s2] =	stream.linear.scatter [tilespmem:s8], [sflag:$0x2], $0x4000, $0x38;
	[tilespmem:$0xC600] =	vst v63  }
0xf7: {  	s1 =	sadd.s32 $0xFFFFFFFF, s1;
	_ =	swait.ge [sflag:s4], $0x4000  }
0xf8: {  	p0 =	por $0x1, $0x1;
	s0 =	rddreg [dreg:$0x2];
	[sflag:s4] =	ssyncset.done $0x0  }
.LBB2_2:
0xf9: {  	[sflag:s4] =	ssyncadd.s32 $0xFFFFC000  }
0xfa: {  	[tilespmem:s2], [sflag:$0x2] =	stream.strided.gather [hbm4b:s0+s12], $0x600, s29, s12, $0x38;
	[tilespmem:$0xC600] =	vst v63  }
0xfb: {  	_ =	swait.ge [sflag:s4], $0x600  }
0xfc: {  	[sflag:s4] =	ssyncset.done $0x0  }
0xfd: {  	[sflag:s4] =	ssyncadd.s32 $0xFFFFFA00  }
0xfe: {  	[tilespmem:s10], [sflag:$0x1] =	stream.indirect.gather [hbm4b:s7+s12], $0x80, s2, s12, $0xb8;
	[tilespmem:$0xC600] =	vst v63  }
0xff: {  	_ = 	snop  }
0x100: {  	[tilespmem:s9], [sflag:$0x1] =	stream.indirect.gather [hbm4b:s7+s12], $0x80, s30, s12, $0xb8;
	[tilespmem:$0xC600] =	vst v63  }
0x101: {  	_ = 	snop  }
0x102: {  	[tilespmem:s8], [sflag:$0x1] =	stream.indirect.gather [hbm4b:s7+s12], $0x80, s29, s12, $0xb8;
	[tilespmem:$0xC600] =	vst v63  }
0x103: {  	_ =	swait.ge [sflag:s11], $0x4000  }
0x104: {  	[sflag:s11] =	ssyncset.done $0x0  }
0x105: {  	[sflag:s11] =	ssyncadd.s32 $0xFFFFC000  }
0x106: {  	_ =	swait.ge [sflag:s11], $0x4000  }
0x107: {  	[sflag:s11] =	ssyncset.done $0x0  }
0x108: {  	[sflag:s11] =	ssyncadd.s32 $0xFFFFC000  }
0x109: {  	_ =	swait.ge [sflag:s11], $0x4000  }
0x10a: {  	[sflag:s11] =	ssyncset.done $0x0  }
0x10b: {  	[sflag:s11] =	ssyncadd.s32 $0xFFFFC000  }
0x10c: {  	[hbm4b:s31+s2] =	stream.linear.scatter [tilespmem:s10], [sflag:$0x2], $0x4000, $0x38;
	[tilespmem:$0xC600] =	vst v63  }
0x10d: {  	_ =	swait.ge [sflag:s4], $0x4000  }
0x10e: {  	[sflag:s4] =	ssyncset.done $0x0  }
0x10f: {  	s0 =	rddreg [dreg:$0x3];
	[sflag:s4] =	ssyncadd.s32 $0xFFFFC000  }
0x110: {  	[hbm4b:s0+s2] =	stream.linear.scatter [tilespmem:s9], [sflag:$0x2], $0x4000, $0x38;
	[tilespmem:$0xC600] =	vst v63  }
0x111: {  	_ =	swait.ge [sflag:s4], $0x4000  }
0x112: {  	[sflag:s4] =	ssyncset.done $0x0  }
0x113: {  	s0 =	rddreg [dreg:$0x4];
	[sflag:s4] =	ssyncadd.s32 $0xFFFFC000  }
0x114: {  	[hbm4b:s0+s2] =	stream.linear.scatter [tilespmem:s8], [sflag:$0x2], $0x4000, $0x38;
	[tilespmem:$0xC600] =	vst v63  }
0x115: {  	_ =	swait.ge [sflag:s4], $0x4000  }
0x116: {  	[sflag:s4] =	ssyncset.done $0x0  }
0x117: {  	[sflag:s4] =	ssyncadd.s32 $0xFFFFC000  }
0x118: {  	[tilespmem:s10], [sflag:$0x1] =	stream.indirect.gather [hbm4b:s7+s12], $0x80, s12, s12, $0xb8;
	[tilespmem:$0xC600] =	vst v63  }
0x119: {  	_ = 	snop  }
0x11a: {  	[tilespmem:s9], [sflag:$0x1] =	stream.indirect.gather [hbm4b:s7+s12], $0x80, s26, s12, $0xb8;
	[tilespmem:$0xC600] =	vst v63  }
0x11b: {  	_ = 	snop  }
0x11c: {  	[tilespmem:s8], [sflag:$0x1] =	stream.indirect.gather [hbm4b:s7+s12], $0x80, s28, s12, $0xb8;
	[tilespmem:$0xC600] =	vst v63  }
0x11d: {  	_ =	swait.ge [sflag:s11], $0x4000  }
0x11e: {  	[sflag:s11] =	ssyncset.done $0x0  }
0x11f: {  	[sflag:s11] =	ssyncadd.s32 $0xFFFFC000  }
0x120: {  	_ =	swait.ge [sflag:s11], $0x4000  }
0x121: {  	[sflag:s11] =	ssyncset.done $0x0  }
0x122: {  	[sflag:s11] =	ssyncadd.s32 $0xFFFFC000  }
0x123: {  	_ =	swait.ge [sflag:s11], $0x4000  }
0x124: {  	[sflag:s11] =	ssyncset.done $0x0  }
0x125: {  	s0 =	rddreg [dreg:$0x5];
	[sflag:s11] =	ssyncadd.s32 $0xFFFFC000  }
0x126: {  	[hbm4b:s0+s2] =	stream.linear.scatter [tilespmem:s10], [sflag:$0x2], $0x4000, $0x38;
	[tilespmem:$0xC600] =	vst v63  }
0x127: {  	_ =	swait.ge [sflag:s4], $0x4000  }
0x128: {  	[sflag:s4] =	ssyncset.done $0x0  }
0x129: {  	s0 =	rddreg [dreg:$0x6];
	[sflag:s4] =	ssyncadd.s32 $0xFFFFC000  }
0x12a: {  	[hbm4b:s0+s2] =	stream.linear.scatter [tilespmem:s9], [sflag:$0x2], $0x4000, $0x38;
	[tilespmem:$0xC600] =	vst v63  }
0x12b: {  	_ =	swait.ge [sflag:s4], $0x4000  }
0x12c: {  	[sflag:s4] =	ssyncset.done $0x0  }
0x12d: {  	s0 =	rddreg [dreg:$0x7];
	[sflag:s4] =	ssyncadd.s32 $0xFFFFC000  }
0x12e: {  	[hbm4b:s0+s2] =	stream.linear.scatter [tilespmem:s8], [sflag:$0x2], $0x4000, $0x38;
	[tilespmem:$0xC600] =	vst v63  }
0x12f: {  	_ =	swait.ge [sflag:s4], $0x4000  }
0x130: {  	[sflag:s4] =	ssyncset.done $0x0  }
0x131: {  	[sflag:s4] =	ssyncadd.s32 $0xFFFFC000  }
0x132: {  	[tilespmem:s10], [sflag:$0x1] =	stream.indirect.gather [hbm4b:s7+s12], $0x80, s22, s12, $0xb8;
	[tilespmem:$0xC600] =	vst v63  }
0x133: {  	_ = 	snop  }
0x134: {  	[tilespmem:s9], [sflag:$0x1] =	stream.indirect.gather [hbm4b:s7+s12], $0x80, s23, s12, $0xb8;
	[tilespmem:$0xC600] =	vst v63  }
0x135: {  	_ = 	snop  }
0x136: {  	[tilespmem:s8], [sflag:$0x1] =	stream.indirect.gather [hbm4b:s7+s12], $0x80, s24, s12, $0xb8;
	[tilespmem:$0xC600] =	vst v63  }
0x137: {  	_ =	swait.ge [sflag:s11], $0x4000  }
0x138: {  	[sflag:s11] =	ssyncset.done $0x0  }
0x139: {  	[sflag:s11] =	ssyncadd.s32 $0xFFFFC000  }
0x13a: {  	_ =	swait.ge [sflag:s11], $0x4000  }
0x13b: {  	[sflag:s11] =	ssyncset.done $0x0  }
0x13c: {  	[sflag:s11] =	ssyncadd.s32 $0xFFFFC000  }
0x13d: {  	_ =	swait.ge [sflag:s11], $0x4000  }
0x13e: {  	[sflag:s11] =	ssyncset.done $0x0  }
0x13f: {  	s0 =	rddreg [dreg:$0x8];
	[sflag:s11] =	ssyncadd.s32 $0xFFFFC000  }
0x140: {  	[hbm4b:s0+s2] =	stream.linear.scatter [tilespmem:s10], [sflag:$0x2], $0x4000, $0x38;
	[tilespmem:$0xC600] =	vst v63  }
0x141: {  	_ =	swait.ge [sflag:s4], $0x4000  }
0x142: {  	[sflag:s4] =	ssyncset.done $0x0  }
0x143: {  	s0 =	rddreg [dreg:$0x9];
	[sflag:s4] =	ssyncadd.s32 $0xFFFFC000  }
0x144: {  	[hbm4b:s0+s2] =	stream.linear.scatter [tilespmem:s9], [sflag:$0x2], $0x4000, $0x38;
	[tilespmem:$0xC600] =	vst v63  }
0x145: {  	_ =	swait.ge [sflag:s4], $0x4000  }
0x146: {  	[sflag:s4] =	ssyncset.done $0x0  }
0x147: {  	s0 =	rddreg [dreg:$0xa];
	[sflag:s4] =	ssyncadd.s32 $0xFFFFC000  }
0x148: {  	[hbm4b:s0+s2] =	stream.linear.scatter [tilespmem:s8], [sflag:$0x2], $0x4000, $0x38;
	[tilespmem:$0xC600] =	vst v63  }
0x149: {  	_ =	swait.ge [sflag:s4], $0x4000  }
0x14a: {  	[sflag:s4] =	ssyncset.done $0x0  }
0x14b: {  	[sflag:s4] =	ssyncadd.s32 $0xFFFFC000  }
0x14c: {  	[tilespmem:s10], [sflag:$0x1] =	stream.indirect.gather [hbm4b:s7+s12], $0x80, s16, s12, $0xb8;
	[tilespmem:$0xC600] =	vst v63  }
0x14d: {  	_ = 	snop  }
0x14e: {  	[tilespmem:s9], [sflag:$0x1] =	stream.indirect.gather [hbm4b:s7+s12], $0x80, s17, s12, $0xb8;
	[tilespmem:$0xC600] =	vst v63  }
0x14f: {  	_ = 	snop  }
0x150: {  	[tilespmem:s8], [sflag:$0x1] =	stream.indirect.gather [hbm4b:s7+s12], $0x80, s18, s12, $0xb8;
	[tilespmem:$0xC600] =	vst v63  }
0x151: {  	_ =	swait.ge [sflag:s11], $0x4000  }
0x152: {  	[sflag:s11] =	ssyncset.done $0x0  }
0x153: {  	[sflag:s11] =	ssyncadd.s32 $0xFFFFC000  }
0x154: {  	_ =	swait.ge [sflag:s11], $0x4000  }
0x155: {  	[sflag:s11] =	ssyncset.done $0x0  }
0x156: {  	[sflag:s11] =	ssyncadd.s32 $0xFFFFC000  }
0x157: {  	_ =	swait.ge [sflag:s11], $0x4000  }
0x158: {  	[sflag:s11] =	ssyncset.done $0x0  }
0x159: {  	s0 =	rddreg [dreg:$0xb];
	[sflag:s11] =	ssyncadd.s32 $0xFFFFC000  }
0x15a: {  	[hbm4b:s0+s2] =	stream.linear.scatter [tilespmem:s10], [sflag:$0x2], $0x4000, $0x38;
	[tilespmem:$0xC600] =	vst v63  }
0x15b: {  	_ =	swait.ge [sflag:s4], $0x4000  }
0x15c: {  	[sflag:s4] =	ssyncset.done $0x0  }
0x15d: {  	s0 =	rddreg [dreg:$0xc];
	[sflag:s4] =	ssyncadd.s32 $0xFFFFC000  }
0x15e: {  	[hbm4b:s0+s2] =	stream.linear.scatter [tilespmem:s9], [sflag:$0x2], $0x4000, $0x38;
	[tilespmem:$0xC600] =	vst v63  }
0x15f: {  	_ =	swait.ge [sflag:s4], $0x4000  }
0x160: {  	[sflag:s4] =	ssyncset.done $0x0  }
0x161: {  	s0 =	rddreg [dreg:$0xd];
	[sflag:s4] =	ssyncadd.s32 $0xFFFFC000  }
0x162: {  	[hbm4b:s0+s2] =	stream.linear.scatter [tilespmem:s8], [sflag:$0x2], $0x4000, $0x38;
	[tilespmem:$0xC600] =	vst v63  }
0x163: {  	_ =	swait.ge [sflag:s4], $0x4000  }
0x164: {  	[sflag:s4] =	ssyncset.done $0x0  }
0x165: {  	s0 =	rddreg [dreg:$0xe];
	[sflag:s4] =	ssyncadd.s32 $0xFFFFC000  }
0x166: {  	[tilespmem:s2], [sflag:$0x2] =	stream.strided.gather [hbm4b:s0+s12], $0x600, s29, s12, $0x38;
	[tilespmem:$0xC600] =	vst v63  }
0x167: {  	_ =	swait.ge [sflag:s4], $0x600  }
0x168: {  	[sflag:s4] =	ssyncset.done $0x0  }
0x169: {  	[sflag:s4] =	ssyncadd.s32 $0xFFFFFA00  }
0x16a: {  	[tilespmem:s10], [sflag:$0x1] =	stream.indirect.gather [hbm4b:s7+s12], $0x80, s2, s12, $0xb8;
	[tilespmem:$0xC600] =	vst v63  }
0x16b: {  	_ = 	snop  }
0x16c: {  	[tilespmem:s9], [sflag:$0x1] =	stream.indirect.gather [hbm4b:s7+s12], $0x80, s30, s12, $0xb8;
	[tilespmem:$0xC600] =	vst v63  }
0x16d: {  	_ = 	snop  }
0x16e: {  	[tilespmem:s8], [sflag:$0x1] =	stream.indirect.gather [hbm4b:s7+s12], $0x80, s29, s12, $0xb8;
	[tilespmem:$0xC600] =	vst v63  }
0x16f: {  	_ =	swait.ge [sflag:s11], $0x4000  }
0x170: {  	[sflag:s11] =	ssyncset.done $0x0  }
0x171: {  	[sflag:s11] =	ssyncadd.s32 $0xFFFFC000  }
0x172: {  	_ =	swait.ge [sflag:s11], $0x4000  }
0x173: {  	[sflag:s11] =	ssyncset.done $0x0  }
0x174: {  	[sflag:s11] =	ssyncadd.s32 $0xFFFFC000  }
0x175: {  	_ =	swait.ge [sflag:s11], $0x4000  }
0x176: {  	[sflag:s11] =	ssyncset.done $0x0  }
0x177: {  	[sflag:s11] =	ssyncadd.s32 $0xFFFFC000  }
0x178: {  	[hbm4b:s25+s2] =	stream.linear.scatter [tilespmem:s10], [sflag:$0x2], $0x4000, $0x38;
	[tilespmem:$0xC600] =	vst v63  }
0x179: {  	_ =	swait.ge [sflag:s4], $0x4000  }
0x17a: {  	[sflag:s4] =	ssyncset.done $0x0  }
0x17b: {  	s0 =	rddreg [dreg:$0xf];
	[sflag:s4] =	ssyncadd.s32 $0xFFFFC000  }
0x17c: {  	[hbm4b:s0+s2] =	stream.linear.scatter [tilespmem:s9], [sflag:$0x2], $0x4000, $0x38;
	[tilespmem:$0xC600] =	vst v63  }
0x17d: {  	_ =	swait.ge [sflag:s4], $0x4000  }
0x17e: {  	[sflag:s4] =	ssyncset.done $0x0  }
0x17f: {  	s0 =	rddreg [dreg:$0x10];
	[sflag:s4] =	ssyncadd.s32 $0xFFFFC000  }
0x180: {  	[hbm4b:s0+s2] =	stream.linear.scatter [tilespmem:s8], [sflag:$0x2], $0x4000, $0x38;
	[tilespmem:$0xC600] =	vst v63  }
0x181: {  	_ =	swait.ge [sflag:s4], $0x4000  }
0x182: {  	[sflag:s4] =	ssyncset.done $0x0  }
0x183: {  	[sflag:s4] =	ssyncadd.s32 $0xFFFFC000  }
0x184: {  	[tilespmem:s10], [sflag:$0x1] =	stream.indirect.gather [hbm4b:s7+s12], $0x80, s12, s12, $0xb8;
	[tilespmem:$0xC600] =	vst v63  }
0x185: {  	_ = 	snop  }
0x186: {  	[tilespmem:s9], [sflag:$0x1] =	stream.indirect.gather [hbm4b:s7+s12], $0x80, s26, s12, $0xb8;
	[tilespmem:$0xC600] =	vst v63  }
0x187: {  	_ = 	snop  }
0x188: {  	[tilespmem:s8], [sflag:$0x1] =	stream.indirect.gather [hbm4b:s7+s12], $0x80, s28, s12, $0xb8;
	[tilespmem:$0xC600] =	vst v63  }
0x189: {  	_ =	swait.ge [sflag:s11], $0x4000  }
0x18a: {  	[sflag:s11] =	ssyncset.done $0x0  }
0x18b: {  	[sflag:s11] =	ssyncadd.s32 $0xFFFFC000  }
0x18c: {  	_ =	swait.ge [sflag:s11], $0x4000  }
0x18d: {  	[sflag:s11] =	ssyncset.done $0x0  }
0x18e: {  	[sflag:s11] =	ssyncadd.s32 $0xFFFFC000  }
0x18f: {  	_ =	swait.ge [sflag:s11], $0x4000  }
0x190: {  	[sflag:s11] =	ssyncset.done $0x0  }
0x191: {  	[sflag:s11] =	ssyncadd.s32 $0xFFFFC000  }
0x192: {  	[hbm4b:s21+s2] =	stream.linear.scatter [tilespmem:s10], [sflag:$0x2], $0x4000, $0x38;
	[tilespmem:$0xC600] =	vst v63  }
0x193: {  	_ =	swait.ge [sflag:s4], $0x4000  }
0x194: {  	[sflag:s4] =	ssyncset.done $0x0  }
0x195: {  	[sflag:s4] =	ssyncadd.s32 $0xFFFFC000  }
0x196: {  	[hbm4b:s20+s2] =	stream.linear.scatter [tilespmem:s9], [sflag:$0x2], $0x4000, $0x38;
	[tilespmem:$0xC600] =	vst v63  }
0x197: {  	_ =	swait.ge [sflag:s4], $0x4000  }
0x198: {  	[sflag:s4] =	ssyncset.done $0x0  }
0x199: {  	[sflag:s4] =	ssyncadd.s32 $0xFFFFC000  }
0x19a: {  	[hbm4b:s19+s2] =	stream.linear.scatter [tilespmem:s8], [sflag:$0x2], $0x4000, $0x38;
	[tilespmem:$0xC600] =	vst v63  }
0x19b: {  	_ =	swait.ge [sflag:s4], $0x4000  }
0x19c: {  	[sflag:s4] =	ssyncset.done $0x0  }
0x19d: {  	[sflag:s4] =	ssyncadd.s32 $0xFFFFC000  }
0x19e: {  	[tilespmem:s10], [sflag:$0x1] =	stream.indirect.gather [hbm4b:s7+s12], $0x80, s22, s12, $0xb8;
	[tilespmem:$0xC600] =	vst v63  }
0x19f: {  	_ = 	snop  }
0x1a0: {  	[tilespmem:s9], [sflag:$0x1] =	stream.indirect.gather [hbm4b:s7+s12], $0x80, s23, s12, $0xb8;
	[tilespmem:$0xC600] =	vst v63  }
0x1a1: {  	_ = 	snop  }
0x1a2: {  	[tilespmem:s8], [sflag:$0x1] =	stream.indirect.gather [hbm4b:s7+s12], $0x80, s24, s12, $0xb8;
	[tilespmem:$0xC600] =	vst v63  }
0x1a3: {  	_ =	swait.ge [sflag:s11], $0x4000  }
0x1a4: {  	[sflag:s11] =	ssyncset.done $0x0  }
0x1a5: {  	[sflag:s11] =	ssyncadd.s32 $0xFFFFC000  }
0x1a6: {  	_ =	swait.ge [sflag:s11], $0x4000  }
0x1a7: {  	[sflag:s11] =	ssyncset.done $0x0  }
0x1a8: {  	[sflag:s11] =	ssyncadd.s32 $0xFFFFC000  }
0x1a9: {  	_ =	swait.ge [sflag:s11], $0x4000  }
0x1aa: {  	[sflag:s11] =	ssyncset.done $0x0  }
0x1ab: {  	[sflag:s11] =	ssyncadd.s32 $0xFFFFC000  }
0x1ac: {  	[hbm4b:s15+s2] =	stream.linear.scatter [tilespmem:s10], [sflag:$0x2], $0x4000, $0x38;
	[tilespmem:$0xC600] =	vst v63  }
0x1ad: {  	_ =	swait.ge [sflag:s4], $0x4000  }
0x1ae: {  	[sflag:s4] =	ssyncset.done $0x0  }
0x1af: {  	[sflag:s4] =	ssyncadd.s32 $0xFFFFC000  }
0x1b0: {  	[hbm4b:s14+s2] =	stream.linear.scatter [tilespmem:s9], [sflag:$0x2], $0x4000, $0x38;
	[tilespmem:$0xC600] =	vst v63  }
0x1b1: {  	_ =	swait.ge [sflag:s4], $0x4000  }
0x1b2: {  	[sflag:s4] =	ssyncset.done $0x0  }
0x1b3: {  	[sflag:s4] =	ssyncadd.s32 $0xFFFFC000  }
0x1b4: {  	[hbm4b:s13+s2] =	stream.linear.scatter [tilespmem:s8], [sflag:$0x2], $0x4000, $0x38;
	[tilespmem:$0xC600] =	vst v63  }
0x1b5: {  	_ =	swait.ge [sflag:s4], $0x4000  }
0x1b6: {  	[sflag:s4] =	ssyncset.done $0x0  }
0x1b7: {  	[sflag:s4] =	ssyncadd.s32 $0xFFFFC000  }
0x1b8: {  	[tilespmem:s10], [sflag:$0x1] =	stream.indirect.gather [hbm4b:s7+s12], $0x80, s16, s12, $0xb8;
	[tilespmem:$0xC600] =	vst v63  }
0x1b9: {  	_ = 	snop  }
0x1ba: {  	[tilespmem:s9], [sflag:$0x1] =	stream.indirect.gather [hbm4b:s7+s12], $0x80, s17, s12, $0xb8;
	[tilespmem:$0xC600] =	vst v63  }
0x1bb: {  	_ = 	snop  }
0x1bc: {  	[tilespmem:s8], [sflag:$0x1] =	stream.indirect.gather [hbm4b:s7+s12], $0x80, s18, s12, $0xb8;
	[tilespmem:$0xC600] =	vst v63  }
0x1bd: {  	_ =	swait.ge [sflag:s11], $0x4000  }
0x1be: {  	[sflag:s11] =	ssyncset.done $0x0  }
0x1bf: {  	[sflag:s11] =	ssyncadd.s32 $0xFFFFC000  }
0x1c0: {  	_ =	swait.ge [sflag:s11], $0x4000  }
0x1c1: {  	[sflag:s11] =	ssyncset.done $0x0  }
0x1c2: {  	[sflag:s11] =	ssyncadd.s32 $0xFFFFC000  }
0x1c3: {  	_ =	swait.ge [sflag:s11], $0x4000  }
0x1c4: {  	[sflag:s11] =	ssyncset.done $0x0  }
0x1c5: {  	[sflag:s11] =	ssyncadd.s32 $0xFFFFC000  }
0x1c6: {  	[hbm4b:s6+s2] =	stream.linear.scatter [tilespmem:s10], [sflag:$0x2], $0x4000, $0x38;
	[tilespmem:$0xC600] =	vst v63  }
0x1c7: {  	_ =	swait.ge [sflag:s4], $0x4000  }
0x1c8: {  	[sflag:s4] =	ssyncset.done $0x0  }
0x1c9: {  	[sflag:s4] =	ssyncadd.s32 $0xFFFFC000  }
0x1ca: {  	[hbm4b:s5+s2] =	stream.linear.scatter [tilespmem:s9], [sflag:$0x2], $0x4000, $0x38;
	[tilespmem:$0xC600] =	vst v63  }
0x1cb: {  	p1 =	sne.s32 s1, $0x1;
	_ =	swait.ge [sflag:s4], $0x4000  }
.Ltmp2:
0x1cc: {  	[sflag:s4] =	ssyncset.done $0x0;
	(pc) =	sbr.rel @p1 .LBB2_2-.Ltmp2, $4  }
0x1cd: {  	[sflag:s4] =	ssyncadd.s32 $0xFFFFC000  }
0x1ce: {  	[hbm4b:s3+s2] =	stream.linear.scatter [tilespmem:s8], [sflag:$0x2], $0x4000, $0x38;
	[tilespmem:$0xC600] =	vst v63  }
0x1cf: {  	_ =	swait.ge [sflag:s4], $0x4000  }
0x1d0: {  	s1 =	sadd.s32 $0xFFFFFFFF, s1;
	s0 =	rddreg [dreg:$0x2];
	[sflag:s4] =	ssyncset.done $0x0  }
.LBB2_3:
0x1d1: {  	[sflag:s4] =	ssyncadd.s32 @p0 $0xFFFFC000  }
0x1d2: {  	[tilespmem:s2], [sflag:$0x2] =	stream.strided.gather [hbm4b:s0+s12], $0x600, s29, s12, $0x38;
	[tilespmem:$0xC600] =	vst v63  }
0x1d3: {  	_ =	swait.ge [sflag:s4], $0x600  }
0x1d4: {  	[sflag:s4] =	ssyncset.done $0x0  }
0x1d5: {  	[sflag:s4] =	ssyncadd.s32 $0xFFFFFA00  }
0x1d6: {  	[tilespmem:s10], [sflag:$0x1] =	stream.indirect.gather [hbm4b:s7+s12], $0x80, s2, s12, $0xb8;
	[tilespmem:$0xC600] =	vst v63  }
0x1d7: {  	_ = 	snop  }
0x1d8: {  	[tilespmem:s9], [sflag:$0x1] =	stream.indirect.gather [hbm4b:s7+s12], $0x80, s30, s12, $0xb8;
	[tilespmem:$0xC600] =	vst v63  }
0x1d9: {  	_ = 	snop  }
0x1da: {  	[tilespmem:s8], [sflag:$0x1] =	stream.indirect.gather [hbm4b:s7+s12], $0x80, s29, s12, $0xb8;
	[tilespmem:$0xC600] =	vst v63  }
0x1db: {  	_ =	swait.ge [sflag:s11], $0x4000  }
0x1dc: {  	[sflag:s11] =	ssyncset.done $0x0  }
0x1dd: {  	[sflag:s11] =	ssyncadd.s32 $0xFFFFC000  }
0x1de: {  	_ =	swait.ge [sflag:s11], $0x4000  }
0x1df: {  	[sflag:s11] =	ssyncset.done $0x0  }
0x1e0: {  	[sflag:s11] =	ssyncadd.s32 $0xFFFFC000  }
0x1e1: {  	_ =	swait.ge [sflag:s11], $0x4000  }
0x1e2: {  	[sflag:s11] =	ssyncset.done $0x0  }
0x1e3: {  	[sflag:s11] =	ssyncadd.s32 $0xFFFFC000  }
0x1e4: {  	[hbm4b:s31+s2] =	stream.linear.scatter [tilespmem:s10], [sflag:$0x2], $0x4000, $0x38;
	[tilespmem:$0xC600] =	vst v63  }
0x1e5: {  	_ =	swait.ge [sflag:s4], $0x4000  }
0x1e6: {  	[sflag:s4] =	ssyncset.done $0x0  }
0x1e7: {  	s31 =	rddreg [dreg:$0x3];
	[sflag:s4] =	ssyncadd.s32 $0xFFFFC000  }
0x1e8: {  	[hbm4b:s31+s2] =	stream.linear.scatter [tilespmem:s9], [sflag:$0x2], $0x4000, $0x38;
	[tilespmem:$0xC600] =	vst v63  }
0x1e9: {  	_ =	swait.ge [sflag:s4], $0x4000  }
0x1ea: {  	[sflag:s4] =	ssyncset.done $0x0  }
0x1eb: {  	s1 =	rddreg [dreg:$0x4];
	[sflag:s4] =	ssyncadd.s32 $0xFFFFC000  }
0x1ec: {  	[hbm4b:s1+s2] =	stream.linear.scatter [tilespmem:s8], [sflag:$0x2], $0x4000, $0x38;
	[tilespmem:$0xC600] =	vst v63  }
0x1ed: {  	_ =	swait.ge [sflag:s4], $0x4000  }
0x1ee: {  	[sflag:s4] =	ssyncset.done $0x0  }
0x1ef: {  	[sflag:s4] =	ssyncadd.s32 $0xFFFFC000  }
0x1f0: {  	[tilespmem:s10], [sflag:$0x1] =	stream.indirect.gather [hbm4b:s7+s12], $0x80, s12, s12, $0xb8;
	[tilespmem:$0xC600] =	vst v63  }
0x1f1: {  	_ = 	snop  }
0x1f2: {  	[tilespmem:s9], [sflag:$0x1] =	stream.indirect.gather [hbm4b:s7+s12], $0x80, s26, s12, $0xb8;
	[tilespmem:$0xC600] =	vst v63  }
0x1f3: {  	_ = 	snop  }
0x1f4: {  	[tilespmem:s8], [sflag:$0x1] =	stream.indirect.gather [hbm4b:s7+s12], $0x80, s28, s12, $0xb8;
	[tilespmem:$0xC600] =	vst v63  }
0x1f5: {  	_ =	swait.ge [sflag:s11], $0x4000  }
0x1f6: {  	[sflag:s11] =	ssyncset.done $0x0  }
0x1f7: {  	[sflag:s11] =	ssyncadd.s32 $0xFFFFC000  }
0x1f8: {  	_ =	swait.ge [sflag:s11], $0x4000  }
0x1f9: {  	[sflag:s11] =	ssyncset.done $0x0  }
0x1fa: {  	[sflag:s11] =	ssyncadd.s32 $0xFFFFC000  }
0x1fb: {  	_ =	swait.ge [sflag:s11], $0x4000  }
0x1fc: {  	[sflag:s11] =	ssyncset.done $0x0  }
0x1fd: {  	s31 =	rddreg [dreg:$0x5];
	[sflag:s11] =	ssyncadd.s32 $0xFFFFC000  }
0x1fe: {  	[hbm4b:s31+s2] =	stream.linear.scatter [tilespmem:s10], [sflag:$0x2], $0x4000, $0x38;
	[tilespmem:$0xC600] =	vst v63  }
0x1ff: {  	_ =	swait.ge [sflag:s4], $0x4000  }
0x200: {  	[sflag:s4] =	ssyncset.done $0x0  }
0x201: {  	s1 =	rddreg [dreg:$0x6];
	[sflag:s4] =	ssyncadd.s32 $0xFFFFC000  }
0x202: {  	[hbm4b:s1+s2] =	stream.linear.scatter [tilespmem:s9], [sflag:$0x2], $0x4000, $0x38;
	[tilespmem:$0xC600] =	vst v63  }
0x203: {  	_ =	swait.ge [sflag:s4], $0x4000  }
0x204: {  	[sflag:s4] =	ssyncset.done $0x0  }
0x205: {  	s31 =	rddreg [dreg:$0x7];
	[sflag:s4] =	ssyncadd.s32 $0xFFFFC000  }
0x206: {  	[hbm4b:s31+s2] =	stream.linear.scatter [tilespmem:s8], [sflag:$0x2], $0x4000, $0x38;
	[tilespmem:$0xC600] =	vst v63  }
0x207: {  	_ =	swait.ge [sflag:s4], $0x4000  }
0x208: {  	[sflag:s4] =	ssyncset.done $0x0  }
0x209: {  	[sflag:s4] =	ssyncadd.s32 $0xFFFFC000  }
0x20a: {  	[tilespmem:s10], [sflag:$0x1] =	stream.indirect.gather [hbm4b:s7+s12], $0x80, s22, s12, $0xb8;
	[tilespmem:$0xC600] =	vst v63  }
0x20b: {  	_ = 	snop  }
0x20c: {  	[tilespmem:s9], [sflag:$0x1] =	stream.indirect.gather [hbm4b:s7+s12], $0x80, s23, s12, $0xb8;
	[tilespmem:$0xC600] =	vst v63  }
0x20d: {  	_ = 	snop  }
0x20e: {  	[tilespmem:s8], [sflag:$0x1] =	stream.indirect.gather [hbm4b:s7+s12], $0x80, s24, s12, $0xb8;
	[tilespmem:$0xC600] =	vst v63  }
0x20f: {  	_ =	swait.ge [sflag:s11], $0x4000  }
0x210: {  	[sflag:s11] =	ssyncset.done $0x0  }
0x211: {  	[sflag:s11] =	ssyncadd.s32 $0xFFFFC000  }
0x212: {  	_ =	swait.ge [sflag:s11], $0x4000  }
0x213: {  	[sflag:s11] =	ssyncset.done $0x0  }
0x214: {  	[sflag:s11] =	ssyncadd.s32 $0xFFFFC000  }
0x215: {  	_ =	swait.ge [sflag:s11], $0x4000  }
0x216: {  	[sflag:s11] =	ssyncset.done $0x0  }
0x217: {  	s1 =	rddreg [dreg:$0x8];
	[sflag:s11] =	ssyncadd.s32 $0xFFFFC000  }
0x218: {  	[hbm4b:s1+s2] =	stream.linear.scatter [tilespmem:s10], [sflag:$0x2], $0x4000, $0x38;
	[tilespmem:$0xC600] =	vst v63  }
0x219: {  	_ =	swait.ge [sflag:s4], $0x4000  }
0x21a: {  	[sflag:s4] =	ssyncset.done $0x0  }
0x21b: {  	s31 =	rddreg [dreg:$0x9];
	[sflag:s4] =	ssyncadd.s32 $0xFFFFC000  }
0x21c: {  	[hbm4b:s31+s2] =	stream.linear.scatter [tilespmem:s9], [sflag:$0x2], $0x4000, $0x38;
	[tilespmem:$0xC600] =	vst v63  }
0x21d: {  	_ =	swait.ge [sflag:s4], $0x4000  }
0x21e: {  	[sflag:s4] =	ssyncset.done $0x0  }
0x21f: {  	s1 =	rddreg [dreg:$0xa];
	[sflag:s4] =	ssyncadd.s32 $0xFFFFC000  }
0x220: {  	[hbm4b:s1+s2] =	stream.linear.scatter [tilespmem:s8], [sflag:$0x2], $0x4000, $0x38;
	[tilespmem:$0xC600] =	vst v63  }
0x221: {  	_ =	swait.ge [sflag:s4], $0x4000  }
0x222: {  	[sflag:s4] =	ssyncset.done $0x0  }
0x223: {  	[sflag:s4] =	ssyncadd.s32 $0xFFFFC000  }
0x224: {  	[tilespmem:s10], [sflag:$0x1] =	stream.indirect.gather [hbm4b:s7+s12], $0x80, s16, s12, $0xb8;
	[tilespmem:$0xC600] =	vst v63  }
0x225: {  	_ = 	snop  }
0x226: {  	[tilespmem:s9], [sflag:$0x1] =	stream.indirect.gather [hbm4b:s7+s12], $0x80, s17, s12, $0xb8;
	[tilespmem:$0xC600] =	vst v63  }
0x227: {  	_ = 	snop  }
0x228: {  	[tilespmem:s8], [sflag:$0x1] =	stream.indirect.gather [hbm4b:s7+s12], $0x80, s18, s12, $0xb8;
	[tilespmem:$0xC600] =	vst v63  }
0x229: {  	_ =	swait.ge [sflag:s11], $0x4000  }
0x22a: {  	[sflag:s11] =	ssyncset.done $0x0  }
0x22b: {  	[sflag:s11] =	ssyncadd.s32 $0xFFFFC000  }
0x22c: {  	_ =	swait.ge [sflag:s11], $0x4000  }
0x22d: {  	[sflag:s11] =	ssyncset.done $0x0  }
0x22e: {  	[sflag:s11] =	ssyncadd.s32 $0xFFFFC000  }
0x22f: {  	_ =	swait.ge [sflag:s11], $0x4000  }
0x230: {  	[sflag:s11] =	ssyncset.done $0x0  }
0x231: {  	s31 =	rddreg [dreg:$0xb];
	[sflag:s11] =	ssyncadd.s32 $0xFFFFC000  }
0x232: {  	[hbm4b:s31+s2] =	stream.linear.scatter [tilespmem:s10], [sflag:$0x2], $0x4000, $0x38;
	[tilespmem:$0xC600] =	vst v63  }
0x233: {  	_ =	swait.ge [sflag:s4], $0x4000  }
0x234: {  	[sflag:s4] =	ssyncset.done $0x0  }
0x235: {  	s1 =	rddreg [dreg:$0xc];
	[sflag:s4] =	ssyncadd.s32 $0xFFFFC000  }
0x236: {  	[hbm4b:s1+s2] =	stream.linear.scatter [tilespmem:s9], [sflag:$0x2], $0x4000, $0x38;
	[tilespmem:$0xC600] =	vst v63  }
0x237: {  	_ =	swait.ge [sflag:s4], $0x4000  }
0x238: {  	[sflag:s4] =	ssyncset.done $0x0  }
0x239: {  	s31 =	rddreg [dreg:$0xd];
	[sflag:s4] =	ssyncadd.s32 $0xFFFFC000  }
0x23a: {  	[hbm4b:s31+s2] =	stream.linear.scatter [tilespmem:s8], [sflag:$0x2], $0x4000, $0x38;
	[tilespmem:$0xC600] =	vst v63  }
0x23b: {  	_ =	swait.ge [sflag:s4], $0x4000  }
0x23c: {  	[sflag:s4] =	ssyncset.done $0x0  }
0x23d: {  	s1 =	rddreg [dreg:$0xe];
	[sflag:s4] =	ssyncadd.s32 $0xFFFFC000  }
0x23e: {  	[tilespmem:s2], [sflag:$0x2] =	stream.strided.gather [hbm4b:s1+s12], $0x600, s29, s12, $0x38;
	[tilespmem:$0xC600] =	vst v63  }
0x23f: {  	_ =	swait.ge [sflag:s4], $0x600  }
0x240: {  	[sflag:s4] =	ssyncset.done $0x0  }
0x241: {  	[sflag:s4] =	ssyncadd.s32 $0xFFFFFA00  }
0x242: {  	[tilespmem:s10], [sflag:$0x1] =	stream.indirect.gather [hbm4b:s7+s12], $0x80, s2, s12, $0xb8;
	[tilespmem:$0xC600] =	vst v63  }
0x243: {  	_ = 	snop  }
0x244: {  	[tilespmem:s9], [sflag:$0x1] =	stream.indirect.gather [hbm4b:s7+s12], $0x80, s30, s12, $0xb8;
	[tilespmem:$0xC600] =	vst v63  }
0x245: {  	_ = 	snop  }
0x246: {  	[tilespmem:s8], [sflag:$0x1] =	stream.indirect.gather [hbm4b:s7+s12], $0x80, s29, s12, $0xb8;
	[tilespmem:$0xC600] =	vst v63  }
0x247: {  	_ =	swait.ge [sflag:s11], $0x4000  }
0x248: {  	[sflag:s11] =	ssyncset.done $0x0  }
0x249: {  	[sflag:s11] =	ssyncadd.s32 $0xFFFFC000  }
0x24a: {  	_ =	swait.ge [sflag:s11], $0x4000  }
0x24b: {  	[sflag:s11] =	ssyncset.done $0x0  }
0x24c: {  	[sflag:s11] =	ssyncadd.s32 $0xFFFFC000  }
0x24d: {  	_ =	swait.ge [sflag:s11], $0x4000  }
0x24e: {  	[sflag:s11] =	ssyncset.done $0x0  }
0x24f: {  	[sflag:s11] =	ssyncadd.s32 $0xFFFFC000  }
0x250: {  	[hbm4b:s25+s2] =	stream.linear.scatter [tilespmem:s10], [sflag:$0x2], $0x4000, $0x38;
	[tilespmem:$0xC600] =	vst v63  }
0x251: {  	_ =	swait.ge [sflag:s4], $0x4000  }
0x252: {  	[sflag:s4] =	ssyncset.done $0x0  }
0x253: {  	s29 =	rddreg [dreg:$0xf];
	[sflag:s4] =	ssyncadd.s32 $0xFFFFC000  }
0x254: {  	[hbm4b:s29+s2] =	stream.linear.scatter [tilespmem:s9], [sflag:$0x2], $0x4000, $0x38;
	[tilespmem:$0xC600] =	vst v63  }
0x255: {  	_ =	swait.ge [sflag:s4], $0x4000  }
0x256: {  	[sflag:s4] =	ssyncset.done $0x0  }
0x257: {  	s30 =	rddreg [dreg:$0x10];
	[sflag:s4] =	ssyncadd.s32 $0xFFFFC000  }
0x258: {  	[hbm4b:s30+s2] =	stream.linear.scatter [tilespmem:s8], [sflag:$0x2], $0x4000, $0x38;
	[tilespmem:$0xC600] =	vst v63  }
0x259: {  	_ =	swait.ge [sflag:s4], $0x4000  }
0x25a: {  	[sflag:s4] =	ssyncset.done $0x0  }
0x25b: {  	[sflag:s4] =	ssyncadd.s32 $0xFFFFC000  }
0x25c: {  	[tilespmem:s10], [sflag:$0x1] =	stream.indirect.gather [hbm4b:s7+s12], $0x80, s12, s12, $0xb8;
	[tilespmem:$0xC600] =	vst v63  }
0x25d: {  	_ = 	snop  }
0x25e: {  	[tilespmem:s9], [sflag:$0x1] =	stream.indirect.gather [hbm4b:s7+s12], $0x80, s26, s12, $0xb8;
	[tilespmem:$0xC600] =	vst v63  }
0x25f: {  	_ = 	snop  }
0x260: {  	[tilespmem:s8], [sflag:$0x1] =	stream.indirect.gather [hbm4b:s7+s12], $0x80, s28, s12, $0xb8;
	[tilespmem:$0xC600] =	vst v63  }
0x261: {  	_ =	swait.ge [sflag:s11], $0x4000  }
0x262: {  	[sflag:s11] =	ssyncset.done $0x0  }
0x263: {  	[sflag:s11] =	ssyncadd.s32 $0xFFFFC000  }
0x264: {  	_ =	swait.ge [sflag:s11], $0x4000  }
0x265: {  	[sflag:s11] =	ssyncset.done $0x0  }
0x266: {  	[sflag:s11] =	ssyncadd.s32 $0xFFFFC000  }
0x267: {  	_ =	swait.ge [sflag:s11], $0x4000  }
0x268: {  	[sflag:s11] =	ssyncset.done $0x0  }
0x269: {  	[sflag:s11] =	ssyncadd.s32 $0xFFFFC000  }
0x26a: {  	[hbm4b:s21+s2] =	stream.linear.scatter [tilespmem:s10], [sflag:$0x2], $0x4000, $0x38;
	[tilespmem:$0xC600] =	vst v63  }
0x26b: {  	_ =	swait.ge [sflag:s4], $0x4000  }
0x26c: {  	[sflag:s4] =	ssyncset.done $0x0  }
0x26d: {  	[sflag:s4] =	ssyncadd.s32 $0xFFFFC000  }
0x26e: {  	[hbm4b:s20+s2] =	stream.linear.scatter [tilespmem:s9], [sflag:$0x2], $0x4000, $0x38;
	[tilespmem:$0xC600] =	vst v63  }
0x26f: {  	_ =	swait.ge [sflag:s4], $0x4000  }
0x270: {  	[sflag:s4] =	ssyncset.done $0x0  }
0x271: {  	[sflag:s4] =	ssyncadd.s32 $0xFFFFC000  }
0x272: {  	[hbm4b:s19+s2] =	stream.linear.scatter [tilespmem:s8], [sflag:$0x2], $0x4000, $0x38;
	[tilespmem:$0xC600] =	vst v63  }
0x273: {  	_ =	swait.ge [sflag:s4], $0x4000  }
0x274: {  	[sflag:s4] =	ssyncset.done $0x0  }
0x275: {  	[sflag:s4] =	ssyncadd.s32 $0xFFFFC000  }
0x276: {  	[tilespmem:s10], [sflag:$0x1] =	stream.indirect.gather [hbm4b:s7+s12], $0x80, s22, s12, $0xb8;
	[tilespmem:$0xC600] =	vst v63  }
0x277: {  	_ = 	snop  }
0x278: {  	[tilespmem:s9], [sflag:$0x1] =	stream.indirect.gather [hbm4b:s7+s12], $0x80, s23, s12, $0xb8;
	[tilespmem:$0xC600] =	vst v63  }
0x279: {  	_ = 	snop  }
0x27a: {  	[tilespmem:s8], [sflag:$0x1] =	stream.indirect.gather [hbm4b:s7+s12], $0x80, s24, s12, $0xb8;
	[tilespmem:$0xC600] =	vst v63  }
0x27b: {  	_ =	swait.ge [sflag:s11], $0x4000  }
0x27c: {  	[sflag:s11] =	ssyncset.done $0x0  }
0x27d: {  	[sflag:s11] =	ssyncadd.s32 $0xFFFFC000  }
0x27e: {  	_ =	swait.ge [sflag:s11], $0x4000  }
0x27f: {  	[sflag:s11] =	ssyncset.done $0x0  }
0x280: {  	[sflag:s11] =	ssyncadd.s32 $0xFFFFC000  }
0x281: {  	_ =	swait.ge [sflag:s11], $0x4000  }
0x282: {  	[sflag:s11] =	ssyncset.done $0x0  }
0x283: {  	[sflag:s11] =	ssyncadd.s32 $0xFFFFC000  }
0x284: {  	[hbm4b:s15+s2] =	stream.linear.scatter [tilespmem:s10], [sflag:$0x2], $0x4000, $0x38;
	[tilespmem:$0xC600] =	vst v63  }
0x285: {  	_ =	swait.ge [sflag:s4], $0x4000  }
0x286: {  	[sflag:s4] =	ssyncset.done $0x0  }
0x287: {  	[sflag:s4] =	ssyncadd.s32 $0xFFFFC000  }
0x288: {  	[hbm4b:s14+s2] =	stream.linear.scatter [tilespmem:s9], [sflag:$0x2], $0x4000, $0x38;
	[tilespmem:$0xC600] =	vst v63  }
0x289: {  	_ =	swait.ge [sflag:s4], $0x4000  }
0x28a: {  	[sflag:s4] =	ssyncset.done $0x0  }
0x28b: {  	[sflag:s4] =	ssyncadd.s32 $0xFFFFC000  }
0x28c: {  	[hbm4b:s13+s2] =	stream.linear.scatter [tilespmem:s8], [sflag:$0x2], $0x4000, $0x38;
	[tilespmem:$0xC600] =	vst v63  }
0x28d: {  	_ =	swait.ge [sflag:s4], $0x4000  }
0x28e: {  	[sflag:s4] =	ssyncset.done $0x0  }
0x28f: {  	[sflag:s4] =	ssyncadd.s32 $0xFFFFC000  }
0x290: {  	[tilespmem:s10], [sflag:$0x1] =	stream.indirect.gather [hbm4b:s7+s12], $0x80, s16, s12, $0xb8;
	[tilespmem:$0xC600] =	vst v63  }
0x291: {  	_ = 	snop  }
0x292: {  	[tilespmem:s9], [sflag:$0x1] =	stream.indirect.gather [hbm4b:s7+s12], $0x80, s17, s12, $0xb8;
	[tilespmem:$0xC600] =	vst v63  }
0x293: {  	_ = 	snop  }
0x294: {  	[tilespmem:s8], [sflag:$0x1] =	stream.indirect.gather [hbm4b:s7+s12], $0x80, s18, s12, $0xb8;
	[tilespmem:$0xC600] =	vst v63  }
0x295: {  	_ =	swait.ge [sflag:s11], $0x4000  }
0x296: {  	[sflag:s11] =	ssyncset.done $0x0  }
0x297: {  	[sflag:s11] =	ssyncadd.s32 $0xFFFFC000  }
0x298: {  	_ =	swait.ge [sflag:s11], $0x4000  }
0x299: {  	[sflag:s11] =	ssyncset.done $0x0  }
0x29a: {  	[sflag:s11] =	ssyncadd.s32 $0xFFFFC000  }
0x29b: {  	_ =	swait.ge [sflag:s11], $0x4000  }
0x29c: {  	[sflag:s11] =	ssyncset.done $0x0  }
0x29d: {  	[sflag:s11] =	ssyncadd.s32 $0xFFFFC000  }
0x29e: {  	[hbm4b:s6+s2] =	stream.linear.scatter [tilespmem:s10], [sflag:$0x2], $0x4000, $0x38;
	[tilespmem:$0xC600] =	vst v63  }
0x29f: {  	_ =	swait.ge [sflag:s4], $0x4000  }
0x2a0: {  	[sflag:s4] =	ssyncset.done $0x0  }
0x2a1: {  	[sflag:s4] =	ssyncadd.s32 $0xFFFFC000  }
0x2a2: {  	[hbm4b:s5+s2] =	stream.linear.scatter [tilespmem:s9], [sflag:$0x2], $0x4000, $0x38;
	[tilespmem:$0xC600] =	vst v63  }
0x2a3: {  	_ =	swait.ge [sflag:s4], $0x4000  }
0x2a4: {  	[sflag:s4] =	ssyncset.done $0x0  }
0x2a5: {  	[sflag:s4] =	ssyncadd.s32 $0xFFFFC000  }
0x2a6: {  	[hbm4b:s3+s2] =	stream.linear.scatter [tilespmem:s8], [sflag:$0x2], $0x4000, $0x38;
	[tilespmem:$0xC600] =	vst v63  }
0x2a7: {  	_ =	swait.ge [sflag:s4], $0x4000  }
0x2a8: {  	[sflag:s4] =	ssyncset.done $0x0  }
0x2a9: {  	[sflag:s4] =	ssyncadd.s32 $0xFFFFC000  }
0x2aa: {  	_ =	sfence.sel $0x180000  }
0x2ab: {  	[bflag:$0x0] =	sbarrier.arrive $0xFFFF  }
0x2ac: {  	_ =	strace $0x90000047  }
0x2ad: {  	s31 =	stileid.u32;
	[bflag:$0x2] =	sbarrier.arrive $0xFFFF  }
0x2ae: {  	p0 =	sne.s32 s31, $0x0;
	s0 =	rddreg [dreg:$0x1]  }
0x2af: {  	s0 =	sadd.s32 @!p0 $0x100000, s0  }
0x2b0: {  	[sflag:s0] =	ssyncadd.tile.s32 @!p0 $0x1;
	_ =	shalt  }
.Lfunc_end2:
_tile_overlayer_lowered:
.L_overlay_start_2:
0x2b1: {  	(tag) =	ssettag $0x2  }
0x2b2: {  	s0 =	rddreg [dreg:$0x0];
	s2 =	stileid.u32  }
0x2b3: {  	s1 =	rddreg [dreg:$0x1];
	p0 =	sne.s32 s2, $0x0  }
0x2b4: {  	s3 =	rddreg [dreg:$0x2];
	[bflag:$0x3] =	sbarrier.arrive $0xFFFF;
	s2 =	simm.s32 @!p0 $0x1C02  }
0x2b5: {  	[timem:s3], [sflag:s2] =	dma.local @!p0 [hbm:s0], s1  }
0x2b6: {  	s0 =	simm.s32 @!p0 $0x2  }
0x2b7: {  	_ =	swait.ge @!p0 [sflag:s0], s1  }
0x2b8: {  	s1 =	ssub.s32 @!p0 $0x0, s1;
	[sflag:s0] =	ssyncset.done @!p0 $0x0  }
0x2b9: {  	[sflag:s0] =	ssyncadd.s32 @!p0 s1  }
0x2ba: {  	[bflag:$0x3] =	sbarrier.arrive $0xFFFF  }
0x2bb: {  	_ =	shalt  }

</sc_bundles>
